<compile_context>
chip_gen: v7x
topology: tpu7x:2x2x1
jax: 0.10.2.dev20260603
libtpu: 0.0.44.dev20260713+nightly
codegen_flags: <defaults>
</compile_context>

<pallas_src>
import functools

import jax
import jax.numpy as jnp
from jax import lax
from jax.experimental import pallas as pl
from jax.experimental.pallas import tpu as pltpu
from jax.experimental.pallas import tpu_sc as plsc

_NUM_CAPS = 8
_NITER = 3
_TAU = 1.0
_N_FOLD = 20
_DD = 16


def _caps_mask():
    li = lax.broadcasted_iota(jnp.int32, (128, 128), 0) // _DD
    lj = lax.broadcasted_iota(jnp.int32, (128, 128), 1) // _DD
    return (li == lj).astype(jnp.float32)


def _percap(x, S):
    return lax.dot_general(x, S, (((1,), (0,)), ((), ())),
                           preferred_element_type=jnp.float32)


def _normalize_rows(u, S):
    ss = _percap(u * u, S)
    return u / jnp.maximum(jnp.sqrt(ss), 1e-12)


def _norm_caps(v):
    def kern(v_ref, o_ref):
        o_ref[...] = _normalize_rows(v_ref[...], _caps_mask())
    return pl.pallas_call(
        kern, out_shape=jax.ShapeDtypeStruct(v.shape, jnp.float32))(v)


def _edge_embed(adj, xn):
    e = adj.shape[0]
    eb = 200
    def kern(a_ref, x_ref, o_ref):
        emb = jnp.dot(a_ref[...], x_ref[...],
                      preferred_element_type=jnp.float32)
        o_ref[...] = _normalize_rows(emb, _caps_mask())
    return pl.pallas_call(
        kern,
        grid=(e // eb,),
        in_specs=[
            pl.BlockSpec((eb, adj.shape[1]), lambda i: (i, 0)),
            pl.BlockSpec(xn.shape, lambda i: (0, 0)),
        ],
        out_specs=pl.BlockSpec((eb, 128), lambda i: (i, 0)),
        out_shape=jax.ShapeDtypeStruct((e, 128), jnp.float32),
    )(adj, xn)


def _sc_gather(table, idx):
    B = idx.shape[0]
    D = table.shape[1]
    info = plsc.get_sparse_core_info()
    NW = info.num_cores * info.num_subcores
    CHUNK = 128
    total = B // CHUNK
    per_w = -(-total // NW)
    mesh = plsc.VectorSubcoreMesh(core_axis_name="c", subcore_axis_name="s")

    @functools.partial(
        pl.kernel, mesh=mesh,
        out_type=jax.ShapeDtypeStruct((B, D), jnp.float32),
        scratch_types=[
            pltpu.VMEM((CHUNK,), jnp.int32),
            pltpu.VMEM((CHUNK, D), jnp.float32),
            pltpu.SemaphoreType.DMA,
        ],
    )
    def k(table_hbm, idx_hbm, out_hbm, idx_v, rows_v, sem):
        wid = lax.axis_index("s") * info.num_cores + lax.axis_index("c")

        def body(j, carry):
            t = j * NW + wid

            @pl.when(t < total)
            def _():
                base = t * CHUNK
                pltpu.sync_copy(idx_hbm.at[pl.ds(base, CHUNK)], idx_v)
                pltpu.async_copy(table_hbm.at[idx_v], rows_v, sem).wait()
                pltpu.sync_copy(rows_v, out_hbm.at[pl.ds(base, CHUNK)])
            return carry

        lax.fori_loop(0, per_w, body, 0)

    return k(table, idx)


def _phase(u_init, ids, bounds, z, jb, interpret=False):
    T = u_init.shape[0]
    nch_tot, _, MB = ids.shape
    CH = nch_tot // _N_FOLD
    NJB = T // jb

    def kern(ids_ref, b_ref, z_ref, u0_ref, out_ref, uread, uacc, ug_ref):
        it = pl.program_id(0)
        f = pl.program_id(1)
        c = pl.program_id(2)
        ci = f * CH + c
        lo = b_ref[ci, 0]
        hi = b_ref[ci, 1]

        @pl.when((it == 0) & (f == 0) & (c == 0))
        def _():
            uread[...] = u0_ref[...]
            uacc[...] = u0_ref[...]

        S = _caps_mask()
        ids_row = jnp.squeeze(ids_ref[...], axis=0)[0:1, :]
        zc = z_ref[...]

        ug_ref[...] = jnp.zeros((MB, 128), jnp.float32)
        for b in range(NJB):
            @pl.when((lo < (b + 1) * jb) & (hi >= b * jb))
            def _():
                row_iota = (lax.broadcasted_iota(jnp.int32, (jb, MB), 0)
                            + b * jb)
                ohT = (row_iota == ids_row).astype(jnp.float32)
                ub = uread[pl.ds(b * jb, jb), :]
                ug_ref[...] = ug_ref[...] + lax.dot_general(
                    ohT, ub, (((0,), (0,)), ((), ())),
                    preferred_element_type=jnp.float32)
        ug = ug_ref[...]

        logits = _percap(zc * ug, S) / _TAU
        mx = jnp.max(logits, axis=1, keepdims=True)
        ex = jnp.exp(logits - mx)
        den = jnp.sum(ex, axis=1, keepdims=True) / _DD
        msg = zc * (ex / den)

        for b in range(NJB):
            @pl.when((lo < (b + 1) * jb) & (hi >= b * jb))
            def _():
                row_iota = (lax.broadcasted_iota(jnp.int32, (jb, MB), 0)
                            + b * jb)
                ohT = (row_iota == ids_row).astype(jnp.float32)
                upd = lax.dot_general(ohT, msg, (((1,), (0,)), ((), ())),
                                      preferred_element_type=jnp.float32)
                uacc[pl.ds(b * jb, jb), :] = uacc[pl.ds(b * jb, jb), :] + upd

        @pl.when(c == CH - 1)
        def _():
            @pl.when(f == _N_FOLD - 1)
            def _():
                uacc[...] = _normalize_rows(uacc[...], S)
            uread[...] = uacc[...]

        @pl.when((it == _NITER - 1) & (f == _N_FOLD - 1) & (c == CH - 1))
        def _():
            out_ref[...] = uacc[...]

    return pl.pallas_call(
        kern,
        grid=(_NITER, _N_FOLD, CH),
        in_specs=[
            pl.BlockSpec((1, 8, MB), lambda it, f, c: (f * CH + c, 0, 0)),
            pl.BlockSpec(memory_space=pltpu.SMEM),
            pl.BlockSpec((MB, 128), lambda it, f, c: (f * CH + c, 0)),
            pl.BlockSpec((T, 128), lambda it, f, c: (0, 0)),
        ],
        out_specs=pl.BlockSpec((T, 128), lambda it, f, c: (0, 0)),
        out_shape=jax.ShapeDtypeStruct((T, 128), jnp.float32),
        scratch_shapes=[
            pltpu.VMEM((T, 128), jnp.float32),
            pltpu.VMEM((T, 128), jnp.float32),
            pltpu.VMEM((MB, 128), jnp.float32),
        ],
        interpret=interpret,
    )(ids, bounds, z, u_init)


_MB = 1000


def _chunk_ids(v):
    c = v.reshape(-1, 1, _MB)
    rep = jnp.broadcast_to(c, (c.shape[0], 8, _MB)).astype(jnp.int32)
    c2 = c[:, 0, :]
    bounds = jnp.stack([jnp.min(c2, axis=1), jnp.max(c2, axis=1)], axis=1)
    return rep, bounds.astype(jnp.int32)


def kernel(x, adjacency, edge_node):
    n = x.shape[0]
    e = adjacency.shape[0]

    edge_es = edge_node[0]
    node_es = edge_node[1]
    perm = jnp.argsort(node_es)
    node_ns = node_es[perm]
    edge_ns = edge_es[perm]

    xn = _norm_caps(x)
    u0 = _edge_embed(adjacency, xn)

    ef = edge_es.reshape(_N_FOLD, -1)
    pf = jnp.argsort(ef, axis=1)
    edge_es_s = jnp.take_along_axis(ef, pf, axis=1).reshape(-1)
    node_es_s = jnp.take_along_axis(
        node_es.reshape(_N_FOLD, -1), pf, axis=1).reshape(-1)

    z1 = _sc_gather(xn, node_es_s)
    ids1, bnd1 = _chunk_ids(edge_es_s)
    u_edge = _phase(u0, ids1, bnd1, z1, jb=400)

    z2 = _sc_gather(u_edge, edge_ns)
    ids2, bnd2 = _chunk_ids(node_ns)
    u_node = _phase(xn, ids2, bnd2, z2, jb=500)

    return (u_node, u_edge)

# --- scband reference (transcript-rebuilt; emitter-appended) ---
"""Pipeline reference for scband-neib-rout-layer-37160057045568 (READ-ONLY COPY).

The authoritative reference and input builder live on the scoring server;
editing this copy changes nothing except your own understanding.
"""

import jax, jax.numpy as jnp
import numpy as np

NUM_CAPS = 8
NITER = 3
TAU = 1.0
N_FOLD = 20
N_NODES = 10000
N_HYPEREDGES = 2000
D_FEAT = 128
M_ALL = 160000


def _normalize(v, axis):
    nrm = jnp.linalg.norm(v, axis=axis, keepdims=True)
    return v / jnp.maximum(nrm, 1e-12)


def setup_inputs(seed: int = 0) -> dict:
    key = jax.random.key(seed)
    k1, k2, k3 = jax.random.split(key, 3)
    x = jax.random.normal(k1, (N_NODES, D_FEAT), dtype=jnp.float32)
    adjacency = jax.random.uniform(k2, (N_HYPEREDGES, N_NODES), dtype=jnp.float32)
    edge_node = jax.random.randint(k3, (2, M_ALL), 0, N_HYPEREDGES, dtype=jnp.int32)
    return {"x": x, "adjacency": adjacency, "edge_node": edge_node}


def _forward(x, adjacency, edge_node):
    m_all = edge_node.shape[1]
    edge_all_edgesort = edge_node[0]
    node_all_edgesort = edge_node[1]
    indices_nodesort = jnp.argsort(node_all_edgesort)
    node_all_nodesort = node_all_edgesort[indices_nodesort]
    edge_all_nodesort = edge_all_edgesort[indices_nodesort]
    n, d = x.shape
    e = adjacency.shape[0]
    k, delta_d = NUM_CAPS, d // NUM_CAPS
    x = _normalize(x.reshape(n, k, delta_d), 2).reshape(n, d)
    edge_embeddings = jnp.matmul(adjacency, x)
    edge_embeddings = _normalize(edge_embeddings.reshape(e, k, delta_d), 2).reshape(e, d)
    fold_len = m_all // N_FOLD
    u_edge_all = edge_embeddings
    for clus_iter in range(NITER):
        for i_fold in range(N_FOLD):
            start = i_fold * fold_len
            end = m_all if i_fold == N_FOLD - 1 else (i_fold + 1) * fold_len
            edge = edge_all_edgesort[start:end]
            node = node_all_edgesort[start:end]
            m = edge.shape[0]
            z_node = x[node].reshape(m, k, delta_d)
            p = (z_node * u_edge_all[edge].reshape(m, k, delta_d)).sum(axis=2)
            p = jax.nn.softmax(p / TAU, axis=1)
            scatter_node = (z_node * p[:, :, None]).reshape(m, d)
            u_edge = jnp.zeros((e, d), dtype=x.dtype).at[edge].add(scatter_node)
            u_edge_all = u_edge_all + u_edge
        u_edge_all = _normalize(u_edge_all.reshape(e, k, delta_d), 2).reshape(e, d)
    u_node_all = x
    for clus_iter in range(NITER):
        for i_fold in range(N_FOLD):
            start = i_fold * fold_len
            end = m_all if i_fold == N_FOLD - 1 else (i_fold + 1) * fold_len
            edge = edge_all_nodesort[start:end]
            node = node_all_nodesort[start:end]
            m = edge.shape[0]
            z_edge = u_edge_all[edge].reshape(m, k, delta_d)
            p = (z_edge * u_node_all[node].reshape(m, k, delta_d)).sum(axis=2)
            p = jax.nn.softmax(p / TAU, axis=1)
            scatter_edge = (z_edge * p[:, :, None]).reshape(m, d)
            u_node = jnp.zeros((n, d), dtype=x.dtype).at[node].add(scatter_edge)
            u_node_all = u_node_all + u_node
        u_node_all = _normalize(u_node_all.reshape(n, k, delta_d), 2).reshape(n, d)
    return (u_node_all, u_edge_all)


def reference(x, adjacency, edge_node):
    return _forward(x, adjacency, edge_node)

if __name__ == "__main__":
    import jax
    _d = setup_inputs()
    print(jax.jit(kernel)(*tuple(_d.values())))

</pallas_src>

<mosaic_0001>
#map = affine_map<(d0, d1) -> (0, 0)>
#map1 = affine_map<(d0, d1) -> (0)>
module attributes {stable_mosaic.version = 14 : i64} {
  func.func @k(%arg0: i32, %arg1: i32, %arg2: memref<10000x128xf32, #tpu.memory_space<hbm>>, %arg3: memref<160000xi32, #tpu.memory_space<hbm>>, %arg4: memref<160000x128xf32, #tpu.memory_space<hbm>>, %arg5: memref<128xi32, #tpu.memory_space<vmem>>, %arg6: memref<128x128xf32, #tpu.memory_space<vmem>>, %arg7: memref<!tpu.dma_semaphore, #tpu.memory_space<semaphore_mem>>) attributes {dimension_semantics = [#tpu.dimension_semantics<core_parallel>, #tpu.dimension_semantics<subcore_parallel>], iteration_bounds = array<i64: 2, 16>, scalar_prefetch = 0 : i64, scratch_operands = 3 : i64, tpu.core_type = #tpu.core_type<sc_vector_subcore>, window_params = [{transform_indices = #map}, {transform_indices = #map1}, {transform_indices = #map}]} {
    %mul3A = arith.constant 2 : i32
    %mul3A_0 = arith.muli %arg1, %mul3A : i32
    %add3A = arith.addi %mul3A_0, %arg0 : i32
    %scan3A = arith.constant 0 : i32
    %scan3A_1 = arith.constant 0 : i32
    %scan3A_2 = arith.constant 40 : i32
    %scan3A_3 = arith.addi %scan3A_1, %scan3A_2 : i32
    %scan3A_4 = arith.constant 1 : i32
    scf.for %scan3A_6 = %scan3A_1 to %scan3A_3 step %scan3A_4  : i32 {
      %mul3A_7 = arith.constant 32 : i32
      %mul3A_8 = arith.muli %scan3A_6, %mul3A_7 : i32
      %add3A_9 = arith.addi %mul3A_8, %add3A : i32
      %lt3A = arith.constant 1250 : i32
      %lt3A_10 = arith.cmpi slt, %add3A_9, %lt3A : i32
      %convert_element_type3A = arith.extui %lt3A_10 : i1 to i32
      %cond3A = arith.constant 0 : i32
      %cond3A_11 = arith.cmpi ne, %convert_element_type3A, %cond3A : i32
      scf.if %cond3A_11 {
        %mul3A_12 = arith.constant 128 : i32
        %mul3A_13 = arith.muli %add3A_9, %mul3A_12 : i32
        "tpu.region"() ({
          %run_scoped3A = tpu.sem_alloc : memref<!tpu.dma_semaphore, #tpu.memory_space<semaphore_mem>>
          %dma_start3A_18 = tpu.memref_slice %arg3[%mul3A_13] : memref<160000xi32, #tpu.memory_space<hbm>> -> memref<128xi32, #tpu.memory_space<hbm>>
          %dma_start3A_19 = tpu.memref_slice %arg3[%mul3A_13] : memref<160000xi32, #tpu.memory_space<hbm>> -> memref<128xi32, #tpu.memory_space<hbm>>
          tpu.enqueue_dma source(%dma_start3A_19 : memref<128xi32, #tpu.memory_space<hbm>>) target(%arg5 : memref<128xi32, #tpu.memory_space<vmem>>) target_semaphore(%run_scoped3A : memref<!tpu.dma_semaphore, #tpu.memory_space<semaphore_mem>>)
          %dma_wait3A_20 = tpu.memref_slice %arg3[%mul3A_13] : memref<160000xi32, #tpu.memory_space<hbm>> -> memref<128xi32, #tpu.memory_space<hbm>>
          %dma_wait3A_21 = tpu.memref_slice %arg3[%mul3A_13] : memref<160000xi32, #tpu.memory_space<hbm>> -> memref<128xi32, #tpu.memory_space<hbm>>
          tpu.wait_dma2 semaphore(%run_scoped3A : memref<!tpu.dma_semaphore, #tpu.memory_space<semaphore_mem>>) src(%dma_wait3A_21 : memref<128xi32, #tpu.memory_space<hbm>>) dst(%arg5 : memref<128xi32, #tpu.memory_space<vmem>>)
          tpu.yield
        }) : () -> ()
        %dma_start3A = arith.constant 0 : i32
        %dma_start3A_14 = arith.constant 0 : i32
        %dma_start3A_15 = tpu.memref_slice %arg2[%dma_start3A, %dma_start3A_14] : memref<10000x128xf32, #tpu.memory_space<hbm>> -> memref<10000x128xf32, #tpu.memory_space<hbm>>
        tpu.enqueue_indirect_dma source(%dma_start3A_15 : memref<10000x128xf32, #tpu.memory_space<hbm>>) target(%arg6 : memref<128x128xf32, #tpu.memory_space<vmem>>) offsets(%arg5 : memref<128xi32, #tpu.memory_space<vmem>>) semaphore(%arg7 : memref<!tpu.dma_semaphore, #tpu.memory_space<semaphore_mem>>)
        %dma_wait3A = arith.constant 0 : i32
        %dma_wait3A_16 = arith.constant 0 : i32
        %dma_wait3A_17 = tpu.memref_slice %arg2[%dma_wait3A, %dma_wait3A_16] : memref<10000x128xf32, #tpu.memory_space<hbm>> -> memref<10000x128xf32, #tpu.memory_space<hbm>>
        tpu.wait_indirect_dma semaphore(%arg7 : memref<!tpu.dma_semaphore, #tpu.memory_space<semaphore_mem>>) src(%dma_wait3A_17 : memref<10000x128xf32, #tpu.memory_space<hbm>>) dst(%arg6 : memref<128x128xf32, #tpu.memory_space<vmem>>)
        "tpu.region"() ({
          %run_scoped3A = tpu.sem_alloc : memref<!tpu.dma_semaphore, #tpu.memory_space<semaphore_mem>>
          %dma_start3A_18 = arith.constant 0 : i32
          %dma_start3A_19 = tpu.memref_slice %arg4[%mul3A_13, %dma_start3A_18] : memref<160000x128xf32, #tpu.memory_space<hbm>> -> memref<128x128xf32, #tpu.memory_space<hbm>>
          %dma_start3A_20 = arith.constant 0 : i32
          %dma_start3A_21 = tpu.memref_slice %arg4[%mul3A_13, %dma_start3A_20] : memref<160000x128xf32, #tpu.memory_space<hbm>> -> memref<128x128xf32, #tpu.memory_space<hbm>>
          tpu.enqueue_dma source(%arg6 : memref<128x128xf32, #tpu.memory_space<vmem>>) target(%dma_start3A_21 : memref<128x128xf32, #tpu.memory_space<hbm>>) target_semaphore(%run_scoped3A : memref<!tpu.dma_semaphore, #tpu.memory_space<semaphore_mem>>)
          %dma_wait3A_22 = arith.constant 0 : i32
          %dma_wait3A_23 = tpu.memref_slice %arg4[%mul3A_13, %dma_wait3A_22] : memref<160000x128xf32, #tpu.memory_space<hbm>> -> memref<128x128xf32, #tpu.memory_space<hbm>>
          %dma_wait3A_24 = arith.constant 0 : i32
          %dma_wait3A_25 = tpu.memref_slice %arg4[%mul3A_13, %dma_wait3A_24] : memref<160000x128xf32, #tpu.memory_space<hbm>> -> memref<128x128xf32, #tpu.memory_space<hbm>>
          tpu.wait_dma2 semaphore(%run_scoped3A : memref<!tpu.dma_semaphore, #tpu.memory_space<semaphore_mem>>) src(%arg6 : memref<128x128xf32, #tpu.memory_space<vmem>>) dst(%dma_wait3A_25 : memref<128x128xf32, #tpu.memory_space<hbm>>)
          tpu.yield
        }) : () -> ()
      } else {
      }
    }
    %scan3A_5 = arith.constant 40 : i32
    return
  }
}

#map = affine_map<(d0, d1) -> (0, 0)>
#map1 = affine_map<(d0, d1) -> (0)>
module attributes {stable_mosaic.version = 14 : i64} {
  func.func @k(%arg0: i32, %arg1: i32, %arg2: memref<2000x128xf32, #tpu.memory_space<hbm>>, %arg3: memref<160000xi32, #tpu.memory_space<hbm>>, %arg4: memref<160000x128xf32, #tpu.memory_space<hbm>>, %arg5: memref<128xi32, #tpu.memory_space<vmem>>, %arg6: memref<128x128xf32, #tpu.memory_space<vmem>>, %arg7: memref<!tpu.dma_semaphore, #tpu.memory_space<semaphore_mem>>) attributes {dimension_semantics = [#tpu.dimension_semantics<core_parallel>, #tpu.dimension_semantics<subcore_parallel>], iteration_bounds = array<i64: 2, 16>, scalar_prefetch = 0 : i64, scratch_operands = 3 : i64, tpu.core_type = #tpu.core_type<sc_vector_subcore>, window_params = [{transform_indices = #map}, {transform_indices = #map1}, {transform_indices = #map}]} {
    %mul3A = arith.constant 2 : i32
    %mul3A_0 = arith.muli %arg1, %mul3A : i32
    %add3A = arith.addi %mul3A_0, %arg0 : i32
    %scan3A = arith.constant 0 : i32
    %scan3A_1 = arith.constant 0 : i32
    %scan3A_2 = arith.constant 40 : i32
    %scan3A_3 = arith.addi %scan3A_1, %scan3A_2 : i32
    %scan3A_4 = arith.constant 1 : i32
    scf.for %scan3A_6 = %scan3A_1 to %scan3A_3 step %scan3A_4  : i32 {
      %mul3A_7 = arith.constant 32 : i32
      %mul3A_8 = arith.muli %scan3A_6, %mul3A_7 : i32
      %add3A_9 = arith.addi %mul3A_8, %add3A : i32
      %lt3A = arith.constant 1250 : i32
      %lt3A_10 = arith.cmpi slt, %add3A_9, %lt3A : i32
      %convert_element_type3A = arith.extui %lt3A_10 : i1 to i32
      %cond3A = arith.constant 0 : i32
      %cond3A_11 = arith.cmpi ne, %convert_element_type3A, %cond3A : i32
      scf.if %cond3A_11 {
        %mul3A_12 = arith.constant 128 : i32
        %mul3A_13 = arith.muli %add3A_9, %mul3A_12 : i32
        "tpu.region"() ({
          %run_scoped3A = tpu.sem_alloc : memref<!tpu.dma_semaphore, #tpu.memory_space<semaphore_mem>>
          %dma_start3A_18 = tpu.memref_slice %arg3[%mul3A_13] : memref<160000xi32, #tpu.memory_space<hbm>> -> memref<128xi32, #tpu.memory_space<hbm>>
          %dma_start3A_19 = tpu.memref_slice %arg3[%mul3A_13] : memref<160000xi32, #tpu.memory_space<hbm>> -> memref<128xi32, #tpu.memory_space<hbm>>
          tpu.enqueue_dma source(%dma_start3A_19 : memref<128xi32, #tpu.memory_space<hbm>>) target(%arg5 : memref<128xi32, #tpu.memory_space<vmem>>) target_semaphore(%run_scoped3A : memref<!tpu.dma_semaphore, #tpu.memory_space<semaphore_mem>>)
          %dma_wait3A_20 = tpu.memref_slice %arg3[%mul3A_13] : memref<160000xi32, #tpu.memory_space<hbm>> -> memref<128xi32, #tpu.memory_space<hbm>>
          %dma_wait3A_21 = tpu.memref_slice %arg3[%mul3A_13] : memref<160000xi32, #tpu.memory_space<hbm>> -> memref<128xi32, #tpu.memory_space<hbm>>
          tpu.wait_dma2 semaphore(%run_scoped3A : memref<!tpu.dma_semaphore, #tpu.memory_space<semaphore_mem>>) src(%dma_wait3A_21 : memref<128xi32, #tpu.memory_space<hbm>>) dst(%arg5 : memref<128xi32, #tpu.memory_space<vmem>>)
          tpu.yield
        }) : () -> ()
        %dma_start3A = arith.constant 0 : i32
        %dma_start3A_14 = arith.constant 0 : i32
        %dma_start3A_15 = tpu.memref_slice %arg2[%dma_start3A, %dma_start3A_14] : memref<2000x128xf32, #tpu.memory_space<hbm>> -> memref<2000x128xf32, #tpu.memory_space<hbm>>
        tpu.enqueue_indirect_dma source(%dma_start3A_15 : memref<2000x128xf32, #tpu.memory_space<hbm>>) target(%arg6 : memref<128x128xf32, #tpu.memory_space<vmem>>) offsets(%arg5 : memref<128xi32, #tpu.memory_space<vmem>>) semaphore(%arg7 : memref<!tpu.dma_semaphore, #tpu.memory_space<semaphore_mem>>)
        %dma_wait3A = arith.constant 0 : i32
        %dma_wait3A_16 = arith.constant 0 : i32
        %dma_wait3A_17 = tpu.memref_slice %arg2[%dma_wait3A, %dma_wait3A_16] : memref<2000x128xf32, #tpu.memory_space<hbm>> -> memref<2000x128xf32, #tpu.memory_space<hbm>>
        tpu.wait_indirect_dma semaphore(%arg7 : memref<!tpu.dma_semaphore, #tpu.memory_space<semaphore_mem>>) src(%dma_wait3A_17 : memref<2000x128xf32, #tpu.memory_space<hbm>>) dst(%arg6 : memref<128x128xf32, #tpu.memory_space<vmem>>)
        "tpu.region"() ({
          %run_scoped3A = tpu.sem_alloc : memref<!tpu.dma_semaphore, #tpu.memory_space<semaphore_mem>>
          %dma_start3A_18 = arith.constant 0 : i32
          %dma_start3A_19 = tpu.memref_slice %arg4[%mul3A_13, %dma_start3A_18] : memref<160000x128xf32, #tpu.memory_space<hbm>> -> memref<128x128xf32, #tpu.memory_space<hbm>>
          %dma_start3A_20 = arith.constant 0 : i32
          %dma_start3A_21 = tpu.memref_slice %arg4[%mul3A_13, %dma_start3A_20] : memref<160000x128xf32, #tpu.memory_space<hbm>> -> memref<128x128xf32, #tpu.memory_space<hbm>>
          tpu.enqueue_dma source(%arg6 : memref<128x128xf32, #tpu.memory_space<vmem>>) target(%dma_start3A_21 : memref<128x128xf32, #tpu.memory_space<hbm>>) target_semaphore(%run_scoped3A : memref<!tpu.dma_semaphore, #tpu.memory_space<semaphore_mem>>)
          %dma_wait3A_22 = arith.constant 0 : i32
          %dma_wait3A_23 = tpu.memref_slice %arg4[%mul3A_13, %dma_wait3A_22] : memref<160000x128xf32, #tpu.memory_space<hbm>> -> memref<128x128xf32, #tpu.memory_space<hbm>>
          %dma_wait3A_24 = arith.constant 0 : i32
          %dma_wait3A_25 = tpu.memref_slice %arg4[%mul3A_13, %dma_wait3A_24] : memref<160000x128xf32, #tpu.memory_space<hbm>> -> memref<128x128xf32, #tpu.memory_space<hbm>>
          tpu.wait_dma2 semaphore(%run_scoped3A : memref<!tpu.dma_semaphore, #tpu.memory_space<semaphore_mem>>) src(%arg6 : memref<128x128xf32, #tpu.memory_space<vmem>>) dst(%dma_wait3A_25 : memref<128x128xf32, #tpu.memory_space<hbm>>)
          tpu.yield
        }) : () -> ()
      } else {
      }
    }
    %scan3A_5 = arith.constant 40 : i32
    return
  }
}

module attributes {stable_mosaic.version = 14 : i64} {
  func.func @kern(%arg0: memref<10000x128xf32, #tpu.memory_space<vmem>>, %arg1: memref<10000x128xf32, #tpu.memory_space<vmem>>) attributes {dimension_semantics = [], scalar_prefetch = 0 : i64, scratch_operands = 0 : i64, tpu.core_type = #tpu.core_type<tc>} {
    %get3A = arith.constant 0 : index
    %get3A_0 = arith.constant 0 : index
    %get3A_1 = vector.load %arg0[%get3A, %get3A_0] : memref<10000x128xf32, #tpu.memory_space<vmem>>, vector<10000x128xf32>
    %iota3A = tpu.iota {dimensions = array<i32: 0>} : vector<128x128xi32>
    %jit3A = arith.constant 16 : i32
    %div3A = vector.broadcast %jit3A : i32 to vector<128x128xi32>
    %div3A_2 = arith.divsi %iota3A, %div3A : vector<128x128xi32>
    %sign3A = arith.constant 0 : i32
    %sign3A_3 = vector.broadcast %sign3A : i32 to vector<128x128xi32>
    %sign3A_4 = arith.cmpi sgt, %iota3A, %sign3A_3 : vector<128x128xi32>
    %sign3A_5 = arith.extui %sign3A_4 : vector<128x128xi1> to vector<128x128xi32>
    %sign3A_6 = arith.constant 0 : i32
    %sign3A_7 = vector.broadcast %sign3A_6 : i32 to vector<128x128xi32>
    %sign3A_8 = arith.cmpi slt, %iota3A, %sign3A_7 : vector<128x128xi32>
    %sign3A_9 = arith.extui %sign3A_8 : vector<128x128xi1> to vector<128x128xi32>
    %sign3A_10 = arith.subi %sign3A_5, %sign3A_9 : vector<128x128xi32>
    %sign3A_11 = arith.constant 0 : i32
    %sign3A_12 = arith.cmpi sgt, %jit3A, %sign3A_11 : i32
    %sign3A_13 = arith.extui %sign3A_12 : i1 to i32
    %sign3A_14 = arith.constant 0 : i32
    %sign3A_15 = arith.cmpi slt, %jit3A, %sign3A_14 : i32
    %sign3A_16 = arith.extui %sign3A_15 : i1 to i32
    %sign3A_17 = arith.subi %sign3A_13, %sign3A_16 : i32
    %ne3A = vector.broadcast %sign3A_17 : i32 to vector<128x128xi32>
    %ne3A_18 = arith.cmpi ne, %sign3A_10, %ne3A : vector<128x128xi32>
    %rem3A = vector.broadcast %jit3A : i32 to vector<128x128xi32>
    %rem3A_19 = arith.remsi %iota3A, %rem3A : vector<128x128xi32>
    %ne3A_20 = arith.constant 0 : i32
    %ne3A_21 = vector.broadcast %ne3A_20 : i32 to vector<128x128xi32>
    %ne3A_22 = arith.cmpi ne, %rem3A_19, %ne3A_21 : vector<128x128xi32>
    %and3A = arith.andi %ne3A_18, %ne3A_22 : vector<128x128xi1>
    %sub3A = arith.constant 1 : i32
    %sub3A_23 = vector.broadcast %sub3A : i32 to vector<128x128xi32>
    %sub3A_24 = arith.subi %div3A_2, %sub3A_23 : vector<128x128xi32>
    %select_n3A = arith.select %and3A, %sub3A_24, %div3A_2 : vector<128x128xi1>, vector<128x128xi32>
    %iota3A_25 = tpu.iota {dimensions = array<i32: 1>} : vector<128x128xi32>
    %jit3A_26 = arith.constant 16 : i32
    %div3A_27 = vector.broadcast %jit3A_26 : i32 to vector<128x128xi32>
    %div3A_28 = arith.divsi %iota3A_25, %div3A_27 : vector<128x128xi32>
    %sign3A_29 = arith.constant 0 : i32
    %sign3A_30 = vector.broadcast %sign3A_29 : i32 to vector<128x128xi32>
    %sign3A_31 = arith.cmpi sgt, %iota3A_25, %sign3A_30 : vector<128x128xi32>
    %sign3A_32 = arith.extui %sign3A_31 : vector<128x128xi1> to vector<128x128xi32>
    %sign3A_33 = arith.constant 0 : i32
    %sign3A_34 = vector.broadcast %sign3A_33 : i32 to vector<128x128xi32>
    %sign3A_35 = arith.cmpi slt, %iota3A_25, %sign3A_34 : vector<128x128xi32>
    %sign3A_36 = arith.extui %sign3A_35 : vector<128x128xi1> to vector<128x128xi32>
    %sign3A_37 = arith.subi %sign3A_32, %sign3A_36 : vector<128x128xi32>
    %sign3A_38 = arith.constant 0 : i32
    %sign3A_39 = arith.cmpi sgt, %jit3A_26, %sign3A_38 : i32
    %sign3A_40 = arith.extui %sign3A_39 : i1 to i32
    %sign3A_41 = arith.constant 0 : i32
    %sign3A_42 = arith.cmpi slt, %jit3A_26, %sign3A_41 : i32
    %sign3A_43 = arith.extui %sign3A_42 : i1 to i32
    %sign3A_44 = arith.subi %sign3A_40, %sign3A_43 : i32
    %ne3A_45 = vector.broadcast %sign3A_44 : i32 to vector<128x128xi32>
    %ne3A_46 = arith.cmpi ne, %sign3A_37, %ne3A_45 : vector<128x128xi32>
    %rem3A_47 = vector.broadcast %jit3A_26 : i32 to vector<128x128xi32>
    %rem3A_48 = arith.remsi %iota3A_25, %rem3A_47 : vector<128x128xi32>
    %ne3A_49 = arith.constant 0 : i32
    %ne3A_50 = vector.broadcast %ne3A_49 : i32 to vector<128x128xi32>
    %ne3A_51 = arith.cmpi ne, %rem3A_48, %ne3A_50 : vector<128x128xi32>
    %and3A_52 = arith.andi %ne3A_46, %ne3A_51 : vector<128x128xi1>
    %sub3A_53 = arith.constant 1 : i32
    %sub3A_54 = vector.broadcast %sub3A_53 : i32 to vector<128x128xi32>
    %sub3A_55 = arith.subi %div3A_28, %sub3A_54 : vector<128x128xi32>
    %select_n3A_56 = arith.select %and3A_52, %sub3A_55, %div3A_28 : vector<128x128xi1>, vector<128x128xi32>
    %eq3A = arith.cmpi eq, %select_n3A, %select_n3A_56 : vector<128x128xi32>
    %convert_element_type3A = arith.extui %eq3A : vector<128x128xi1> to vector<128x128xi32>
    %convert_element_type3A_57 = arith.sitofp %convert_element_type3A : vector<128x128xi32> to vector<128x128xf32>
    %mul3A = arith.mulf %get3A_1, %get3A_1 : vector<10000x128xf32>
    %dot_general3A = arith.constant dense<0.000000e+00> : vector<10000x128xf32>
    %dot_general3A_58 = tpu.matmul %mul3A, %convert_element_type3A_57, %dot_general3A {dimension_numbers = #tpu.dot_dimension_numbers<[1], [0], [0], [1], [0, 0, 1, 1], [], []>, transpose_lhs_hint = false} : vector<10000x128xf32>, vector<128x128xf32>, vector<10000x128xf32> -> vector<10000x128xf32>
    %sqrt3A = math.sqrt %dot_general3A_58 : vector<10000x128xf32>
    %max3A = arith.constant 9.99999996E-13 : f32
    %max3A_59 = vector.broadcast %max3A : f32 to vector<10000x128xf32>
    %max3A_60 = arith.maximumf %sqrt3A, %max3A_59 : vector<10000x128xf32>
    %div3A_61 = arith.divf %get3A_1, %max3A_60 : vector<10000x128xf32>
    %swap3A = arith.constant 0 : index
    %swap3A_62 = arith.constant 0 : index
    %swap3A_63 = vector.load %arg1[%swap3A, %swap3A_62] : memref<10000x128xf32, #tpu.memory_space<vmem>>, vector<10000x128xf32>
    tpu.vector_store %arg1[%swap3A, %swap3A_62], %div3A_61 {strides = array<i32>} : memref<10000x128xf32, #tpu.memory_space<vmem>>, vector<10000x128xf32>,
    return
  }
}

module attributes {stable_mosaic.version = 14 : i64} {
  func.func @kern(%arg0: i32, %arg1: memref<200x10000xf32, #tpu.memory_space<vmem>>, %arg2: memref<10000x128xf32, #tpu.memory_space<vmem>>, %arg3: memref<200x128xf32, #tpu.memory_space<vmem>>) attributes {dimension_semantics = [#tpu.dimension_semantics<arbitrary>], iteration_bounds = array<i64: 10>, scalar_prefetch = 0 : i64, scratch_operands = 0 : i64, tpu.core_type = #tpu.core_type<tc>, window_params = [{transform_indices = @transform_0, window_bounds = array<i64: 200, 10000>}, {pipeline_mode = #tpu.pipeline_mode<synchronous>, transform_indices = @transform_1, window_bounds = array<i64: 10000, 128>}, {transform_indices = @transform_2, window_bounds = array<i64: 200, 128>}]} {
    %get3A = arith.constant 0 : index
    %get3A_0 = arith.constant 0 : index
    %get3A_1 = vector.load %arg1[%get3A, %get3A_0] : memref<200x10000xf32, #tpu.memory_space<vmem>>, vector<200x10000xf32>
    %get3A_2 = arith.constant 0 : index
    %get3A_3 = arith.constant 0 : index
    %get3A_4 = vector.load %arg2[%get3A_2, %get3A_3] : memref<10000x128xf32, #tpu.memory_space<vmem>>, vector<10000x128xf32>
    %dot_general3A = arith.constant dense<0.000000e+00> : vector<200x128xf32>
    %dot_general3A_5 = tpu.matmul %get3A_1, %get3A_4, %dot_general3A {dimension_numbers = #tpu.dot_dimension_numbers<[1], [0], [0], [1], [0, 0, 1, 1], [], []>, transpose_lhs_hint = false} : vector<200x10000xf32>, vector<10000x128xf32>, vector<200x128xf32> -> vector<200x128xf32>
    %iota3A = tpu.iota {dimensions = array<i32: 0>} : vector<128x128xi32>
    %jit3A = arith.constant 16 : i32
    %div3A = vector.broadcast %jit3A : i32 to vector<128x128xi32>
    %div3A_6 = arith.divsi %iota3A, %div3A : vector<128x128xi32>
    %sign3A = arith.constant 0 : i32
    %sign3A_7 = vector.broadcast %sign3A : i32 to vector<128x128xi32>
    %sign3A_8 = arith.cmpi sgt, %iota3A, %sign3A_7 : vector<128x128xi32>
    %sign3A_9 = arith.extui %sign3A_8 : vector<128x128xi1> to vector<128x128xi32>
    %sign3A_10 = arith.constant 0 : i32
    %sign3A_11 = vector.broadcast %sign3A_10 : i32 to vector<128x128xi32>
    %sign3A_12 = arith.cmpi slt, %iota3A, %sign3A_11 : vector<128x128xi32>
    %sign3A_13 = arith.extui %sign3A_12 : vector<128x128xi1> to vector<128x128xi32>
    %sign3A_14 = arith.subi %sign3A_9, %sign3A_13 : vector<128x128xi32>
    %sign3A_15 = arith.constant 0 : i32
    %sign3A_16 = arith.cmpi sgt, %jit3A, %sign3A_15 : i32
    %sign3A_17 = arith.extui %sign3A_16 : i1 to i32
    %sign3A_18 = arith.constant 0 : i32
    %sign3A_19 = arith.cmpi slt, %jit3A, %sign3A_18 : i32
    %sign3A_20 = arith.extui %sign3A_19 : i1 to i32
    %sign3A_21 = arith.subi %sign3A_17, %sign3A_20 : i32
    %ne3A = vector.broadcast %sign3A_21 : i32 to vector<128x128xi32>
    %ne3A_22 = arith.cmpi ne, %sign3A_14, %ne3A : vector<128x128xi32>
    %rem3A = vector.broadcast %jit3A : i32 to vector<128x128xi32>
    %rem3A_23 = arith.remsi %iota3A, %rem3A : vector<128x128xi32>
    %ne3A_24 = arith.constant 0 : i32
    %ne3A_25 = vector.broadcast %ne3A_24 : i32 to vector<128x128xi32>
    %ne3A_26 = arith.cmpi ne, %rem3A_23, %ne3A_25 : vector<128x128xi32>
    %and3A = arith.andi %ne3A_22, %ne3A_26 : vector<128x128xi1>
    %sub3A = arith.constant 1 : i32
    %sub3A_27 = vector.broadcast %sub3A : i32 to vector<128x128xi32>
    %sub3A_28 = arith.subi %div3A_6, %sub3A_27 : vector<128x128xi32>
    %select_n3A = arith.select %and3A, %sub3A_28, %div3A_6 : vector<128x128xi1>, vector<128x128xi32>
    %iota3A_29 = tpu.iota {dimensions = array<i32: 1>} : vector<128x128xi32>
    %jit3A_30 = arith.constant 16 : i32
    %div3A_31 = vector.broadcast %jit3A_30 : i32 to vector<128x128xi32>
    %div3A_32 = arith.divsi %iota3A_29, %div3A_31 : vector<128x128xi32>
    %sign3A_33 = arith.constant 0 : i32
    %sign3A_34 = vector.broadcast %sign3A_33 : i32 to vector<128x128xi32>
    %sign3A_35 = arith.cmpi sgt, %iota3A_29, %sign3A_34 : vector<128x128xi32>
    %sign3A_36 = arith.extui %sign3A_35 : vector<128x128xi1> to vector<128x128xi32>
    %sign3A_37 = arith.constant 0 : i32
    %sign3A_38 = vector.broadcast %sign3A_37 : i32 to vector<128x128xi32>
    %sign3A_39 = arith.cmpi slt, %iota3A_29, %sign3A_38 : vector<128x128xi32>
    %sign3A_40 = arith.extui %sign3A_39 : vector<128x128xi1> to vector<128x128xi32>
    %sign3A_41 = arith.subi %sign3A_36, %sign3A_40 : vector<128x128xi32>
    %sign3A_42 = arith.constant 0 : i32
    %sign3A_43 = arith.cmpi sgt, %jit3A_30, %sign3A_42 : i32
    %sign3A_44 = arith.extui %sign3A_43 : i1 to i32
    %sign3A_45 = arith.constant 0 : i32
    %sign3A_46 = arith.cmpi slt, %jit3A_30, %sign3A_45 : i32
    %sign3A_47 = arith.extui %sign3A_46 : i1 to i32
    %sign3A_48 = arith.subi %sign3A_44, %sign3A_47 : i32
    %ne3A_49 = vector.broadcast %sign3A_48 : i32 to vector<128x128xi32>
    %ne3A_50 = arith.cmpi ne, %sign3A_41, %ne3A_49 : vector<128x128xi32>
    %rem3A_51 = vector.broadcast %jit3A_30 : i32 to vector<128x128xi32>
    %rem3A_52 = arith.remsi %iota3A_29, %rem3A_51 : vector<128x128xi32>
    %ne3A_53 = arith.constant 0 : i32
    %ne3A_54 = vector.broadcast %ne3A_53 : i32 to vector<128x128xi32>
    %ne3A_55 = arith.cmpi ne, %rem3A_52, %ne3A_54 : vector<128x128xi32>
    %and3A_56 = arith.andi %ne3A_50, %ne3A_55 : vector<128x128xi1>
    %sub3A_57 = arith.constant 1 : i32
    %sub3A_58 = vector.broadcast %sub3A_57 : i32 to vector<128x128xi32>
    %sub3A_59 = arith.subi %div3A_32, %sub3A_58 : vector<128x128xi32>
    %select_n3A_60 = arith.select %and3A_56, %sub3A_59, %div3A_32 : vector<128x128xi1>, vector<128x128xi32>
    %eq3A = arith.cmpi eq, %select_n3A, %select_n3A_60 : vector<128x128xi32>
    %convert_element_type3A = arith.extui %eq3A : vector<128x128xi1> to vector<128x128xi32>
    %convert_element_type3A_61 = arith.sitofp %convert_element_type3A : vector<128x128xi32> to vector<128x128xf32>
    %mul3A = arith.mulf %dot_general3A_5, %dot_general3A_5 : vector<200x128xf32>
    %dot_general3A_62 = arith.constant dense<0.000000e+00> : vector<200x128xf32>
    %dot_general3A_63 = tpu.matmul %mul3A, %convert_element_type3A_61, %dot_general3A_62 {dimension_numbers = #tpu.dot_dimension_numbers<[1], [0], [0], [1], [0, 0, 1, 1], [], []>, transpose_lhs_hint = false} : vector<200x128xf32>, vector<128x128xf32>, vector<200x128xf32> -> vector<200x128xf32>
    %sqrt3A = math.sqrt %dot_general3A_63 : vector<200x128xf32>
    %max3A = arith.constant 9.99999996E-13 : f32
    %max3A_64 = vector.broadcast %max3A : f32 to vector<200x128xf32>
    %max3A_65 = arith.maximumf %sqrt3A, %max3A_64 : vector<200x128xf32>
    %div3A_66 = arith.divf %dot_general3A_5, %max3A_65 : vector<200x128xf32>
    %swap3A = arith.constant 0 : index
    %swap3A_67 = arith.constant 0 : index
    %swap3A_68 = vector.load %arg3[%swap3A, %swap3A_67] : memref<200x128xf32, #tpu.memory_space<vmem>>, vector<200x128xf32>
    tpu.vector_store %arg3[%swap3A, %swap3A_67], %div3A_66 {strides = array<i32>} : memref<200x128xf32, #tpu.memory_space<vmem>>, vector<200x128xf32>,
    return
  }
  func.func @transform_0(%arg0: i32) -> (i32, i32) {
    %c0_i32 = arith.constant 0 : i32
    %c0_i32_0 = arith.constant 0 : i32
    return %arg0, %c0_i32 : i32, i32
  }
  func.func @transform_1(%arg0: i32) -> (i32, i32) {
    %c0_i32 = arith.constant 0 : i32
    %c0_i32_0 = arith.constant 0 : i32
    %c0_i32_1 = arith.constant 0 : i32
    return %c0_i32, %c0_i32_0 : i32, i32
  }
  func.func @transform_2(%arg0: i32) -> (i32, i32) {
    %c0_i32 = arith.constant 0 : i32
    %c0_i32_0 = arith.constant 0 : i32
    return %arg0, %c0_i32 : i32, i32
  }
}

module attributes {stable_mosaic.version = 14 : i64} {
  func.func @kern(%arg0: i32, %arg1: i32, %arg2: i32, %arg3: memref<1x8x1000xi32, #tpu.memory_space<vmem>>, %arg4: memref<160x2xi32, #tpu.memory_space<smem>>, %arg5: memref<1000x128xf32, #tpu.memory_space<vmem>>, %arg6: memref<2000x128xf32, #tpu.memory_space<vmem>>, %arg7: memref<2000x128xf32, #tpu.memory_space<vmem>>, %arg8: memref<2000x128xf32, #tpu.memory_space<vmem>>, %arg9: memref<2000x128xf32, #tpu.memory_space<vmem>>, %arg10: memref<1000x128xf32, #tpu.memory_space<vmem>>) attributes {dimension_semantics = [#tpu.dimension_semantics<arbitrary>, #tpu.dimension_semantics<arbitrary>, #tpu.dimension_semantics<arbitrary>], iteration_bounds = array<i64: 3, 20, 8>, scalar_prefetch = 0 : i64, scratch_operands = 3 : i64, tpu.core_type = #tpu.core_type<tc>, window_params = [{transform_indices = @transform_0, window_bounds = array<i64: 1, 8, 1000>}, {transform_indices = @transform_1, window_bounds = array<i64: 160, 2>}, {transform_indices = @transform_2, window_bounds = array<i64: 1000, 128>}, {pipeline_mode = #tpu.pipeline_mode<synchronous>, transform_indices = @transform_3, window_bounds = array<i64: 2000, 128>}, {pipeline_mode = #tpu.pipeline_mode<synchronous>, transform_indices = @transform_4, window_bounds = array<i64: 2000, 128>}]} {
    %mul3A = arith.constant 8 : i32
    %mul3A_0 = arith.muli %arg1, %mul3A : i32
    %add3A = arith.addi %mul3A_0, %arg2 : i32
    %get3A = arith.index_cast %add3A : i32 to index
    %get3A_1 = arith.constant 0 : index
    %get3A_2 = memref.load %arg4[%get3A, %get3A_1] : memref<160x2xi32, #tpu.memory_space<smem>>
    %get3A_3 = arith.index_cast %add3A : i32 to index
    %get3A_4 = arith.constant 1 : index
    %get3A_5 = memref.load %arg4[%get3A_3, %get3A_4] : memref<160x2xi32, #tpu.memory_space<smem>>
    %eq3A = arith.constant 0 : i32
    %eq3A_6 = arith.cmpi eq, %arg0, %eq3A : i32
    %eq3A_7 = arith.constant 0 : i32
    %eq3A_8 = arith.cmpi eq, %arg1, %eq3A_7 : i32
    %and3A = arith.andi %eq3A_6, %eq3A_8 : i1
    %eq3A_9 = arith.constant 0 : i32
    %eq3A_10 = arith.cmpi eq, %arg2, %eq3A_9 : i32
    %and3A_11 = arith.andi %and3A, %eq3A_10 : i1
    %convert_element_type3A = arith.extui %and3A_11 : i1 to i32
    %cond3A = arith.constant 0 : i32
    %cond3A_12 = arith.cmpi ne, %convert_element_type3A, %cond3A : i32
    scf.if %cond3A_12 {
      %get3A_196 = arith.constant 0 : index
      %get3A_197 = arith.constant 0 : index
      %get3A_198 = vector.load %arg6[%get3A_196, %get3A_197] : memref<2000x128xf32, #tpu.memory_space<vmem>>, vector<2000x128xf32>
      %swap3A_199 = arith.constant 0 : index
      %swap3A_200 = arith.constant 0 : index
      %swap3A_201 = vector.load %arg8[%swap3A_199, %swap3A_200] : memref<2000x128xf32, #tpu.memory_space<vmem>>, vector<2000x128xf32>
      tpu.vector_store %arg8[%swap3A_199, %swap3A_200], %get3A_198 {strides = array<i32>} : memref<2000x128xf32, #tpu.memory_space<vmem>>, vector<2000x128xf32>,
      %get3A_202 = arith.constant 0 : index
      %get3A_203 = arith.constant 0 : index
      %get3A_204 = vector.load %arg6[%get3A_202, %get3A_203] : memref<2000x128xf32, #tpu.memory_space<vmem>>, vector<2000x128xf32>
      %swap3A_205 = arith.constant 0 : index
      %swap3A_206 = arith.constant 0 : index
      %swap3A_207 = vector.load %arg9[%swap3A_205, %swap3A_206] : memref<2000x128xf32, #tpu.memory_space<vmem>>, vector<2000x128xf32>
      tpu.vector_store %arg9[%swap3A_205, %swap3A_206], %get3A_204 {strides = array<i32>} : memref<2000x128xf32, #tpu.memory_space<vmem>>, vector<2000x128xf32>,
    } else {
    }
    %iota3A = tpu.iota {dimensions = array<i32: 0>} : vector<128x128xi32>
    %jit3A = arith.constant 16 : i32
    %div3A = vector.broadcast %jit3A : i32 to vector<128x128xi32>
    %div3A_13 = arith.divsi %iota3A, %div3A : vector<128x128xi32>
    %sign3A = arith.constant 0 : i32
    %sign3A_14 = vector.broadcast %sign3A : i32 to vector<128x128xi32>
    %sign3A_15 = arith.cmpi sgt, %iota3A, %sign3A_14 : vector<128x128xi32>
    %sign3A_16 = arith.extui %sign3A_15 : vector<128x128xi1> to vector<128x128xi32>
    %sign3A_17 = arith.constant 0 : i32
    %sign3A_18 = vector.broadcast %sign3A_17 : i32 to vector<128x128xi32>
    %sign3A_19 = arith.cmpi slt, %iota3A, %sign3A_18 : vector<128x128xi32>
    %sign3A_20 = arith.extui %sign3A_19 : vector<128x128xi1> to vector<128x128xi32>
    %sign3A_21 = arith.subi %sign3A_16, %sign3A_20 : vector<128x128xi32>
    %sign3A_22 = arith.constant 0 : i32
    %sign3A_23 = arith.cmpi sgt, %jit3A, %sign3A_22 : i32
    %sign3A_24 = arith.extui %sign3A_23 : i1 to i32
    %sign3A_25 = arith.constant 0 : i32
    %sign3A_26 = arith.cmpi slt, %jit3A, %sign3A_25 : i32
    %sign3A_27 = arith.extui %sign3A_26 : i1 to i32
    %sign3A_28 = arith.subi %sign3A_24, %sign3A_27 : i32
    %ne3A = vector.broadcast %sign3A_28 : i32 to vector<128x128xi32>
    %ne3A_29 = arith.cmpi ne, %sign3A_21, %ne3A : vector<128x128xi32>
    %rem3A = vector.broadcast %jit3A : i32 to vector<128x128xi32>
    %rem3A_30 = arith.remsi %iota3A, %rem3A : vector<128x128xi32>
    %ne3A_31 = arith.constant 0 : i32
    %ne3A_32 = vector.broadcast %ne3A_31 : i32 to vector<128x128xi32>
    %ne3A_33 = arith.cmpi ne, %rem3A_30, %ne3A_32 : vector<128x128xi32>
    %and3A_34 = arith.andi %ne3A_29, %ne3A_33 : vector<128x128xi1>
    %sub3A = arith.constant 1 : i32
    %sub3A_35 = vector.broadcast %sub3A : i32 to vector<128x128xi32>
    %sub3A_36 = arith.subi %div3A_13, %sub3A_35 : vector<128x128xi32>
    %select_n3A = arith.select %and3A_34, %sub3A_36, %div3A_13 : vector<128x128xi1>, vector<128x128xi32>
    %iota3A_37 = tpu.iota {dimensions = array<i32: 1>} : vector<128x128xi32>
    %jit3A_38 = arith.constant 16 : i32
    %div3A_39 = vector.broadcast %jit3A_38 : i32 to vector<128x128xi32>
    %div3A_40 = arith.divsi %iota3A_37, %div3A_39 : vector<128x128xi32>
    %sign3A_41 = arith.constant 0 : i32
    %sign3A_42 = vector.broadcast %sign3A_41 : i32 to vector<128x128xi32>
    %sign3A_43 = arith.cmpi sgt, %iota3A_37, %sign3A_42 : vector<128x128xi32>
    %sign3A_44 = arith.extui %sign3A_43 : vector<128x128xi1> to vector<128x128xi32>
    %sign3A_45 = arith.constant 0 : i32
    %sign3A_46 = vector.broadcast %sign3A_45 : i32 to vector<128x128xi32>
    %sign3A_47 = arith.cmpi slt, %iota3A_37, %sign3A_46 : vector<128x128xi32>
    %sign3A_48 = arith.extui %sign3A_47 : vector<128x128xi1> to vector<128x128xi32>
    %sign3A_49 = arith.subi %sign3A_44, %sign3A_48 : vector<128x128xi32>
    %sign3A_50 = arith.constant 0 : i32
    %sign3A_51 = arith.cmpi sgt, %jit3A_38, %sign3A_50 : i32
    %sign3A_52 = arith.extui %sign3A_51 : i1 to i32
    %sign3A_53 = arith.constant 0 : i32
    %sign3A_54 = arith.cmpi slt, %jit3A_38, %sign3A_53 : i32
    %sign3A_55 = arith.extui %sign3A_54 : i1 to i32
    %sign3A_56 = arith.subi %sign3A_52, %sign3A_55 : i32
    %ne3A_57 = vector.broadcast %sign3A_56 : i32 to vector<128x128xi32>
    %ne3A_58 = arith.cmpi ne, %sign3A_49, %ne3A_57 : vector<128x128xi32>
    %rem3A_59 = vector.broadcast %jit3A_38 : i32 to vector<128x128xi32>
    %rem3A_60 = arith.remsi %iota3A_37, %rem3A_59 : vector<128x128xi32>
    %ne3A_61 = arith.constant 0 : i32
    %ne3A_62 = vector.broadcast %ne3A_61 : i32 to vector<128x128xi32>
    %ne3A_63 = arith.cmpi ne, %rem3A_60, %ne3A_62 : vector<128x128xi32>
    %and3A_64 = arith.andi %ne3A_58, %ne3A_63 : vector<128x128xi1>
    %sub3A_65 = arith.constant 1 : i32
    %sub3A_66 = vector.broadcast %sub3A_65 : i32 to vector<128x128xi32>
    %sub3A_67 = arith.subi %div3A_40, %sub3A_66 : vector<128x128xi32>
    %select_n3A_68 = arith.select %and3A_64, %sub3A_67, %div3A_40 : vector<128x128xi1>, vector<128x128xi32>
    %eq3A_69 = arith.cmpi eq, %select_n3A, %select_n3A_68 : vector<128x128xi32>
    %convert_element_type3A_70 = arith.extui %eq3A_69 : vector<128x128xi1> to vector<128x128xi32>
    %convert_element_type3A_71 = arith.sitofp %convert_element_type3A_70 : vector<128x128xi32> to vector<128x128xf32>
    %get3A_72 = arith.constant 0 : index
    %get3A_73 = arith.constant 0 : index
    %get3A_74 = arith.constant 0 : index
    %get3A_75 = vector.load %arg3[%get3A_72, %get3A_73, %get3A_74] : memref<1x8x1000xi32, #tpu.memory_space<vmem>>, vector<1x8x1000xi32>
    %squeeze3A = vector.shape_cast %get3A_75 : vector<1x8x1000xi32> to vector<8x1000xi32>
    %slice3A = vector.extract_strided_slice %squeeze3A {offsets = [0, 0], sizes = [1, 1000], strides = [1, 1]} : vector<8x1000xi32> to vector<1x1000xi32>
    %get3A_76 = arith.constant 0 : index
    %get3A_77 = arith.constant 0 : index
    %get3A_78 = vector.load %arg5[%get3A_76, %get3A_77] : memref<1000x128xf32, #tpu.memory_space<vmem>>, vector<1000x128xf32>
    %broadcast_in_dim3A = arith.constant 0.000000e+00 : f32
    %broadcast_in_dim3A_79 = vector.broadcast %broadcast_in_dim3A : f32 to vector<1000x128xf32>
    %swap3A = arith.constant 0 : index
    %swap3A_80 = arith.constant 0 : index
    %swap3A_81 = vector.load %arg10[%swap3A, %swap3A_80] : memref<1000x128xf32, #tpu.memory_space<vmem>>, vector<1000x128xf32>
    tpu.vector_store %arg10[%swap3A, %swap3A_80], %broadcast_in_dim3A_79 {strides = array<i32>} : memref<1000x128xf32, #tpu.memory_space<vmem>>, vector<1000x128xf32>,
    %lt3A = arith.constant 400 : i32
    %lt3A_82 = arith.cmpi slt, %get3A_2, %lt3A : i32
    %ge3A = arith.constant 0 : i32
    %ge3A_83 = arith.cmpi sge, %get3A_5, %ge3A : i32
    %and3A_84 = arith.andi %lt3A_82, %ge3A_83 : i1
    %convert_element_type3A_85 = arith.extui %and3A_84 : i1 to i32
    %cond3A_86 = arith.constant 0 : i32
    %cond3A_87 = arith.cmpi ne, %convert_element_type3A_85, %cond3A_86 : i32
    scf.if %cond3A_87 {
      %iota3A_196 = tpu.iota {dimensions = array<i32: 0>} : vector<400x1000xi32>
      %add3A_197 = arith.constant 0 : i32
      %add3A_198 = vector.broadcast %add3A_197 : i32 to vector<400x1000xi32>
      %add3A_199 = arith.addi %iota3A_196, %add3A_198 : vector<400x1000xi32>
      %eq3A_200 = vector.broadcast %slice3A : vector<1x1000xi32> to vector<400x1000xi32>
      %eq3A_201 = arith.cmpi eq, %add3A_199, %eq3A_200 : vector<400x1000xi32>
      %convert_element_type3A_202 = arith.extui %eq3A_201 : vector<400x1000xi1> to vector<400x1000xi32>
      %convert_element_type3A_203 = arith.sitofp %convert_element_type3A_202 : vector<400x1000xi32> to vector<400x1000xf32>
      %get3A_204 = arith.constant 0 : index
      %get3A_205 = arith.constant 0 : index
      %get3A_206 = vector.load %arg8[%get3A_204, %get3A_205] : memref<2000x128xf32, #tpu.memory_space<vmem>>, vector<400x128xf32>
      %get3A_207 = arith.constant 0 : index
      %get3A_208 = arith.constant 0 : index
      %get3A_209 = vector.load %arg10[%get3A_207, %get3A_208] : memref<1000x128xf32, #tpu.memory_space<vmem>>, vector<1000x128xf32>
      %dot_general3A_210 = arith.constant dense<0.000000e+00> : vector<1000x128xf32>
      %dot_general3A_211 = tpu.matmul %convert_element_type3A_203, %get3A_206, %dot_general3A_210 {dimension_numbers = #tpu.dot_dimension_numbers<[0], [0], [1], [1], [0, 1, 1, 1], [], []>, transpose_lhs_hint = false} : vector<400x1000xf32>, vector<400x128xf32>, vector<1000x128xf32> -> vector<1000x128xf32>
      %add3A_212 = arith.addf %get3A_209, %dot_general3A_211 : vector<1000x128xf32>
      %swap3A_213 = arith.constant 0 : index
      %swap3A_214 = arith.constant 0 : index
      %swap3A_215 = vector.load %arg10[%swap3A_213, %swap3A_214] : memref<1000x128xf32, #tpu.memory_space<vmem>>, vector<1000x128xf32>
      tpu.vector_store %arg10[%swap3A_213, %swap3A_214], %add3A_212 {strides = array<i32>} : memref<1000x128xf32, #tpu.memory_space<vmem>>, vector<1000x128xf32>,
    } else {
    }
    %lt3A_88 = arith.constant 800 : i32
    %lt3A_89 = arith.cmpi slt, %get3A_2, %lt3A_88 : i32
    %ge3A_90 = arith.constant 400 : i32
    %ge3A_91 = arith.cmpi sge, %get3A_5, %ge3A_90 : i32
    %and3A_92 = arith.andi %lt3A_89, %ge3A_91 : i1
    %convert_element_type3A_93 = arith.extui %and3A_92 : i1 to i32
    %cond3A_94 = arith.constant 0 : i32
    %cond3A_95 = arith.cmpi ne, %convert_element_type3A_93, %cond3A_94 : i32
    scf.if %cond3A_95 {
      %iota3A_196 = tpu.iota {dimensions = array<i32: 0>} : vector<400x1000xi32>
      %add3A_197 = arith.constant 400 : i32
      %add3A_198 = vector.broadcast %add3A_197 : i32 to vector<400x1000xi32>
      %add3A_199 = arith.addi %iota3A_196, %add3A_198 : vector<400x1000xi32>
      %eq3A_200 = vector.broadcast %slice3A : vector<1x1000xi32> to vector<400x1000xi32>
      %eq3A_201 = arith.cmpi eq, %add3A_199, %eq3A_200 : vector<400x1000xi32>
      %convert_element_type3A_202 = arith.extui %eq3A_201 : vector<400x1000xi1> to vector<400x1000xi32>
      %convert_element_type3A_203 = arith.sitofp %convert_element_type3A_202 : vector<400x1000xi32> to vector<400x1000xf32>
      %get3A_204 = arith.constant 400 : index
      %get3A_205 = arith.constant 0 : index
      %get3A_206 = vector.load %arg8[%get3A_204, %get3A_205] : memref<2000x128xf32, #tpu.memory_space<vmem>>, vector<400x128xf32>
      %get3A_207 = arith.constant 0 : index
      %get3A_208 = arith.constant 0 : index
      %get3A_209 = vector.load %arg10[%get3A_207, %get3A_208] : memref<1000x128xf32, #tpu.memory_space<vmem>>, vector<1000x128xf32>
      %dot_general3A_210 = arith.constant dense<0.000000e+00> : vector<1000x128xf32>
      %dot_general3A_211 = tpu.matmul %convert_element_type3A_203, %get3A_206, %dot_general3A_210 {dimension_numbers = #tpu.dot_dimension_numbers<[0], [0], [1], [1], [0, 1, 1, 1], [], []>, transpose_lhs_hint = false} : vector<400x1000xf32>, vector<400x128xf32>, vector<1000x128xf32> -> vector<1000x128xf32>
      %add3A_212 = arith.addf %get3A_209, %dot_general3A_211 : vector<1000x128xf32>
      %swap3A_213 = arith.constant 0 : index
      %swap3A_214 = arith.constant 0 : index
      %swap3A_215 = vector.load %arg10[%swap3A_213, %swap3A_214] : memref<1000x128xf32, #tpu.memory_space<vmem>>, vector<1000x128xf32>
      tpu.vector_store %arg10[%swap3A_213, %swap3A_214], %add3A_212 {strides = array<i32>} : memref<1000x128xf32, #tpu.memory_space<vmem>>, vector<1000x128xf32>,
    } else {
    }
    %lt3A_96 = arith.constant 1200 : i32
    %lt3A_97 = arith.cmpi slt, %get3A_2, %lt3A_96 : i32
    %ge3A_98 = arith.constant 800 : i32
    %ge3A_99 = arith.cmpi sge, %get3A_5, %ge3A_98 : i32
    %and3A_100 = arith.andi %lt3A_97, %ge3A_99 : i1
    %convert_element_type3A_101 = arith.extui %and3A_100 : i1 to i32
    %cond3A_102 = arith.constant 0 : i32
    %cond3A_103 = arith.cmpi ne, %convert_element_type3A_101, %cond3A_102 : i32
    scf.if %cond3A_103 {
      %iota3A_196 = tpu.iota {dimensions = array<i32: 0>} : vector<400x1000xi32>
      %add3A_197 = arith.constant 800 : i32
      %add3A_198 = vector.broadcast %add3A_197 : i32 to vector<400x1000xi32>
      %add3A_199 = arith.addi %iota3A_196, %add3A_198 : vector<400x1000xi32>
      %eq3A_200 = vector.broadcast %slice3A : vector<1x1000xi32> to vector<400x1000xi32>
      %eq3A_201 = arith.cmpi eq, %add3A_199, %eq3A_200 : vector<400x1000xi32>
      %convert_element_type3A_202 = arith.extui %eq3A_201 : vector<400x1000xi1> to vector<400x1000xi32>
      %convert_element_type3A_203 = arith.sitofp %convert_element_type3A_202 : vector<400x1000xi32> to vector<400x1000xf32>
      %get3A_204 = arith.constant 800 : index
      %get3A_205 = arith.constant 0 : index
      %get3A_206 = vector.load %arg8[%get3A_204, %get3A_205] : memref<2000x128xf32, #tpu.memory_space<vmem>>, vector<400x128xf32>
      %get3A_207 = arith.constant 0 : index
      %get3A_208 = arith.constant 0 : index
      %get3A_209 = vector.load %arg10[%get3A_207, %get3A_208] : memref<1000x128xf32, #tpu.memory_space<vmem>>, vector<1000x128xf32>
      %dot_general3A_210 = arith.constant dense<0.000000e+00> : vector<1000x128xf32>
      %dot_general3A_211 = tpu.matmul %convert_element_type3A_203, %get3A_206, %dot_general3A_210 {dimension_numbers = #tpu.dot_dimension_numbers<[0], [0], [1], [1], [0, 1, 1, 1], [], []>, transpose_lhs_hint = false} : vector<400x1000xf32>, vector<400x128xf32>, vector<1000x128xf32> -> vector<1000x128xf32>
      %add3A_212 = arith.addf %get3A_209, %dot_general3A_211 : vector<1000x128xf32>
      %swap3A_213 = arith.constant 0 : index
      %swap3A_214 = arith.constant 0 : index
      %swap3A_215 = vector.load %arg10[%swap3A_213, %swap3A_214] : memref<1000x128xf32, #tpu.memory_space<vmem>>, vector<1000x128xf32>
      tpu.vector_store %arg10[%swap3A_213, %swap3A_214], %add3A_212 {strides = array<i32>} : memref<1000x128xf32, #tpu.memory_space<vmem>>, vector<1000x128xf32>,
    } else {
    }
    %lt3A_104 = arith.constant 1600 : i32
    %lt3A_105 = arith.cmpi slt, %get3A_2, %lt3A_104 : i32
    %ge3A_106 = arith.constant 1200 : i32
    %ge3A_107 = arith.cmpi sge, %get3A_5, %ge3A_106 : i32
    %and3A_108 = arith.andi %lt3A_105, %ge3A_107 : i1
    %convert_element_type3A_109 = arith.extui %and3A_108 : i1 to i32
    %cond3A_110 = arith.constant 0 : i32
    %cond3A_111 = arith.cmpi ne, %convert_element_type3A_109, %cond3A_110 : i32
    scf.if %cond3A_111 {
      %iota3A_196 = tpu.iota {dimensions = array<i32: 0>} : vector<400x1000xi32>
      %add3A_197 = arith.constant 1200 : i32
      %add3A_198 = vector.broadcast %add3A_197 : i32 to vector<400x1000xi32>
      %add3A_199 = arith.addi %iota3A_196, %add3A_198 : vector<400x1000xi32>
      %eq3A_200 = vector.broadcast %slice3A : vector<1x1000xi32> to vector<400x1000xi32>
      %eq3A_201 = arith.cmpi eq, %add3A_199, %eq3A_200 : vector<400x1000xi32>
      %convert_element_type3A_202 = arith.extui %eq3A_201 : vector<400x1000xi1> to vector<400x1000xi32>
      %convert_element_type3A_203 = arith.sitofp %convert_element_type3A_202 : vector<400x1000xi32> to vector<400x1000xf32>
      %get3A_204 = arith.constant 1200 : index
      %get3A_205 = arith.constant 0 : index
      %get3A_206 = vector.load %arg8[%get3A_204, %get3A_205] : memref<2000x128xf32, #tpu.memory_space<vmem>>, vector<400x128xf32>
      %get3A_207 = arith.constant 0 : index
      %get3A_208 = arith.constant 0 : index
      %get3A_209 = vector.load %arg10[%get3A_207, %get3A_208] : memref<1000x128xf32, #tpu.memory_space<vmem>>, vector<1000x128xf32>
      %dot_general3A_210 = arith.constant dense<0.000000e+00> : vector<1000x128xf32>
      %dot_general3A_211 = tpu.matmul %convert_element_type3A_203, %get3A_206, %dot_general3A_210 {dimension_numbers = #tpu.dot_dimension_numbers<[0], [0], [1], [1], [0, 1, 1, 1], [], []>, transpose_lhs_hint = false} : vector<400x1000xf32>, vector<400x128xf32>, vector<1000x128xf32> -> vector<1000x128xf32>
      %add3A_212 = arith.addf %get3A_209, %dot_general3A_211 : vector<1000x128xf32>
      %swap3A_213 = arith.constant 0 : index
      %swap3A_214 = arith.constant 0 : index
      %swap3A_215 = vector.load %arg10[%swap3A_213, %swap3A_214] : memref<1000x128xf32, #tpu.memory_space<vmem>>, vector<1000x128xf32>
      tpu.vector_store %arg10[%swap3A_213, %swap3A_214], %add3A_212 {strides = array<i32>} : memref<1000x128xf32, #tpu.memory_space<vmem>>, vector<1000x128xf32>,
    } else {
    }
    %lt3A_112 = arith.constant 2000 : i32
    %lt3A_113 = arith.cmpi slt, %get3A_2, %lt3A_112 : i32
    %ge3A_114 = arith.constant 1600 : i32
    %ge3A_115 = arith.cmpi sge, %get3A_5, %ge3A_114 : i32
    %and3A_116 = arith.andi %lt3A_113, %ge3A_115 : i1
    %convert_element_type3A_117 = arith.extui %and3A_116 : i1 to i32
    %cond3A_118 = arith.constant 0 : i32
    %cond3A_119 = arith.cmpi ne, %convert_element_type3A_117, %cond3A_118 : i32
    scf.if %cond3A_119 {
      %iota3A_196 = tpu.iota {dimensions = array<i32: 0>} : vector<400x1000xi32>
      %add3A_197 = arith.constant 1600 : i32
      %add3A_198 = vector.broadcast %add3A_197 : i32 to vector<400x1000xi32>
      %add3A_199 = arith.addi %iota3A_196, %add3A_198 : vector<400x1000xi32>
      %eq3A_200 = vector.broadcast %slice3A : vector<1x1000xi32> to vector<400x1000xi32>
      %eq3A_201 = arith.cmpi eq, %add3A_199, %eq3A_200 : vector<400x1000xi32>
      %convert_element_type3A_202 = arith.extui %eq3A_201 : vector<400x1000xi1> to vector<400x1000xi32>
      %convert_element_type3A_203 = arith.sitofp %convert_element_type3A_202 : vector<400x1000xi32> to vector<400x1000xf32>
      %get3A_204 = arith.constant 1600 : index
      %get3A_205 = arith.constant 0 : index
      %get3A_206 = vector.load %arg8[%get3A_204, %get3A_205] : memref<2000x128xf32, #tpu.memory_space<vmem>>, vector<400x128xf32>
      %get3A_207 = arith.constant 0 : index
      %get3A_208 = arith.constant 0 : index
      %get3A_209 = vector.load %arg10[%get3A_207, %get3A_208] : memref<1000x128xf32, #tpu.memory_space<vmem>>, vector<1000x128xf32>
      %dot_general3A_210 = arith.constant dense<0.000000e+00> : vector<1000x128xf32>
      %dot_general3A_211 = tpu.matmul %convert_element_type3A_203, %get3A_206, %dot_general3A_210 {dimension_numbers = #tpu.dot_dimension_numbers<[0], [0], [1], [1], [0, 1, 1, 1], [], []>, transpose_lhs_hint = false} : vector<400x1000xf32>, vector<400x128xf32>, vector<1000x128xf32> -> vector<1000x128xf32>
      %add3A_212 = arith.addf %get3A_209, %dot_general3A_211 : vector<1000x128xf32>
      %swap3A_213 = arith.constant 0 : index
      %swap3A_214 = arith.constant 0 : index
      %swap3A_215 = vector.load %arg10[%swap3A_213, %swap3A_214] : memref<1000x128xf32, #tpu.memory_space<vmem>>, vector<1000x128xf32>
      tpu.vector_store %arg10[%swap3A_213, %swap3A_214], %add3A_212 {strides = array<i32>} : memref<1000x128xf32, #tpu.memory_space<vmem>>, vector<1000x128xf32>,
    } else {
    }
    %get3A_120 = arith.constant 0 : index
    %get3A_121 = arith.constant 0 : index
    %get3A_122 = vector.load %arg10[%get3A_120, %get3A_121] : memref<1000x128xf32, #tpu.memory_space<vmem>>, vector<1000x128xf32>
    %mul3A_123 = arith.mulf %get3A_78, %get3A_122 : vector<1000x128xf32>
    %dot_general3A = arith.constant dense<0.000000e+00> : vector<1000x128xf32>
    %dot_general3A_124 = tpu.matmul %mul3A_123, %convert_element_type3A_71, %dot_general3A {dimension_numbers = #tpu.dot_dimension_numbers<[1], [0], [0], [1], [0, 0, 1, 1], [], []>, transpose_lhs_hint = false} : vector<1000x128xf32>, vector<128x128xf32>, vector<1000x128xf32> -> vector<1000x128xf32>
    %div3A_125 = arith.constant 1.000000e+00 : f32
    %div3A_126 = vector.broadcast %div3A_125 : f32 to vector<1000x128xf32>
    %div3A_127 = arith.divf %dot_general3A_124, %div3A_126 : vector<1000x128xf32>
    %reduce_max3A = arith.constant dense<0xFF800000> : vector<1000xf32>
    %reduce_max3A_128 = vector.multi_reduction <maximumf>, %div3A_127, %reduce_max3A [1] : vector<1000x128xf32> to vector<1000xf32>
    %broadcast_in_dim3A_129 = vector.shape_cast %reduce_max3A_128 : vector<1000xf32> to vector<1000x1xf32>
    %sub3A_130 = vector.broadcast %broadcast_in_dim3A_129 : vector<1000x1xf32> to vector<1000x128xf32>
    %sub3A_131 = arith.subf %div3A_127, %sub3A_130 : vector<1000x128xf32>
    %exp3A = math.exp %sub3A_131 : vector<1000x128xf32>
    %reduce_sum3A = arith.constant dense<0.000000e+00> : vector<1000xf32>
    %reduce_sum3A_132 = vector.multi_reduction <add>, %exp3A, %reduce_sum3A [1] : vector<1000x128xf32> to vector<1000xf32>
    %broadcast_in_dim3A_133 = vector.shape_cast %reduce_sum3A_132 : vector<1000xf32> to vector<1000x1xf32>
    %div3A_134 = arith.constant 1.600000e+01 : f32
    %div3A_135 = vector.broadcast %div3A_134 : f32 to vector<1000x1xf32>
    %div3A_136 = arith.divf %broadcast_in_dim3A_133, %div3A_135 : vector<1000x1xf32>
    %div3A_137 = vector.broadcast %div3A_136 : vector<1000x1xf32> to vector<1000x128xf32>
    %div3A_138 = arith.divf %exp3A, %div3A_137 : vector<1000x128xf32>
    %mul3A_139 = arith.mulf %get3A_78, %div3A_138 : vector<1000x128xf32>
    %lt3A_140 = arith.constant 400 : i32
    %lt3A_141 = arith.cmpi slt, %get3A_2, %lt3A_140 : i32
    %ge3A_142 = arith.constant 0 : i32
    %ge3A_143 = arith.cmpi sge, %get3A_5, %ge3A_142 : i32
    %and3A_144 = arith.andi %lt3A_141, %ge3A_143 : i1
    %convert_element_type3A_145 = arith.extui %and3A_144 : i1 to i32
    %cond3A_146 = arith.constant 0 : i32
    %cond3A_147 = arith.cmpi ne, %convert_element_type3A_145, %cond3A_146 : i32
    scf.if %cond3A_147 {
      %iota3A_196 = tpu.iota {dimensions = array<i32: 0>} : vector<400x1000xi32>
      %add3A_197 = arith.constant 0 : i32
      %add3A_198 = vector.broadcast %add3A_197 : i32 to vector<400x1000xi32>
      %add3A_199 = arith.addi %iota3A_196, %add3A_198 : vector<400x1000xi32>
      %eq3A_200 = vector.broadcast %slice3A : vector<1x1000xi32> to vector<400x1000xi32>
      %eq3A_201 = arith.cmpi eq, %add3A_199, %eq3A_200 : vector<400x1000xi32>
      %convert_element_type3A_202 = arith.extui %eq3A_201 : vector<400x1000xi1> to vector<400x1000xi32>
      %convert_element_type3A_203 = arith.sitofp %convert_element_type3A_202 : vector<400x1000xi32> to vector<400x1000xf32>
      %dot_general3A_204 = arith.constant dense<0.000000e+00> : vector<400x128xf32>
      %dot_general3A_205 = tpu.matmul %convert_element_type3A_203, %mul3A_139, %dot_general3A_204 {dimension_numbers = #tpu.dot_dimension_numbers<[1], [0], [0], [1], [0, 0, 1, 1], [], []>, transpose_lhs_hint = false} : vector<400x1000xf32>, vector<1000x128xf32>, vector<400x128xf32> -> vector<400x128xf32>
      %get3A_206 = arith.constant 0 : index
      %get3A_207 = arith.constant 0 : index
      %get3A_208 = vector.load %arg9[%get3A_206, %get3A_207] : memref<2000x128xf32, #tpu.memory_space<vmem>>, vector<400x128xf32>
      %add3A_209 = arith.addf %get3A_208, %dot_general3A_205 : vector<400x128xf32>
      %swap3A_210 = arith.constant 0 : index
      %swap3A_211 = arith.constant 0 : index
      %swap3A_212 = vector.load %arg9[%swap3A_210, %swap3A_211] : memref<2000x128xf32, #tpu.memory_space<vmem>>, vector<400x128xf32>
      tpu.vector_store %arg9[%swap3A_210, %swap3A_211], %add3A_209 {strides = array<i32>} : memref<2000x128xf32, #tpu.memory_space<vmem>>, vector<400x128xf32>,
    } else {
    }
    %lt3A_148 = arith.constant 800 : i32
    %lt3A_149 = arith.cmpi slt, %get3A_2, %lt3A_148 : i32
    %ge3A_150 = arith.constant 400 : i32
    %ge3A_151 = arith.cmpi sge, %get3A_5, %ge3A_150 : i32
    %and3A_152 = arith.andi %lt3A_149, %ge3A_151 : i1
    %convert_element_type3A_153 = arith.extui %and3A_152 : i1 to i32
    %cond3A_154 = arith.constant 0 : i32
    %cond3A_155 = arith.cmpi ne, %convert_element_type3A_153, %cond3A_154 : i32
    scf.if %cond3A_155 {
      %iota3A_196 = tpu.iota {dimensions = array<i32: 0>} : vector<400x1000xi32>
      %add3A_197 = arith.constant 400 : i32
      %add3A_198 = vector.broadcast %add3A_197 : i32 to vector<400x1000xi32>
      %add3A_199 = arith.addi %iota3A_196, %add3A_198 : vector<400x1000xi32>
      %eq3A_200 = vector.broadcast %slice3A : vector<1x1000xi32> to vector<400x1000xi32>
      %eq3A_201 = arith.cmpi eq, %add3A_199, %eq3A_200 : vector<400x1000xi32>
      %convert_element_type3A_202 = arith.extui %eq3A_201 : vector<400x1000xi1> to vector<400x1000xi32>
      %convert_element_type3A_203 = arith.sitofp %convert_element_type3A_202 : vector<400x1000xi32> to vector<400x1000xf32>
      %dot_general3A_204 = arith.constant dense<0.000000e+00> : vector<400x128xf32>
      %dot_general3A_205 = tpu.matmul %convert_element_type3A_203, %mul3A_139, %dot_general3A_204 {dimension_numbers = #tpu.dot_dimension_numbers<[1], [0], [0], [1], [0, 0, 1, 1], [], []>, transpose_lhs_hint = false} : vector<400x1000xf32>, vector<1000x128xf32>, vector<400x128xf32> -> vector<400x128xf32>
      %get3A_206 = arith.constant 400 : index
      %get3A_207 = arith.constant 0 : index
      %get3A_208 = vector.load %arg9[%get3A_206, %get3A_207] : memref<2000x128xf32, #tpu.memory_space<vmem>>, vector<400x128xf32>
      %add3A_209 = arith.addf %get3A_208, %dot_general3A_205 : vector<400x128xf32>
      %swap3A_210 = arith.constant 400 : index
      %swap3A_211 = arith.constant 0 : index
      %swap3A_212 = vector.load %arg9[%swap3A_210, %swap3A_211] : memref<2000x128xf32, #tpu.memory_space<vmem>>, vector<400x128xf32>
      tpu.vector_store %arg9[%swap3A_210, %swap3A_211], %add3A_209 {strides = array<i32>} : memref<2000x128xf32, #tpu.memory_space<vmem>>, vector<400x128xf32>,
    } else {
    }
    %lt3A_156 = arith.constant 1200 : i32
    %lt3A_157 = arith.cmpi slt, %get3A_2, %lt3A_156 : i32
    %ge3A_158 = arith.constant 800 : i32
    %ge3A_159 = arith.cmpi sge, %get3A_5, %ge3A_158 : i32
    %and3A_160 = arith.andi %lt3A_157, %ge3A_159 : i1
    %convert_element_type3A_161 = arith.extui %and3A_160 : i1 to i32
    %cond3A_162 = arith.constant 0 : i32
    %cond3A_163 = arith.cmpi ne, %convert_element_type3A_161, %cond3A_162 : i32
    scf.if %cond3A_163 {
      %iota3A_196 = tpu.iota {dimensions = array<i32: 0>} : vector<400x1000xi32>
      %add3A_197 = arith.constant 800 : i32
      %add3A_198 = vector.broadcast %add3A_197 : i32 to vector<400x1000xi32>
      %add3A_199 = arith.addi %iota3A_196, %add3A_198 : vector<400x1000xi32>
      %eq3A_200 = vector.broadcast %slice3A : vector<1x1000xi32> to vector<400x1000xi32>
      %eq3A_201 = arith.cmpi eq, %add3A_199, %eq3A_200 : vector<400x1000xi32>
      %convert_element_type3A_202 = arith.extui %eq3A_201 : vector<400x1000xi1> to vector<400x1000xi32>
      %convert_element_type3A_203 = arith.sitofp %convert_element_type3A_202 : vector<400x1000xi32> to vector<400x1000xf32>
      %dot_general3A_204 = arith.constant dense<0.000000e+00> : vector<400x128xf32>
      %dot_general3A_205 = tpu.matmul %convert_element_type3A_203, %mul3A_139, %dot_general3A_204 {dimension_numbers = #tpu.dot_dimension_numbers<[1], [0], [0], [1], [0, 0, 1, 1], [], []>, transpose_lhs_hint = false} : vector<400x1000xf32>, vector<1000x128xf32>, vector<400x128xf32> -> vector<400x128xf32>
      %get3A_206 = arith.constant 800 : index
      %get3A_207 = arith.constant 0 : index
      %get3A_208 = vector.load %arg9[%get3A_206, %get3A_207] : memref<2000x128xf32, #tpu.memory_space<vmem>>, vector<400x128xf32>
      %add3A_209 = arith.addf %get3A_208, %dot_general3A_205 : vector<400x128xf32>
      %swap3A_210 = arith.constant 800 : index
      %swap3A_211 = arith.constant 0 : index
      %swap3A_212 = vector.load %arg9[%swap3A_210, %swap3A_211] : memref<2000x128xf32, #tpu.memory_space<vmem>>, vector<400x128xf32>
      tpu.vector_store %arg9[%swap3A_210, %swap3A_211], %add3A_209 {strides = array<i32>} : memref<2000x128xf32, #tpu.memory_space<vmem>>, vector<400x128xf32>,
    } else {
    }
    %lt3A_164 = arith.constant 1600 : i32
    %lt3A_165 = arith.cmpi slt, %get3A_2, %lt3A_164 : i32
    %ge3A_166 = arith.constant 1200 : i32
    %ge3A_167 = arith.cmpi sge, %get3A_5, %ge3A_166 : i32
    %and3A_168 = arith.andi %lt3A_165, %ge3A_167 : i1
    %convert_element_type3A_169 = arith.extui %and3A_168 : i1 to i32
    %cond3A_170 = arith.constant 0 : i32
    %cond3A_171 = arith.cmpi ne, %convert_element_type3A_169, %cond3A_170 : i32
    scf.if %cond3A_171 {
      %iota3A_196 = tpu.iota {dimensions = array<i32: 0>} : vector<400x1000xi32>
      %add3A_197 = arith.constant 1200 : i32
      %add3A_198 = vector.broadcast %add3A_197 : i32 to vector<400x1000xi32>
      %add3A_199 = arith.addi %iota3A_196, %add3A_198 : vector<400x1000xi32>
      %eq3A_200 = vector.broadcast %slice3A : vector<1x1000xi32> to vector<400x1000xi32>
      %eq3A_201 = arith.cmpi eq, %add3A_199, %eq3A_200 : vector<400x1000xi32>
      %convert_element_type3A_202 = arith.extui %eq3A_201 : vector<400x1000xi1> to vector<400x1000xi32>
      %convert_element_type3A_203 = arith.sitofp %convert_element_type3A_202 : vector<400x1000xi32> to vector<400x1000xf32>
      %dot_general3A_204 = arith.constant dense<0.000000e+00> : vector<400x128xf32>
      %dot_general3A_205 = tpu.matmul %convert_element_type3A_203, %mul3A_139, %dot_general3A_204 {dimension_numbers = #tpu.dot_dimension_numbers<[1], [0], [0], [1], [0, 0, 1, 1], [], []>, transpose_lhs_hint = false} : vector<400x1000xf32>, vector<1000x128xf32>, vector<400x128xf32> -> vector<400x128xf32>
      %get3A_206 = arith.constant 1200 : index
      %get3A_207 = arith.constant 0 : index
      %get3A_208 = vector.load %arg9[%get3A_206, %get3A_207] : memref<2000x128xf32, #tpu.memory_space<vmem>>, vector<400x128xf32>
      %add3A_209 = arith.addf %get3A_208, %dot_general3A_205 : vector<400x128xf32>
      %swap3A_210 = arith.constant 1200 : index
      %swap3A_211 = arith.constant 0 : index
      %swap3A_212 = vector.load %arg9[%swap3A_210, %swap3A_211] : memref<2000x128xf32, #tpu.memory_space<vmem>>, vector<400x128xf32>
      tpu.vector_store %arg9[%swap3A_210, %swap3A_211], %add3A_209 {strides = array<i32>} : memref<2000x128xf32, #tpu.memory_space<vmem>>, vector<400x128xf32>,
    } else {
    }
    %lt3A_172 = arith.constant 2000 : i32
    %lt3A_173 = arith.cmpi slt, %get3A_2, %lt3A_172 : i32
    %ge3A_174 = arith.constant 1600 : i32
    %ge3A_175 = arith.cmpi sge, %get3A_5, %ge3A_174 : i32
    %and3A_176 = arith.andi %lt3A_173, %ge3A_175 : i1
    %convert_element_type3A_177 = arith.extui %and3A_176 : i1 to i32
    %cond3A_178 = arith.constant 0 : i32
    %cond3A_179 = arith.cmpi ne, %convert_element_type3A_177, %cond3A_178 : i32
    scf.if %cond3A_179 {
      %iota3A_196 = tpu.iota {dimensions = array<i32: 0>} : vector<400x1000xi32>
      %add3A_197 = arith.constant 1600 : i32
      %add3A_198 = vector.broadcast %add3A_197 : i32 to vector<400x1000xi32>
      %add3A_199 = arith.addi %iota3A_196, %add3A_198 : vector<400x1000xi32>
      %eq3A_200 = vector.broadcast %slice3A : vector<1x1000xi32> to vector<400x1000xi32>
      %eq3A_201 = arith.cmpi eq, %add3A_199, %eq3A_200 : vector<400x1000xi32>
      %convert_element_type3A_202 = arith.extui %eq3A_201 : vector<400x1000xi1> to vector<400x1000xi32>
      %convert_element_type3A_203 = arith.sitofp %convert_element_type3A_202 : vector<400x1000xi32> to vector<400x1000xf32>
      %dot_general3A_204 = arith.constant dense<0.000000e+00> : vector<400x128xf32>
      %dot_general3A_205 = tpu.matmul %convert_element_type3A_203, %mul3A_139, %dot_general3A_204 {dimension_numbers = #tpu.dot_dimension_numbers<[1], [0], [0], [1], [0, 0, 1, 1], [], []>, transpose_lhs_hint = false} : vector<400x1000xf32>, vector<1000x128xf32>, vector<400x128xf32> -> vector<400x128xf32>
      %get3A_206 = arith.constant 1600 : index
      %get3A_207 = arith.constant 0 : index
      %get3A_208 = vector.load %arg9[%get3A_206, %get3A_207] : memref<2000x128xf32, #tpu.memory_space<vmem>>, vector<400x128xf32>
      %add3A_209 = arith.addf %get3A_208, %dot_general3A_205 : vector<400x128xf32>
      %swap3A_210 = arith.constant 1600 : index
      %swap3A_211 = arith.constant 0 : index
      %swap3A_212 = vector.load %arg9[%swap3A_210, %swap3A_211] : memref<2000x128xf32, #tpu.memory_space<vmem>>, vector<400x128xf32>
      tpu.vector_store %arg9[%swap3A_210, %swap3A_211], %add3A_209 {strides = array<i32>} : memref<2000x128xf32, #tpu.memory_space<vmem>>, vector<400x128xf32>,
    } else {
    }
    %eq3A_180 = arith.constant 7 : i32
    %eq3A_181 = arith.cmpi eq, %arg2, %eq3A_180 : i32
    %convert_element_type3A_182 = arith.extui %eq3A_181 : i1 to i32
    %cond3A_183 = arith.constant 0 : i32
    %cond3A_184 = arith.cmpi ne, %convert_element_type3A_182, %cond3A_183 : i32
    scf.if %cond3A_184 {
      %eq3A_196 = arith.constant 19 : i32
      %eq3A_197 = arith.cmpi eq, %arg1, %eq3A_196 : i32
      %convert_element_type3A_198 = arith.extui %eq3A_197 : i1 to i32
      %cond3A_199 = arith.constant 0 : i32
      %cond3A_200 = arith.cmpi ne, %convert_element_type3A_198, %cond3A_199 : i32
      scf.if %cond3A_200 {
        %get3A_207 = arith.constant 0 : index
        %get3A_208 = arith.constant 0 : index
        %get3A_209 = vector.load %arg9[%get3A_207, %get3A_208] : memref<2000x128xf32, #tpu.memory_space<vmem>>, vector<2000x128xf32>
        %mul3A_210 = arith.mulf %get3A_209, %get3A_209 : vector<2000x128xf32>
        %dot_general3A_211 = arith.constant dense<0.000000e+00> : vector<2000x128xf32>
        %dot_general3A_212 = tpu.matmul %mul3A_210, %convert_element_type3A_71, %dot_general3A_211 {dimension_numbers = #tpu.dot_dimension_numbers<[1], [0], [0], [1], [0, 0, 1, 1], [], []>, transpose_lhs_hint = false} : vector<2000x128xf32>, vector<128x128xf32>, vector<2000x128xf32> -> vector<2000x128xf32>
        %sqrt3A = math.sqrt %dot_general3A_212 : vector<2000x128xf32>
        %max3A = arith.constant 9.99999996E-13 : f32
        %max3A_213 = vector.broadcast %max3A : f32 to vector<2000x128xf32>
        %max3A_214 = arith.maximumf %sqrt3A, %max3A_213 : vector<2000x128xf32>
        %div3A_215 = arith.divf %get3A_209, %max3A_214 : vector<2000x128xf32>
        %swap3A_216 = arith.constant 0 : index
        %swap3A_217 = arith.constant 0 : index
        %swap3A_218 = vector.load %arg9[%swap3A_216, %swap3A_217] : memref<2000x128xf32, #tpu.memory_space<vmem>>, vector<2000x128xf32>
        tpu.vector_store %arg9[%swap3A_216, %swap3A_217], %div3A_215 {strides = array<i32>} : memref<2000x128xf32, #tpu.memory_space<vmem>>, vector<2000x128xf32>,
      } else {
      }
      %get3A_201 = arith.constant 0 : index
      %get3A_202 = arith.constant 0 : index
      %get3A_203 = vector.load %arg9[%get3A_201, %get3A_202] : memref<2000x128xf32, #tpu.memory_space<vmem>>, vector<2000x128xf32>
      %swap3A_204 = arith.constant 0 : index
      %swap3A_205 = arith.constant 0 : index
      %swap3A_206 = vector.load %arg8[%swap3A_204, %swap3A_205] : memref<2000x128xf32, #tpu.memory_space<vmem>>, vector<2000x128xf32>
      tpu.vector_store %arg8[%swap3A_204, %swap3A_205], %get3A_203 {strides = array<i32>} : memref<2000x128xf32, #tpu.memory_space<vmem>>, vector<2000x128xf32>,
    } else {
    }
    %eq3A_185 = arith.constant 2 : i32
    %eq3A_186 = arith.cmpi eq, %arg0, %eq3A_185 : i32
    %eq3A_187 = arith.constant 19 : i32
    %eq3A_188 = arith.cmpi eq, %arg1, %eq3A_187 : i32
    %and3A_189 = arith.andi %eq3A_186, %eq3A_188 : i1
    %eq3A_190 = arith.constant 7 : i32
    %eq3A_191 = arith.cmpi eq, %arg2, %eq3A_190 : i32
    %and3A_192 = arith.andi %and3A_189, %eq3A_191 : i1
    %convert_element_type3A_193 = arith.extui %and3A_192 : i1 to i32
    %cond3A_194 = arith.constant 0 : i32
    %cond3A_195 = arith.cmpi ne, %convert_element_type3A_193, %cond3A_194 : i32
    scf.if %cond3A_195 {
      %get3A_196 = arith.constant 0 : index
      %get3A_197 = arith.constant 0 : index
      %get3A_198 = vector.load %arg9[%get3A_196, %get3A_197] : memref<2000x128xf32, #tpu.memory_space<vmem>>, vector<2000x128xf32>
      %swap3A_199 = arith.constant 0 : index
      %swap3A_200 = arith.constant 0 : index
      %swap3A_201 = vector.load %arg7[%swap3A_199, %swap3A_200] : memref<2000x128xf32, #tpu.memory_space<vmem>>, vector<2000x128xf32>
      tpu.vector_store %arg7[%swap3A_199, %swap3A_200], %get3A_198 {strides = array<i32>} : memref<2000x128xf32, #tpu.memory_space<vmem>>, vector<2000x128xf32>,
    } else {
    }
    return
  }
  func.func @transform_0(%arg0: i32, %arg1: i32, %arg2: i32) -> (i32, i32, i32) {
    %mul3A = arith.constant 8 : i32
    %mul3A_0 = arith.muli %arg1, %mul3A : i32
    %add3A = arith.addi %mul3A_0, %arg2 : i32
    %c0_i32 = arith.constant 0 : i32
    %c0_i32_1 = arith.constant 0 : i32
    %c0_i32_2 = arith.constant 0 : i32
    return %add3A, %c0_i32, %c0_i32_1 : i32, i32, i32
  }
  func.func @transform_1(%arg0: i32, %arg1: i32, %arg2: i32) -> (i32, i32) {
    %c0_i32 = arith.constant 0 : i32
    %c0_i32_0 = arith.constant 0 : i32
    %c0_i32_1 = arith.constant 0 : i32
    return %c0_i32, %c0_i32_0 : i32, i32
  }
  func.func @transform_2(%arg0: i32, %arg1: i32, %arg2: i32) -> (i32, i32) {
    %mul3A = arith.constant 8 : i32
    %mul3A_0 = arith.muli %arg1, %mul3A : i32
    %add3A = arith.addi %mul3A_0, %arg2 : i32
    %c0_i32 = arith.constant 0 : i32
    %c0_i32_1 = arith.constant 0 : i32
    return %add3A, %c0_i32 : i32, i32
  }
  func.func @transform_3(%arg0: i32, %arg1: i32, %arg2: i32) -> (i32, i32) {
    %c0_i32 = arith.constant 0 : i32
    %c0_i32_0 = arith.constant 0 : i32
    %c0_i32_1 = arith.constant 0 : i32
    return %c0_i32, %c0_i32_0 : i32, i32
  }
  func.func @transform_4(%arg0: i32, %arg1: i32, %arg2: i32) -> (i32, i32) {
    %c0_i32 = arith.constant 0 : i32
    %c0_i32_0 = arith.constant 0 : i32
    %c0_i32_1 = arith.constant 0 : i32
    return %c0_i32, %c0_i32_0 : i32, i32
  }
}

module attributes {stable_mosaic.version = 14 : i64} {
  func.func @kern(%arg0: i32, %arg1: i32, %arg2: i32, %arg3: memref<1x8x1000xi32, #tpu.memory_space<vmem>>, %arg4: memref<160x2xi32, #tpu.memory_space<smem>>, %arg5: memref<1000x128xf32, #tpu.memory_space<vmem>>, %arg6: memref<10000x128xf32, #tpu.memory_space<vmem>>, %arg7: memref<10000x128xf32, #tpu.memory_space<vmem>>, %arg8: memref<10000x128xf32, #tpu.memory_space<vmem>>, %arg9: memref<10000x128xf32, #tpu.memory_space<vmem>>, %arg10: memref<1000x128xf32, #tpu.memory_space<vmem>>) attributes {dimension_semantics = [#tpu.dimension_semantics<arbitrary>, #tpu.dimension_semantics<arbitrary>, #tpu.dimension_semantics<arbitrary>], iteration_bounds = array<i64: 3, 20, 8>, scalar_prefetch = 0 : i64, scratch_operands = 3 : i64, tpu.core_type = #tpu.core_type<tc>, window_params = [{transform_indices = @transform_0, window_bounds = array<i64: 1, 8, 1000>}, {transform_indices = @transform_1, window_bounds = array<i64: 160, 2>}, {transform_indices = @transform_2, window_bounds = array<i64: 1000, 128>}, {pipeline_mode = #tpu.pipeline_mode<synchronous>, transform_indices = @transform_3, window_bounds = array<i64: 10000, 128>}, {pipeline_mode = #tpu.pipeline_mode<synchronous>, transform_indices = @transform_4, window_bounds = array<i64: 10000, 128>}]} {
    %mul3A = arith.constant 8 : i32
    %mul3A_0 = arith.muli %arg1, %mul3A : i32
    %add3A = arith.addi %mul3A_0, %arg2 : i32
    %get3A = arith.index_cast %add3A : i32 to index
    %get3A_1 = arith.constant 0 : index
    %get3A_2 = memref.load %arg4[%get3A, %get3A_1] : memref<160x2xi32, #tpu.memory_space<smem>>
    %get3A_3 = arith.index_cast %add3A : i32 to index
    %get3A_4 = arith.constant 1 : index
    %get3A_5 = memref.load %arg4[%get3A_3, %get3A_4] : memref<160x2xi32, #tpu.memory_space<smem>>
    %eq3A = arith.constant 0 : i32
    %eq3A_6 = arith.cmpi eq, %arg0, %eq3A : i32
    %eq3A_7 = arith.constant 0 : i32
    %eq3A_8 = arith.cmpi eq, %arg1, %eq3A_7 : i32
    %and3A = arith.andi %eq3A_6, %eq3A_8 : i1
    %eq3A_9 = arith.constant 0 : i32
    %eq3A_10 = arith.cmpi eq, %arg2, %eq3A_9 : i32
    %and3A_11 = arith.andi %and3A, %eq3A_10 : i1
    %convert_element_type3A = arith.extui %and3A_11 : i1 to i32
    %cond3A = arith.constant 0 : i32
    %cond3A_12 = arith.cmpi ne, %convert_element_type3A, %cond3A : i32
    scf.if %cond3A_12 {
      %get3A_436 = arith.constant 0 : index
      %get3A_437 = arith.constant 0 : index
      %get3A_438 = vector.load %arg6[%get3A_436, %get3A_437] : memref<10000x128xf32, #tpu.memory_space<vmem>>, vector<10000x128xf32>
      %swap3A_439 = arith.constant 0 : index
      %swap3A_440 = arith.constant 0 : index
      %swap3A_441 = vector.load %arg8[%swap3A_439, %swap3A_440] : memref<10000x128xf32, #tpu.memory_space<vmem>>, vector<10000x128xf32>
      tpu.vector_store %arg8[%swap3A_439, %swap3A_440], %get3A_438 {strides = array<i32>} : memref<10000x128xf32, #tpu.memory_space<vmem>>, vector<10000x128xf32>,
      %get3A_442 = arith.constant 0 : index
      %get3A_443 = arith.constant 0 : index
      %get3A_444 = vector.load %arg6[%get3A_442, %get3A_443] : memref<10000x128xf32, #tpu.memory_space<vmem>>, vector<10000x128xf32>
      %swap3A_445 = arith.constant 0 : index
      %swap3A_446 = arith.constant 0 : index
      %swap3A_447 = vector.load %arg9[%swap3A_445, %swap3A_446] : memref<10000x128xf32, #tpu.memory_space<vmem>>, vector<10000x128xf32>
      tpu.vector_store %arg9[%swap3A_445, %swap3A_446], %get3A_444 {strides = array<i32>} : memref<10000x128xf32, #tpu.memory_space<vmem>>, vector<10000x128xf32>,
    } else {
    }
    %iota3A = tpu.iota {dimensions = array<i32: 0>} : vector<128x128xi32>
    %jit3A = arith.constant 16 : i32
    %div3A = vector.broadcast %jit3A : i32 to vector<128x128xi32>
    %div3A_13 = arith.divsi %iota3A, %div3A : vector<128x128xi32>
    %sign3A = arith.constant 0 : i32
    %sign3A_14 = vector.broadcast %sign3A : i32 to vector<128x128xi32>
    %sign3A_15 = arith.cmpi sgt, %iota3A, %sign3A_14 : vector<128x128xi32>
    %sign3A_16 = arith.extui %sign3A_15 : vector<128x128xi1> to vector<128x128xi32>
    %sign3A_17 = arith.constant 0 : i32
    %sign3A_18 = vector.broadcast %sign3A_17 : i32 to vector<128x128xi32>
    %sign3A_19 = arith.cmpi slt, %iota3A, %sign3A_18 : vector<128x128xi32>
    %sign3A_20 = arith.extui %sign3A_19 : vector<128x128xi1> to vector<128x128xi32>
    %sign3A_21 = arith.subi %sign3A_16, %sign3A_20 : vector<128x128xi32>
    %sign3A_22 = arith.constant 0 : i32
    %sign3A_23 = arith.cmpi sgt, %jit3A, %sign3A_22 : i32
    %sign3A_24 = arith.extui %sign3A_23 : i1 to i32
    %sign3A_25 = arith.constant 0 : i32
    %sign3A_26 = arith.cmpi slt, %jit3A, %sign3A_25 : i32
    %sign3A_27 = arith.extui %sign3A_26 : i1 to i32
    %sign3A_28 = arith.subi %sign3A_24, %sign3A_27 : i32
    %ne3A = vector.broadcast %sign3A_28 : i32 to vector<128x128xi32>
    %ne3A_29 = arith.cmpi ne, %sign3A_21, %ne3A : vector<128x128xi32>
    %rem3A = vector.broadcast %jit3A : i32 to vector<128x128xi32>
    %rem3A_30 = arith.remsi %iota3A, %rem3A : vector<128x128xi32>
    %ne3A_31 = arith.constant 0 : i32
    %ne3A_32 = vector.broadcast %ne3A_31 : i32 to vector<128x128xi32>
    %ne3A_33 = arith.cmpi ne, %rem3A_30, %ne3A_32 : vector<128x128xi32>
    %and3A_34 = arith.andi %ne3A_29, %ne3A_33 : vector<128x128xi1>
    %sub3A = arith.constant 1 : i32
    %sub3A_35 = vector.broadcast %sub3A : i32 to vector<128x128xi32>
    %sub3A_36 = arith.subi %div3A_13, %sub3A_35 : vector<128x128xi32>
    %select_n3A = arith.select %and3A_34, %sub3A_36, %div3A_13 : vector<128x128xi1>, vector<128x128xi32>
    %iota3A_37 = tpu.iota {dimensions = array<i32: 1>} : vector<128x128xi32>
    %jit3A_38 = arith.constant 16 : i32
    %div3A_39 = vector.broadcast %jit3A_38 : i32 to vector<128x128xi32>
    %div3A_40 = arith.divsi %iota3A_37, %div3A_39 : vector<128x128xi32>
    %sign3A_41 = arith.constant 0 : i32
    %sign3A_42 = vector.broadcast %sign3A_41 : i32 to vector<128x128xi32>
    %sign3A_43 = arith.cmpi sgt, %iota3A_37, %sign3A_42 : vector<128x128xi32>
    %sign3A_44 = arith.extui %sign3A_43 : vector<128x128xi1> to vector<128x128xi32>
    %sign3A_45 = arith.constant 0 : i32
    %sign3A_46 = vector.broadcast %sign3A_45 : i32 to vector<128x128xi32>
    %sign3A_47 = arith.cmpi slt, %iota3A_37, %sign3A_46 : vector<128x128xi32>
    %sign3A_48 = arith.extui %sign3A_47 : vector<128x128xi1> to vector<128x128xi32>
    %sign3A_49 = arith.subi %sign3A_44, %sign3A_48 : vector<128x128xi32>
    %sign3A_50 = arith.constant 0 : i32
    %sign3A_51 = arith.cmpi sgt, %jit3A_38, %sign3A_50 : i32
    %sign3A_52 = arith.extui %sign3A_51 : i1 to i32
    %sign3A_53 = arith.constant 0 : i32
    %sign3A_54 = arith.cmpi slt, %jit3A_38, %sign3A_53 : i32
    %sign3A_55 = arith.extui %sign3A_54 : i1 to i32
    %sign3A_56 = arith.subi %sign3A_52, %sign3A_55 : i32
    %ne3A_57 = vector.broadcast %sign3A_56 : i32 to vector<128x128xi32>
    %ne3A_58 = arith.cmpi ne, %sign3A_49, %ne3A_57 : vector<128x128xi32>
    %rem3A_59 = vector.broadcast %jit3A_38 : i32 to vector<128x128xi32>
    %rem3A_60 = arith.remsi %iota3A_37, %rem3A_59 : vector<128x128xi32>
    %ne3A_61 = arith.constant 0 : i32
    %ne3A_62 = vector.broadcast %ne3A_61 : i32 to vector<128x128xi32>
    %ne3A_63 = arith.cmpi ne, %rem3A_60, %ne3A_62 : vector<128x128xi32>
    %and3A_64 = arith.andi %ne3A_58, %ne3A_63 : vector<128x128xi1>
    %sub3A_65 = arith.constant 1 : i32
    %sub3A_66 = vector.broadcast %sub3A_65 : i32 to vector<128x128xi32>
    %sub3A_67 = arith.subi %div3A_40, %sub3A_66 : vector<128x128xi32>
    %select_n3A_68 = arith.select %and3A_64, %sub3A_67, %div3A_40 : vector<128x128xi1>, vector<128x128xi32>
    %eq3A_69 = arith.cmpi eq, %select_n3A, %select_n3A_68 : vector<128x128xi32>
    %convert_element_type3A_70 = arith.extui %eq3A_69 : vector<128x128xi1> to vector<128x128xi32>
    %convert_element_type3A_71 = arith.sitofp %convert_element_type3A_70 : vector<128x128xi32> to vector<128x128xf32>
    %get3A_72 = arith.constant 0 : index
    %get3A_73 = arith.constant 0 : index
    %get3A_74 = arith.constant 0 : index
    %get3A_75 = vector.load %arg3[%get3A_72, %get3A_73, %get3A_74] : memref<1x8x1000xi32, #tpu.memory_space<vmem>>, vector<1x8x1000xi32>
    %squeeze3A = vector.shape_cast %get3A_75 : vector<1x8x1000xi32> to vector<8x1000xi32>
    %slice3A = vector.extract_strided_slice %squeeze3A {offsets = [0, 0], sizes = [1, 1000], strides = [1, 1]} : vector<8x1000xi32> to vector<1x1000xi32>
    %get3A_76 = arith.constant 0 : index
    %get3A_77 = arith.constant 0 : index
    %get3A_78 = vector.load %arg5[%get3A_76, %get3A_77] : memref<1000x128xf32, #tpu.memory_space<vmem>>, vector<1000x128xf32>
    %broadcast_in_dim3A = arith.constant 0.000000e+00 : f32
    %broadcast_in_dim3A_79 = vector.broadcast %broadcast_in_dim3A : f32 to vector<1000x128xf32>
    %swap3A = arith.constant 0 : index
    %swap3A_80 = arith.constant 0 : index
    %swap3A_81 = vector.load %arg10[%swap3A, %swap3A_80] : memref<1000x128xf32, #tpu.memory_space<vmem>>, vector<1000x128xf32>
    tpu.vector_store %arg10[%swap3A, %swap3A_80], %broadcast_in_dim3A_79 {strides = array<i32>} : memref<1000x128xf32, #tpu.memory_space<vmem>>, vector<1000x128xf32>,
    %lt3A = arith.constant 500 : i32
    %lt3A_82 = arith.cmpi slt, %get3A_2, %lt3A : i32
    %ge3A = arith.constant 0 : i32
    %ge3A_83 = arith.cmpi sge, %get3A_5, %ge3A : i32
    %and3A_84 = arith.andi %lt3A_82, %ge3A_83 : i1
    %convert_element_type3A_85 = arith.extui %and3A_84 : i1 to i32
    %cond3A_86 = arith.constant 0 : i32
    %cond3A_87 = arith.cmpi ne, %convert_element_type3A_85, %cond3A_86 : i32
    scf.if %cond3A_87 {
      %iota3A_436 = tpu.iota {dimensions = array<i32: 0>} : vector<500x1000xi32>
      %add3A_437 = arith.constant 0 : i32
      %add3A_438 = vector.broadcast %add3A_437 : i32 to vector<500x1000xi32>
      %add3A_439 = arith.addi %iota3A_436, %add3A_438 : vector<500x1000xi32>
      %eq3A_440 = vector.broadcast %slice3A : vector<1x1000xi32> to vector<500x1000xi32>
      %eq3A_441 = arith.cmpi eq, %add3A_439, %eq3A_440 : vector<500x1000xi32>
      %convert_element_type3A_442 = arith.extui %eq3A_441 : vector<500x1000xi1> to vector<500x1000xi32>
      %convert_element_type3A_443 = arith.sitofp %convert_element_type3A_442 : vector<500x1000xi32> to vector<500x1000xf32>
      %get3A_444 = arith.constant 0 : index
      %get3A_445 = arith.constant 0 : index
      %get3A_446 = vector.load %arg8[%get3A_444, %get3A_445] : memref<10000x128xf32, #tpu.memory_space<vmem>>, vector<500x128xf32>
      %get3A_447 = arith.constant 0 : index
      %get3A_448 = arith.constant 0 : index
      %get3A_449 = vector.load %arg10[%get3A_447, %get3A_448] : memref<1000x128xf32, #tpu.memory_space<vmem>>, vector<1000x128xf32>
      %dot_general3A_450 = arith.constant dense<0.000000e+00> : vector<1000x128xf32>
      %dot_general3A_451 = tpu.matmul %convert_element_type3A_443, %get3A_446, %dot_general3A_450 {dimension_numbers = #tpu.dot_dimension_numbers<[0], [0], [1], [1], [0, 1, 1, 1], [], []>, transpose_lhs_hint = false} : vector<500x1000xf32>, vector<500x128xf32>, vector<1000x128xf32> -> vector<1000x128xf32>
      %add3A_452 = arith.addf %get3A_449, %dot_general3A_451 : vector<1000x128xf32>
      %swap3A_453 = arith.constant 0 : index
      %swap3A_454 = arith.constant 0 : index
      %swap3A_455 = vector.load %arg10[%swap3A_453, %swap3A_454] : memref<1000x128xf32, #tpu.memory_space<vmem>>, vector<1000x128xf32>
      tpu.vector_store %arg10[%swap3A_453, %swap3A_454], %add3A_452 {strides = array<i32>} : memref<1000x128xf32, #tpu.memory_space<vmem>>, vector<1000x128xf32>,
    } else {
    }
    %lt3A_88 = arith.constant 1000 : i32
    %lt3A_89 = arith.cmpi slt, %get3A_2, %lt3A_88 : i32
    %ge3A_90 = arith.constant 500 : i32
    %ge3A_91 = arith.cmpi sge, %get3A_5, %ge3A_90 : i32
    %and3A_92 = arith.andi %lt3A_89, %ge3A_91 : i1
    %convert_element_type3A_93 = arith.extui %and3A_92 : i1 to i32
    %cond3A_94 = arith.constant 0 : i32
    %cond3A_95 = arith.cmpi ne, %convert_element_type3A_93, %cond3A_94 : i32
    scf.if %cond3A_95 {
      %iota3A_436 = tpu.iota {dimensions = array<i32: 0>} : vector<500x1000xi32>
      %add3A_437 = arith.constant 500 : i32
      %add3A_438 = vector.broadcast %add3A_437 : i32 to vector<500x1000xi32>
      %add3A_439 = arith.addi %iota3A_436, %add3A_438 : vector<500x1000xi32>
      %eq3A_440 = vector.broadcast %slice3A : vector<1x1000xi32> to vector<500x1000xi32>
      %eq3A_441 = arith.cmpi eq, %add3A_439, %eq3A_440 : vector<500x1000xi32>
      %convert_element_type3A_442 = arith.extui %eq3A_441 : vector<500x1000xi1> to vector<500x1000xi32>
      %convert_element_type3A_443 = arith.sitofp %convert_element_type3A_442 : vector<500x1000xi32> to vector<500x1000xf32>
      %get3A_444 = arith.constant 500 : index
      %get3A_445 = arith.constant 0 : index
      %get3A_446 = vector.load %arg8[%get3A_444, %get3A_445] : memref<10000x128xf32, #tpu.memory_space<vmem>>, vector<500x128xf32>
      %get3A_447 = arith.constant 0 : index
      %get3A_448 = arith.constant 0 : index
      %get3A_449 = vector.load %arg10[%get3A_447, %get3A_448] : memref<1000x128xf32, #tpu.memory_space<vmem>>, vector<1000x128xf32>
      %dot_general3A_450 = arith.constant dense<0.000000e+00> : vector<1000x128xf32>
      %dot_general3A_451 = tpu.matmul %convert_element_type3A_443, %get3A_446, %dot_general3A_450 {dimension_numbers = #tpu.dot_dimension_numbers<[0], [0], [1], [1], [0, 1, 1, 1], [], []>, transpose_lhs_hint = false} : vector<500x1000xf32>, vector<500x128xf32>, vector<1000x128xf32> -> vector<1000x128xf32>
      %add3A_452 = arith.addf %get3A_449, %dot_general3A_451 : vector<1000x128xf32>
      %swap3A_453 = arith.constant 0 : index
      %swap3A_454 = arith.constant 0 : index
      %swap3A_455 = vector.load %arg10[%swap3A_453, %swap3A_454] : memref<1000x128xf32, #tpu.memory_space<vmem>>, vector<1000x128xf32>
      tpu.vector_store %arg10[%swap3A_453, %swap3A_454], %add3A_452 {strides = array<i32>} : memref<1000x128xf32, #tpu.memory_space<vmem>>, vector<1000x128xf32>,
    } else {
    }
    %lt3A_96 = arith.constant 1500 : i32
    %lt3A_97 = arith.cmpi slt, %get3A_2, %lt3A_96 : i32
    %ge3A_98 = arith.constant 1000 : i32
    %ge3A_99 = arith.cmpi sge, %get3A_5, %ge3A_98 : i32
    %and3A_100 = arith.andi %lt3A_97, %ge3A_99 : i1
    %convert_element_type3A_101 = arith.extui %and3A_100 : i1 to i32
    %cond3A_102 = arith.constant 0 : i32
    %cond3A_103 = arith.cmpi ne, %convert_element_type3A_101, %cond3A_102 : i32
    scf.if %cond3A_103 {
      %iota3A_436 = tpu.iota {dimensions = array<i32: 0>} : vector<500x1000xi32>
      %add3A_437 = arith.constant 1000 : i32
      %add3A_438 = vector.broadcast %add3A_437 : i32 to vector<500x1000xi32>
      %add3A_439 = arith.addi %iota3A_436, %add3A_438 : vector<500x1000xi32>
      %eq3A_440 = vector.broadcast %slice3A : vector<1x1000xi32> to vector<500x1000xi32>
      %eq3A_441 = arith.cmpi eq, %add3A_439, %eq3A_440 : vector<500x1000xi32>
      %convert_element_type3A_442 = arith.extui %eq3A_441 : vector<500x1000xi1> to vector<500x1000xi32>
      %convert_element_type3A_443 = arith.sitofp %convert_element_type3A_442 : vector<500x1000xi32> to vector<500x1000xf32>
      %get3A_444 = arith.constant 1000 : index
      %get3A_445 = arith.constant 0 : index
      %get3A_446 = vector.load %arg8[%get3A_444, %get3A_445] : memref<10000x128xf32, #tpu.memory_space<vmem>>, vector<500x128xf32>
      %get3A_447 = arith.constant 0 : index
      %get3A_448 = arith.constant 0 : index
      %get3A_449 = vector.load %arg10[%get3A_447, %get3A_448] : memref<1000x128xf32, #tpu.memory_space<vmem>>, vector<1000x128xf32>
      %dot_general3A_450 = arith.constant dense<0.000000e+00> : vector<1000x128xf32>
      %dot_general3A_451 = tpu.matmul %convert_element_type3A_443, %get3A_446, %dot_general3A_450 {dimension_numbers = #tpu.dot_dimension_numbers<[0], [0], [1], [1], [0, 1, 1, 1], [], []>, transpose_lhs_hint = false} : vector<500x1000xf32>, vector<500x128xf32>, vector<1000x128xf32> -> vector<1000x128xf32>
      %add3A_452 = arith.addf %get3A_449, %dot_general3A_451 : vector<1000x128xf32>
      %swap3A_453 = arith.constant 0 : index
      %swap3A_454 = arith.constant 0 : index
      %swap3A_455 = vector.load %arg10[%swap3A_453, %swap3A_454] : memref<1000x128xf32, #tpu.memory_space<vmem>>, vector<1000x128xf32>
      tpu.vector_store %arg10[%swap3A_453, %swap3A_454], %add3A_452 {strides = array<i32>} : memref<1000x128xf32, #tpu.memory_space<vmem>>, vector<1000x128xf32>,
    } else {
    }
    %lt3A_104 = arith.constant 2000 : i32
    %lt3A_105 = arith.cmpi slt, %get3A_2, %lt3A_104 : i32
    %ge3A_106 = arith.constant 1500 : i32
    %ge3A_107 = arith.cmpi sge, %get3A_5, %ge3A_106 : i32
    %and3A_108 = arith.andi %lt3A_105, %ge3A_107 : i1
    %convert_element_type3A_109 = arith.extui %and3A_108 : i1 to i32
    %cond3A_110 = arith.constant 0 : i32
    %cond3A_111 = arith.cmpi ne, %convert_element_type3A_109, %cond3A_110 : i32
    scf.if %cond3A_111 {
      %iota3A_436 = tpu.iota {dimensions = array<i32: 0>} : vector<500x1000xi32>
      %add3A_437 = arith.constant 1500 : i32
      %add3A_438 = vector.broadcast %add3A_437 : i32 to vector<500x1000xi32>
      %add3A_439 = arith.addi %iota3A_436, %add3A_438 : vector<500x1000xi32>
      %eq3A_440 = vector.broadcast %slice3A : vector<1x1000xi32> to vector<500x1000xi32>
      %eq3A_441 = arith.cmpi eq, %add3A_439, %eq3A_440 : vector<500x1000xi32>
      %convert_element_type3A_442 = arith.extui %eq3A_441 : vector<500x1000xi1> to vector<500x1000xi32>
      %convert_element_type3A_443 = arith.sitofp %convert_element_type3A_442 : vector<500x1000xi32> to vector<500x1000xf32>
      %get3A_444 = arith.constant 1500 : index
      %get3A_445 = arith.constant 0 : index
      %get3A_446 = vector.load %arg8[%get3A_444, %get3A_445] : memref<10000x128xf32, #tpu.memory_space<vmem>>, vector<500x128xf32>
      %get3A_447 = arith.constant 0 : index
      %get3A_448 = arith.constant 0 : index
      %get3A_449 = vector.load %arg10[%get3A_447, %get3A_448] : memref<1000x128xf32, #tpu.memory_space<vmem>>, vector<1000x128xf32>
      %dot_general3A_450 = arith.constant dense<0.000000e+00> : vector<1000x128xf32>
      %dot_general3A_451 = tpu.matmul %convert_element_type3A_443, %get3A_446, %dot_general3A_450 {dimension_numbers = #tpu.dot_dimension_numbers<[0], [0], [1], [1], [0, 1, 1, 1], [], []>, transpose_lhs_hint = false} : vector<500x1000xf32>, vector<500x128xf32>, vector<1000x128xf32> -> vector<1000x128xf32>
      %add3A_452 = arith.addf %get3A_449, %dot_general3A_451 : vector<1000x128xf32>
      %swap3A_453 = arith.constant 0 : index
      %swap3A_454 = arith.constant 0 : index
      %swap3A_455 = vector.load %arg10[%swap3A_453, %swap3A_454] : memref<1000x128xf32, #tpu.memory_space<vmem>>, vector<1000x128xf32>
      tpu.vector_store %arg10[%swap3A_453, %swap3A_454], %add3A_452 {strides = array<i32>} : memref<1000x128xf32, #tpu.memory_space<vmem>>, vector<1000x128xf32>,
    } else {
    }
    %lt3A_112 = arith.constant 2500 : i32
    %lt3A_113 = arith.cmpi slt, %get3A_2, %lt3A_112 : i32
    %ge3A_114 = arith.constant 2000 : i32
    %ge3A_115 = arith.cmpi sge, %get3A_5, %ge3A_114 : i32
    %and3A_116 = arith.andi %lt3A_113, %ge3A_115 : i1
    %convert_element_type3A_117 = arith.extui %and3A_116 : i1 to i32
    %cond3A_118 = arith.constant 0 : i32
    %cond3A_119 = arith.cmpi ne, %convert_element_type3A_117, %cond3A_118 : i32
    scf.if %cond3A_119 {
      %iota3A_436 = tpu.iota {dimensions = array<i32: 0>} : vector<500x1000xi32>
      %add3A_437 = arith.constant 2000 : i32
      %add3A_438 = vector.broadcast %add3A_437 : i32 to vector<500x1000xi32>
      %add3A_439 = arith.addi %iota3A_436, %add3A_438 : vector<500x1000xi32>
      %eq3A_440 = vector.broadcast %slice3A : vector<1x1000xi32> to vector<500x1000xi32>
      %eq3A_441 = arith.cmpi eq, %add3A_439, %eq3A_440 : vector<500x1000xi32>
      %convert_element_type3A_442 = arith.extui %eq3A_441 : vector<500x1000xi1> to vector<500x1000xi32>
      %convert_element_type3A_443 = arith.sitofp %convert_element_type3A_442 : vector<500x1000xi32> to vector<500x1000xf32>
      %get3A_444 = arith.constant 2000 : index
      %get3A_445 = arith.constant 0 : index
      %get3A_446 = vector.load %arg8[%get3A_444, %get3A_445] : memref<10000x128xf32, #tpu.memory_space<vmem>>, vector<500x128xf32>
      %get3A_447 = arith.constant 0 : index
      %get3A_448 = arith.constant 0 : index
      %get3A_449 = vector.load %arg10[%get3A_447, %get3A_448] : memref<1000x128xf32, #tpu.memory_space<vmem>>, vector<1000x128xf32>
      %dot_general3A_450 = arith.constant dense<0.000000e+00> : vector<1000x128xf32>
      %dot_general3A_451 = tpu.matmul %convert_element_type3A_443, %get3A_446, %dot_general3A_450 {dimension_numbers = #tpu.dot_dimension_numbers<[0], [0], [1], [1], [0, 1, 1, 1], [], []>, transpose_lhs_hint = false} : vector<500x1000xf32>, vector<500x128xf32>, vector<1000x128xf32> -> vector<1000x128xf32>
      %add3A_452 = arith.addf %get3A_449, %dot_general3A_451 : vector<1000x128xf32>
      %swap3A_453 = arith.constant 0 : index
      %swap3A_454 = arith.constant 0 : index
      %swap3A_455 = vector.load %arg10[%swap3A_453, %swap3A_454] : memref<1000x128xf32, #tpu.memory_space<vmem>>, vector<1000x128xf32>
      tpu.vector_store %arg10[%swap3A_453, %swap3A_454], %add3A_452 {strides = array<i32>} : memref<1000x128xf32, #tpu.memory_space<vmem>>, vector<1000x128xf32>,
    } else {
    }
    %lt3A_120 = arith.constant 3000 : i32
    %lt3A_121 = arith.cmpi slt, %get3A_2, %lt3A_120 : i32
    %ge3A_122 = arith.constant 2500 : i32
    %ge3A_123 = arith.cmpi sge, %get3A_5, %ge3A_122 : i32
    %and3A_124 = arith.andi %lt3A_121, %ge3A_123 : i1
    %convert_element_type3A_125 = arith.extui %and3A_124 : i1 to i32
    %cond3A_126 = arith.constant 0 : i32
    %cond3A_127 = arith.cmpi ne, %convert_element_type3A_125, %cond3A_126 : i32
    scf.if %cond3A_127 {
      %iota3A_436 = tpu.iota {dimensions = array<i32: 0>} : vector<500x1000xi32>
      %add3A_437 = arith.constant 2500 : i32
      %add3A_438 = vector.broadcast %add3A_437 : i32 to vector<500x1000xi32>
      %add3A_439 = arith.addi %iota3A_436, %add3A_438 : vector<500x1000xi32>
      %eq3A_440 = vector.broadcast %slice3A : vector<1x1000xi32> to vector<500x1000xi32>
      %eq3A_441 = arith.cmpi eq, %add3A_439, %eq3A_440 : vector<500x1000xi32>
      %convert_element_type3A_442 = arith.extui %eq3A_441 : vector<500x1000xi1> to vector<500x1000xi32>
      %convert_element_type3A_443 = arith.sitofp %convert_element_type3A_442 : vector<500x1000xi32> to vector<500x1000xf32>
      %get3A_444 = arith.constant 2500 : index
      %get3A_445 = arith.constant 0 : index
      %get3A_446 = vector.load %arg8[%get3A_444, %get3A_445] : memref<10000x128xf32, #tpu.memory_space<vmem>>, vector<500x128xf32>
      %get3A_447 = arith.constant 0 : index
      %get3A_448 = arith.constant 0 : index
      %get3A_449 = vector.load %arg10[%get3A_447, %get3A_448] : memref<1000x128xf32, #tpu.memory_space<vmem>>, vector<1000x128xf32>
      %dot_general3A_450 = arith.constant dense<0.000000e+00> : vector<1000x128xf32>
      %dot_general3A_451 = tpu.matmul %convert_element_type3A_443, %get3A_446, %dot_general3A_450 {dimension_numbers = #tpu.dot_dimension_numbers<[0], [0], [1], [1], [0, 1, 1, 1], [], []>, transpose_lhs_hint = false} : vector<500x1000xf32>, vector<500x128xf32>, vector<1000x128xf32> -> vector<1000x128xf32>
      %add3A_452 = arith.addf %get3A_449, %dot_general3A_451 : vector<1000x128xf32>
      %swap3A_453 = arith.constant 0 : index
      %swap3A_454 = arith.constant 0 : index
      %swap3A_455 = vector.load %arg10[%swap3A_453, %swap3A_454] : memref<1000x128xf32, #tpu.memory_space<vmem>>, vector<1000x128xf32>
      tpu.vector_store %arg10[%swap3A_453, %swap3A_454], %add3A_452 {strides = array<i32>} : memref<1000x128xf32, #tpu.memory_space<vmem>>, vector<1000x128xf32>,
    } else {
    }
    %lt3A_128 = arith.constant 3500 : i32
    %lt3A_129 = arith.cmpi slt, %get3A_2, %lt3A_128 : i32
    %ge3A_130 = arith.constant 3000 : i32
    %ge3A_131 = arith.cmpi sge, %get3A_5, %ge3A_130 : i32
    %and3A_132 = arith.andi %lt3A_129, %ge3A_131 : i1
    %convert_element_type3A_133 = arith.extui %and3A_132 : i1 to i32
    %cond3A_134 = arith.constant 0 : i32
    %cond3A_135 = arith.cmpi ne, %convert_element_type3A_133, %cond3A_134 : i32
    scf.if %cond3A_135 {
      %iota3A_436 = tpu.iota {dimensions = array<i32: 0>} : vector<500x1000xi32>
      %add3A_437 = arith.constant 3000 : i32
      %add3A_438 = vector.broadcast %add3A_437 : i32 to vector<500x1000xi32>
      %add3A_439 = arith.addi %iota3A_436, %add3A_438 : vector<500x1000xi32>
      %eq3A_440 = vector.broadcast %slice3A : vector<1x1000xi32> to vector<500x1000xi32>
      %eq3A_441 = arith.cmpi eq, %add3A_439, %eq3A_440 : vector<500x1000xi32>
      %convert_element_type3A_442 = arith.extui %eq3A_441 : vector<500x1000xi1> to vector<500x1000xi32>
      %convert_element_type3A_443 = arith.sitofp %convert_element_type3A_442 : vector<500x1000xi32> to vector<500x1000xf32>
      %get3A_444 = arith.constant 3000 : index
      %get3A_445 = arith.constant 0 : index
      %get3A_446 = vector.load %arg8[%get3A_444, %get3A_445] : memref<10000x128xf32, #tpu.memory_space<vmem>>, vector<500x128xf32>
      %get3A_447 = arith.constant 0 : index
      %get3A_448 = arith.constant 0 : index
      %get3A_449 = vector.load %arg10[%get3A_447, %get3A_448] : memref<1000x128xf32, #tpu.memory_space<vmem>>, vector<1000x128xf32>
      %dot_general3A_450 = arith.constant dense<0.000000e+00> : vector<1000x128xf32>
      %dot_general3A_451 = tpu.matmul %convert_element_type3A_443, %get3A_446, %dot_general3A_450 {dimension_numbers = #tpu.dot_dimension_numbers<[0], [0], [1], [1], [0, 1, 1, 1], [], []>, transpose_lhs_hint = false} : vector<500x1000xf32>, vector<500x128xf32>, vector<1000x128xf32> -> vector<1000x128xf32>
      %add3A_452 = arith.addf %get3A_449, %dot_general3A_451 : vector<1000x128xf32>
      %swap3A_453 = arith.constant 0 : index
      %swap3A_454 = arith.constant 0 : index
      %swap3A_455 = vector.load %arg10[%swap3A_453, %swap3A_454] : memref<1000x128xf32, #tpu.memory_space<vmem>>, vector<1000x128xf32>
      tpu.vector_store %arg10[%swap3A_453, %swap3A_454], %add3A_452 {strides = array<i32>} : memref<1000x128xf32, #tpu.memory_space<vmem>>, vector<1000x128xf32>,
    } else {
    }
    %lt3A_136 = arith.constant 4000 : i32
    %lt3A_137 = arith.cmpi slt, %get3A_2, %lt3A_136 : i32
    %ge3A_138 = arith.constant 3500 : i32
    %ge3A_139 = arith.cmpi sge, %get3A_5, %ge3A_138 : i32
    %and3A_140 = arith.andi %lt3A_137, %ge3A_139 : i1
    %convert_element_type3A_141 = arith.extui %and3A_140 : i1 to i32
    %cond3A_142 = arith.constant 0 : i32
    %cond3A_143 = arith.cmpi ne, %convert_element_type3A_141, %cond3A_142 : i32
    scf.if %cond3A_143 {
      %iota3A_436 = tpu.iota {dimensions = array<i32: 0>} : vector<500x1000xi32>
      %add3A_437 = arith.constant 3500 : i32
      %add3A_438 = vector.broadcast %add3A_437 : i32 to vector<500x1000xi32>
      %add3A_439 = arith.addi %iota3A_436, %add3A_438 : vector<500x1000xi32>
      %eq3A_440 = vector.broadcast %slice3A : vector<1x1000xi32> to vector<500x1000xi32>
      %eq3A_441 = arith.cmpi eq, %add3A_439, %eq3A_440 : vector<500x1000xi32>
      %convert_element_type3A_442 = arith.extui %eq3A_441 : vector<500x1000xi1> to vector<500x1000xi32>
      %convert_element_type3A_443 = arith.sitofp %convert_element_type3A_442 : vector<500x1000xi32> to vector<500x1000xf32>
      %get3A_444 = arith.constant 3500 : index
      %get3A_445 = arith.constant 0 : index
      %get3A_446 = vector.load %arg8[%get3A_444, %get3A_445] : memref<10000x128xf32, #tpu.memory_space<vmem>>, vector<500x128xf32>
      %get3A_447 = arith.constant 0 : index
      %get3A_448 = arith.constant 0 : index
      %get3A_449 = vector.load %arg10[%get3A_447, %get3A_448] : memref<1000x128xf32, #tpu.memory_space<vmem>>, vector<1000x128xf32>
      %dot_general3A_450 = arith.constant dense<0.000000e+00> : vector<1000x128xf32>
      %dot_general3A_451 = tpu.matmul %convert_element_type3A_443, %get3A_446, %dot_general3A_450 {dimension_numbers = #tpu.dot_dimension_numbers<[0], [0], [1], [1], [0, 1, 1, 1], [], []>, transpose_lhs_hint = false} : vector<500x1000xf32>, vector<500x128xf32>, vector<1000x128xf32> -> vector<1000x128xf32>
      %add3A_452 = arith.addf %get3A_449, %dot_general3A_451 : vector<1000x128xf32>
      %swap3A_453 = arith.constant 0 : index
      %swap3A_454 = arith.constant 0 : index
      %swap3A_455 = vector.load %arg10[%swap3A_453, %swap3A_454] : memref<1000x128xf32, #tpu.memory_space<vmem>>, vector<1000x128xf32>
      tpu.vector_store %arg10[%swap3A_453, %swap3A_454], %add3A_452 {strides = array<i32>} : memref<1000x128xf32, #tpu.memory_space<vmem>>, vector<1000x128xf32>,
    } else {
    }
    %lt3A_144 = arith.constant 4500 : i32
    %lt3A_145 = arith.cmpi slt, %get3A_2, %lt3A_144 : i32
    %ge3A_146 = arith.constant 4000 : i32
    %ge3A_147 = arith.cmpi sge, %get3A_5, %ge3A_146 : i32
    %and3A_148 = arith.andi %lt3A_145, %ge3A_147 : i1
    %convert_element_type3A_149 = arith.extui %and3A_148 : i1 to i32
    %cond3A_150 = arith.constant 0 : i32
    %cond3A_151 = arith.cmpi ne, %convert_element_type3A_149, %cond3A_150 : i32
    scf.if %cond3A_151 {
      %iota3A_436 = tpu.iota {dimensions = array<i32: 0>} : vector<500x1000xi32>
      %add3A_437 = arith.constant 4000 : i32
      %add3A_438 = vector.broadcast %add3A_437 : i32 to vector<500x1000xi32>
      %add3A_439 = arith.addi %iota3A_436, %add3A_438 : vector<500x1000xi32>
      %eq3A_440 = vector.broadcast %slice3A : vector<1x1000xi32> to vector<500x1000xi32>
      %eq3A_441 = arith.cmpi eq, %add3A_439, %eq3A_440 : vector<500x1000xi32>
      %convert_element_type3A_442 = arith.extui %eq3A_441 : vector<500x1000xi1> to vector<500x1000xi32>
      %convert_element_type3A_443 = arith.sitofp %convert_element_type3A_442 : vector<500x1000xi32> to vector<500x1000xf32>
      %get3A_444 = arith.constant 4000 : index
      %get3A_445 = arith.constant 0 : index
      %get3A_446 = vector.load %arg8[%get3A_444, %get3A_445] : memref<10000x128xf32, #tpu.memory_space<vmem>>, vector<500x128xf32>
      %get3A_447 = arith.constant 0 : index
      %get3A_448 = arith.constant 0 : index
      %get3A_449 = vector.load %arg10[%get3A_447, %get3A_448] : memref<1000x128xf32, #tpu.memory_space<vmem>>, vector<1000x128xf32>
      %dot_general3A_450 = arith.constant dense<0.000000e+00> : vector<1000x128xf32>
      %dot_general3A_451 = tpu.matmul %convert_element_type3A_443, %get3A_446, %dot_general3A_450 {dimension_numbers = #tpu.dot_dimension_numbers<[0], [0], [1], [1], [0, 1, 1, 1], [], []>, transpose_lhs_hint = false} : vector<500x1000xf32>, vector<500x128xf32>, vector<1000x128xf32> -> vector<1000x128xf32>
      %add3A_452 = arith.addf %get3A_449, %dot_general3A_451 : vector<1000x128xf32>
      %swap3A_453 = arith.constant 0 : index
      %swap3A_454 = arith.constant 0 : index
      %swap3A_455 = vector.load %arg10[%swap3A_453, %swap3A_454] : memref<1000x128xf32, #tpu.memory_space<vmem>>, vector<1000x128xf32>
      tpu.vector_store %arg10[%swap3A_453, %swap3A_454], %add3A_452 {strides = array<i32>} : memref<1000x128xf32, #tpu.memory_space<vmem>>, vector<1000x128xf32>,
    } else {
    }
    %lt3A_152 = arith.constant 5000 : i32
    %lt3A_153 = arith.cmpi slt, %get3A_2, %lt3A_152 : i32
    %ge3A_154 = arith.constant 4500 : i32
    %ge3A_155 = arith.cmpi sge, %get3A_5, %ge3A_154 : i32
    %and3A_156 = arith.andi %lt3A_153, %ge3A_155 : i1
    %convert_element_type3A_157 = arith.extui %and3A_156 : i1 to i32
    %cond3A_158 = arith.constant 0 : i32
    %cond3A_159 = arith.cmpi ne, %convert_element_type3A_157, %cond3A_158 : i32
    scf.if %cond3A_159 {
      %iota3A_436 = tpu.iota {dimensions = array<i32: 0>} : vector<500x1000xi32>
      %add3A_437 = arith.constant 4500 : i32
      %add3A_438 = vector.broadcast %add3A_437 : i32 to vector<500x1000xi32>
      %add3A_439 = arith.addi %iota3A_436, %add3A_438 : vector<500x1000xi32>
      %eq3A_440 = vector.broadcast %slice3A : vector<1x1000xi32> to vector<500x1000xi32>
      %eq3A_441 = arith.cmpi eq, %add3A_439, %eq3A_440 : vector<500x1000xi32>
      %convert_element_type3A_442 = arith.extui %eq3A_441 : vector<500x1000xi1> to vector<500x1000xi32>
      %convert_element_type3A_443 = arith.sitofp %convert_element_type3A_442 : vector<500x1000xi32> to vector<500x1000xf32>
      %get3A_444 = arith.constant 4500 : index
      %get3A_445 = arith.constant 0 : index
      %get3A_446 = vector.load %arg8[%get3A_444, %get3A_445] : memref<10000x128xf32, #tpu.memory_space<vmem>>, vector<500x128xf32>
      %get3A_447 = arith.constant 0 : index
      %get3A_448 = arith.constant 0 : index
      %get3A_449 = vector.load %arg10[%get3A_447, %get3A_448] : memref<1000x128xf32, #tpu.memory_space<vmem>>, vector<1000x128xf32>
      %dot_general3A_450 = arith.constant dense<0.000000e+00> : vector<1000x128xf32>
      %dot_general3A_451 = tpu.matmul %convert_element_type3A_443, %get3A_446, %dot_general3A_450 {dimension_numbers = #tpu.dot_dimension_numbers<[0], [0], [1], [1], [0, 1, 1, 1], [], []>, transpose_lhs_hint = false} : vector<500x1000xf32>, vector<500x128xf32>, vector<1000x128xf32> -> vector<1000x128xf32>
      %add3A_452 = arith.addf %get3A_449, %dot_general3A_451 : vector<1000x128xf32>
      %swap3A_453 = arith.constant 0 : index
      %swap3A_454 = arith.constant 0 : index
      %swap3A_455 = vector.load %arg10[%swap3A_453, %swap3A_454] : memref<1000x128xf32, #tpu.memory_space<vmem>>, vector<1000x128xf32>
      tpu.vector_store %arg10[%swap3A_453, %swap3A_454], %add3A_452 {strides = array<i32>} : memref<1000x128xf32, #tpu.memory_space<vmem>>, vector<1000x128xf32>,
    } else {
    }
    %lt3A_160 = arith.constant 5500 : i32
    %lt3A_161 = arith.cmpi slt, %get3A_2, %lt3A_160 : i32
    %ge3A_162 = arith.constant 5000 : i32
    %ge3A_163 = arith.cmpi sge, %get3A_5, %ge3A_162 : i32
    %and3A_164 = arith.andi %lt3A_161, %ge3A_163 : i1
    %convert_element_type3A_165 = arith.extui %and3A_164 : i1 to i32
    %cond3A_166 = arith.constant 0 : i32
    %cond3A_167 = arith.cmpi ne, %convert_element_type3A_165, %cond3A_166 : i32
    scf.if %cond3A_167 {
      %iota3A_436 = tpu.iota {dimensions = array<i32: 0>} : vector<500x1000xi32>
      %add3A_437 = arith.constant 5000 : i32
      %add3A_438 = vector.broadcast %add3A_437 : i32 to vector<500x1000xi32>
      %add3A_439 = arith.addi %iota3A_436, %add3A_438 : vector<500x1000xi32>
      %eq3A_440 = vector.broadcast %slice3A : vector<1x1000xi32> to vector<500x1000xi32>
      %eq3A_441 = arith.cmpi eq, %add3A_439, %eq3A_440 : vector<500x1000xi32>
      %convert_element_type3A_442 = arith.extui %eq3A_441 : vector<500x1000xi1> to vector<500x1000xi32>
      %convert_element_type3A_443 = arith.sitofp %convert_element_type3A_442 : vector<500x1000xi32> to vector<500x1000xf32>
      %get3A_444 = arith.constant 5000 : index
      %get3A_445 = arith.constant 0 : index
      %get3A_446 = vector.load %arg8[%get3A_444, %get3A_445] : memref<10000x128xf32, #tpu.memory_space<vmem>>, vector<500x128xf32>
      %get3A_447 = arith.constant 0 : index
      %get3A_448 = arith.constant 0 : index
      %get3A_449 = vector.load %arg10[%get3A_447, %get3A_448] : memref<1000x128xf32, #tpu.memory_space<vmem>>, vector<1000x128xf32>
      %dot_general3A_450 = arith.constant dense<0.000000e+00> : vector<1000x128xf32>
      %dot_general3A_451 = tpu.matmul %convert_element_type3A_443, %get3A_446, %dot_general3A_450 {dimension_numbers = #tpu.dot_dimension_numbers<[0], [0], [1], [1], [0, 1, 1, 1], [], []>, transpose_lhs_hint = false} : vector<500x1000xf32>, vector<500x128xf32>, vector<1000x128xf32> -> vector<1000x128xf32>
      %add3A_452 = arith.addf %get3A_449, %dot_general3A_451 : vector<1000x128xf32>
      %swap3A_453 = arith.constant 0 : index
      %swap3A_454 = arith.constant 0 : index
      %swap3A_455 = vector.load %arg10[%swap3A_453, %swap3A_454] : memref<1000x128xf32, #tpu.memory_space<vmem>>, vector<1000x128xf32>
      tpu.vector_store %arg10[%swap3A_453, %swap3A_454], %add3A_452 {strides = array<i32>} : memref<1000x128xf32, #tpu.memory_space<vmem>>, vector<1000x128xf32>,
    } else {
    }
    %lt3A_168 = arith.constant 6000 : i32
    %lt3A_169 = arith.cmpi slt, %get3A_2, %lt3A_168 : i32
    %ge3A_170 = arith.constant 5500 : i32
    %ge3A_171 = arith.cmpi sge, %get3A_5, %ge3A_170 : i32
    %and3A_172 = arith.andi %lt3A_169, %ge3A_171 : i1
    %convert_element_type3A_173 = arith.extui %and3A_172 : i1 to i32
    %cond3A_174 = arith.constant 0 : i32
    %cond3A_175 = arith.cmpi ne, %convert_element_type3A_173, %cond3A_174 : i32
    scf.if %cond3A_175 {
      %iota3A_436 = tpu.iota {dimensions = array<i32: 0>} : vector<500x1000xi32>
      %add3A_437 = arith.constant 5500 : i32
      %add3A_438 = vector.broadcast %add3A_437 : i32 to vector<500x1000xi32>
      %add3A_439 = arith.addi %iota3A_436, %add3A_438 : vector<500x1000xi32>
      %eq3A_440 = vector.broadcast %slice3A : vector<1x1000xi32> to vector<500x1000xi32>
      %eq3A_441 = arith.cmpi eq, %add3A_439, %eq3A_440 : vector<500x1000xi32>
      %convert_element_type3A_442 = arith.extui %eq3A_441 : vector<500x1000xi1> to vector<500x1000xi32>
      %convert_element_type3A_443 = arith.sitofp %convert_element_type3A_442 : vector<500x1000xi32> to vector<500x1000xf32>
      %get3A_444 = arith.constant 5500 : index
      %get3A_445 = arith.constant 0 : index
      %get3A_446 = vector.load %arg8[%get3A_444, %get3A_445] : memref<10000x128xf32, #tpu.memory_space<vmem>>, vector<500x128xf32>
      %get3A_447 = arith.constant 0 : index
      %get3A_448 = arith.constant 0 : index
      %get3A_449 = vector.load %arg10[%get3A_447, %get3A_448] : memref<1000x128xf32, #tpu.memory_space<vmem>>, vector<1000x128xf32>
      %dot_general3A_450 = arith.constant dense<0.000000e+00> : vector<1000x128xf32>
      %dot_general3A_451 = tpu.matmul %convert_element_type3A_443, %get3A_446, %dot_general3A_450 {dimension_numbers = #tpu.dot_dimension_numbers<[0], [0], [1], [1], [0, 1, 1, 1], [], []>, transpose_lhs_hint = false} : vector<500x1000xf32>, vector<500x128xf32>, vector<1000x128xf32> -> vector<1000x128xf32>
      %add3A_452 = arith.addf %get3A_449, %dot_general3A_451 : vector<1000x128xf32>
      %swap3A_453 = arith.constant 0 : index
      %swap3A_454 = arith.constant 0 : index
      %swap3A_455 = vector.load %arg10[%swap3A_453, %swap3A_454] : memref<1000x128xf32, #tpu.memory_space<vmem>>, vector<1000x128xf32>
      tpu.vector_store %arg10[%swap3A_453, %swap3A_454], %add3A_452 {strides = array<i32>} : memref<1000x128xf32, #tpu.memory_space<vmem>>, vector<1000x128xf32>,
    } else {
    }
    %lt3A_176 = arith.constant 6500 : i32
    %lt3A_177 = arith.cmpi slt, %get3A_2, %lt3A_176 : i32
    %ge3A_178 = arith.constant 6000 : i32
    %ge3A_179 = arith.cmpi sge, %get3A_5, %ge3A_178 : i32
    %and3A_180 = arith.andi %lt3A_177, %ge3A_179 : i1
    %convert_element_type3A_181 = arith.extui %and3A_180 : i1 to i32
    %cond3A_182 = arith.constant 0 : i32
    %cond3A_183 = arith.cmpi ne, %convert_element_type3A_181, %cond3A_182 : i32
    scf.if %cond3A_183 {
      %iota3A_436 = tpu.iota {dimensions = array<i32: 0>} : vector<500x1000xi32>
      %add3A_437 = arith.constant 6000 : i32
      %add3A_438 = vector.broadcast %add3A_437 : i32 to vector<500x1000xi32>
      %add3A_439 = arith.addi %iota3A_436, %add3A_438 : vector<500x1000xi32>
      %eq3A_440 = vector.broadcast %slice3A : vector<1x1000xi32> to vector<500x1000xi32>
      %eq3A_441 = arith.cmpi eq, %add3A_439, %eq3A_440 : vector<500x1000xi32>
      %convert_element_type3A_442 = arith.extui %eq3A_441 : vector<500x1000xi1> to vector<500x1000xi32>
      %convert_element_type3A_443 = arith.sitofp %convert_element_type3A_442 : vector<500x1000xi32> to vector<500x1000xf32>
      %get3A_444 = arith.constant 6000 : index
      %get3A_445 = arith.constant 0 : index
      %get3A_446 = vector.load %arg8[%get3A_444, %get3A_445] : memref<10000x128xf32, #tpu.memory_space<vmem>>, vector<500x128xf32>
      %get3A_447 = arith.constant 0 : index
      %get3A_448 = arith.constant 0 : index
      %get3A_449 = vector.load %arg10[%get3A_447, %get3A_448] : memref<1000x128xf32, #tpu.memory_space<vmem>>, vector<1000x128xf32>
      %dot_general3A_450 = arith.constant dense<0.000000e+00> : vector<1000x128xf32>
      %dot_general3A_451 = tpu.matmul %convert_element_type3A_443, %get3A_446, %dot_general3A_450 {dimension_numbers = #tpu.dot_dimension_numbers<[0], [0], [1], [1], [0, 1, 1, 1], [], []>, transpose_lhs_hint = false} : vector<500x1000xf32>, vector<500x128xf32>, vector<1000x128xf32> -> vector<1000x128xf32>
      %add3A_452 = arith.addf %get3A_449, %dot_general3A_451 : vector<1000x128xf32>
      %swap3A_453 = arith.constant 0 : index
      %swap3A_454 = arith.constant 0 : index
      %swap3A_455 = vector.load %arg10[%swap3A_453, %swap3A_454] : memref<1000x128xf32, #tpu.memory_space<vmem>>, vector<1000x128xf32>
      tpu.vector_store %arg10[%swap3A_453, %swap3A_454], %add3A_452 {strides = array<i32>} : memref<1000x128xf32, #tpu.memory_space<vmem>>, vector<1000x128xf32>,
    } else {
    }
    %lt3A_184 = arith.constant 7000 : i32
    %lt3A_185 = arith.cmpi slt, %get3A_2, %lt3A_184 : i32
    %ge3A_186 = arith.constant 6500 : i32
    %ge3A_187 = arith.cmpi sge, %get3A_5, %ge3A_186 : i32
    %and3A_188 = arith.andi %lt3A_185, %ge3A_187 : i1
    %convert_element_type3A_189 = arith.extui %and3A_188 : i1 to i32
    %cond3A_190 = arith.constant 0 : i32
    %cond3A_191 = arith.cmpi ne, %convert_element_type3A_189, %cond3A_190 : i32
    scf.if %cond3A_191 {
      %iota3A_436 = tpu.iota {dimensions = array<i32: 0>} : vector<500x1000xi32>
      %add3A_437 = arith.constant 6500 : i32
      %add3A_438 = vector.broadcast %add3A_437 : i32 to vector<500x1000xi32>
      %add3A_439 = arith.addi %iota3A_436, %add3A_438 : vector<500x1000xi32>
      %eq3A_440 = vector.broadcast %slice3A : vector<1x1000xi32> to vector<500x1000xi32>
      %eq3A_441 = arith.cmpi eq, %add3A_439, %eq3A_440 : vector<500x1000xi32>
      %convert_element_type3A_442 = arith.extui %eq3A_441 : vector<500x1000xi1> to vector<500x1000xi32>
      %convert_element_type3A_443 = arith.sitofp %convert_element_type3A_442 : vector<500x1000xi32> to vector<500x1000xf32>
      %get3A_444 = arith.constant 6500 : index
      %get3A_445 = arith.constant 0 : index
      %get3A_446 = vector.load %arg8[%get3A_444, %get3A_445] : memref<10000x128xf32, #tpu.memory_space<vmem>>, vector<500x128xf32>
      %get3A_447 = arith.constant 0 : index
      %get3A_448 = arith.constant 0 : index
      %get3A_449 = vector.load %arg10[%get3A_447, %get3A_448] : memref<1000x128xf32, #tpu.memory_space<vmem>>, vector<1000x128xf32>
      %dot_general3A_450 = arith.constant dense<0.000000e+00> : vector<1000x128xf32>
      %dot_general3A_451 = tpu.matmul %convert_element_type3A_443, %get3A_446, %dot_general3A_450 {dimension_numbers = #tpu.dot_dimension_numbers<[0], [0], [1], [1], [0, 1, 1, 1], [], []>, transpose_lhs_hint = false} : vector<500x1000xf32>, vector<500x128xf32>, vector<1000x128xf32> -> vector<1000x128xf32>
      %add3A_452 = arith.addf %get3A_449, %dot_general3A_451 : vector<1000x128xf32>
      %swap3A_453 = arith.constant 0 : index
      %swap3A_454 = arith.constant 0 : index
      %swap3A_455 = vector.load %arg10[%swap3A_453, %swap3A_454] : memref<1000x128xf32, #tpu.memory_space<vmem>>, vector<1000x128xf32>
      tpu.vector_store %arg10[%swap3A_453, %swap3A_454], %add3A_452 {strides = array<i32>} : memref<1000x128xf32, #tpu.memory_space<vmem>>, vector<1000x128xf32>,
    } else {
    }
    %lt3A_192 = arith.constant 7500 : i32
    %lt3A_193 = arith.cmpi slt, %get3A_2, %lt3A_192 : i32
    %ge3A_194 = arith.constant 7000 : i32
    %ge3A_195 = arith.cmpi sge, %get3A_5, %ge3A_194 : i32
    %and3A_196 = arith.andi %lt3A_193, %ge3A_195 : i1
    %convert_element_type3A_197 = arith.extui %and3A_196 : i1 to i32
    %cond3A_198 = arith.constant 0 : i32
    %cond3A_199 = arith.cmpi ne, %convert_element_type3A_197, %cond3A_198 : i32
    scf.if %cond3A_199 {
      %iota3A_436 = tpu.iota {dimensions = array<i32: 0>} : vector<500x1000xi32>
      %add3A_437 = arith.constant 7000 : i32
      %add3A_438 = vector.broadcast %add3A_437 : i32 to vector<500x1000xi32>
      %add3A_439 = arith.addi %iota3A_436, %add3A_438 : vector<500x1000xi32>
      %eq3A_440 = vector.broadcast %slice3A : vector<1x1000xi32> to vector<500x1000xi32>
      %eq3A_441 = arith.cmpi eq, %add3A_439, %eq3A_440 : vector<500x1000xi32>
      %convert_element_type3A_442 = arith.extui %eq3A_441 : vector<500x1000xi1> to vector<500x1000xi32>
      %convert_element_type3A_443 = arith.sitofp %convert_element_type3A_442 : vector<500x1000xi32> to vector<500x1000xf32>
      %get3A_444 = arith.constant 7000 : index
      %get3A_445 = arith.constant 0 : index
      %get3A_446 = vector.load %arg8[%get3A_444, %get3A_445] : memref<10000x128xf32, #tpu.memory_space<vmem>>, vector<500x128xf32>
      %get3A_447 = arith.constant 0 : index
      %get3A_448 = arith.constant 0 : index
      %get3A_449 = vector.load %arg10[%get3A_447, %get3A_448] : memref<1000x128xf32, #tpu.memory_space<vmem>>, vector<1000x128xf32>
      %dot_general3A_450 = arith.constant dense<0.000000e+00> : vector<1000x128xf32>
      %dot_general3A_451 = tpu.matmul %convert_element_type3A_443, %get3A_446, %dot_general3A_450 {dimension_numbers = #tpu.dot_dimension_numbers<[0], [0], [1], [1], [0, 1, 1, 1], [], []>, transpose_lhs_hint = false} : vector<500x1000xf32>, vector<500x128xf32>, vector<1000x128xf32> -> vector<1000x128xf32>
      %add3A_452 = arith.addf %get3A_449, %dot_general3A_451 : vector<1000x128xf32>
      %swap3A_453 = arith.constant 0 : index
      %swap3A_454 = arith.constant 0 : index
      %swap3A_455 = vector.load %arg10[%swap3A_453, %swap3A_454] : memref<1000x128xf32, #tpu.memory_space<vmem>>, vector<1000x128xf32>
      tpu.vector_store %arg10[%swap3A_453, %swap3A_454], %add3A_452 {strides = array<i32>} : memref<1000x128xf32, #tpu.memory_space<vmem>>, vector<1000x128xf32>,
    } else {
    }
    %lt3A_200 = arith.constant 8000 : i32
    %lt3A_201 = arith.cmpi slt, %get3A_2, %lt3A_200 : i32
    %ge3A_202 = arith.constant 7500 : i32
    %ge3A_203 = arith.cmpi sge, %get3A_5, %ge3A_202 : i32
    %and3A_204 = arith.andi %lt3A_201, %ge3A_203 : i1
    %convert_element_type3A_205 = arith.extui %and3A_204 : i1 to i32
    %cond3A_206 = arith.constant 0 : i32
    %cond3A_207 = arith.cmpi ne, %convert_element_type3A_205, %cond3A_206 : i32
    scf.if %cond3A_207 {
      %iota3A_436 = tpu.iota {dimensions = array<i32: 0>} : vector<500x1000xi32>
      %add3A_437 = arith.constant 7500 : i32
      %add3A_438 = vector.broadcast %add3A_437 : i32 to vector<500x1000xi32>
      %add3A_439 = arith.addi %iota3A_436, %add3A_438 : vector<500x1000xi32>
      %eq3A_440 = vector.broadcast %slice3A : vector<1x1000xi32> to vector<500x1000xi32>
      %eq3A_441 = arith.cmpi eq, %add3A_439, %eq3A_440 : vector<500x1000xi32>
      %convert_element_type3A_442 = arith.extui %eq3A_441 : vector<500x1000xi1> to vector<500x1000xi32>
      %convert_element_type3A_443 = arith.sitofp %convert_element_type3A_442 : vector<500x1000xi32> to vector<500x1000xf32>
      %get3A_444 = arith.constant 7500 : index
      %get3A_445 = arith.constant 0 : index
      %get3A_446 = vector.load %arg8[%get3A_444, %get3A_445] : memref<10000x128xf32, #tpu.memory_space<vmem>>, vector<500x128xf32>
      %get3A_447 = arith.constant 0 : index
      %get3A_448 = arith.constant 0 : index
      %get3A_449 = vector.load %arg10[%get3A_447, %get3A_448] : memref<1000x128xf32, #tpu.memory_space<vmem>>, vector<1000x128xf32>
      %dot_general3A_450 = arith.constant dense<0.000000e+00> : vector<1000x128xf32>
      %dot_general3A_451 = tpu.matmul %convert_element_type3A_443, %get3A_446, %dot_general3A_450 {dimension_numbers = #tpu.dot_dimension_numbers<[0], [0], [1], [1], [0, 1, 1, 1], [], []>, transpose_lhs_hint = false} : vector<500x1000xf32>, vector<500x128xf32>, vector<1000x128xf32> -> vector<1000x128xf32>
      %add3A_452 = arith.addf %get3A_449, %dot_general3A_451 : vector<1000x128xf32>
      %swap3A_453 = arith.constant 0 : index
      %swap3A_454 = arith.constant 0 : index
      %swap3A_455 = vector.load %arg10[%swap3A_453, %swap3A_454] : memref<1000x128xf32, #tpu.memory_space<vmem>>, vector<1000x128xf32>
      tpu.vector_store %arg10[%swap3A_453, %swap3A_454], %add3A_452 {strides = array<i32>} : memref<1000x128xf32, #tpu.memory_space<vmem>>, vector<1000x128xf32>,
    } else {
    }
    %lt3A_208 = arith.constant 8500 : i32
    %lt3A_209 = arith.cmpi slt, %get3A_2, %lt3A_208 : i32
    %ge3A_210 = arith.constant 8000 : i32
    %ge3A_211 = arith.cmpi sge, %get3A_5, %ge3A_210 : i32
    %and3A_212 = arith.andi %lt3A_209, %ge3A_211 : i1
    %convert_element_type3A_213 = arith.extui %and3A_212 : i1 to i32
    %cond3A_214 = arith.constant 0 : i32
    %cond3A_215 = arith.cmpi ne, %convert_element_type3A_213, %cond3A_214 : i32
    scf.if %cond3A_215 {
      %iota3A_436 = tpu.iota {dimensions = array<i32: 0>} : vector<500x1000xi32>
      %add3A_437 = arith.constant 8000 : i32
      %add3A_438 = vector.broadcast %add3A_437 : i32 to vector<500x1000xi32>
      %add3A_439 = arith.addi %iota3A_436, %add3A_438 : vector<500x1000xi32>
      %eq3A_440 = vector.broadcast %slice3A : vector<1x1000xi32> to vector<500x1000xi32>
      %eq3A_441 = arith.cmpi eq, %add3A_439, %eq3A_440 : vector<500x1000xi32>
      %convert_element_type3A_442 = arith.extui %eq3A_441 : vector<500x1000xi1> to vector<500x1000xi32>
      %convert_element_type3A_443 = arith.sitofp %convert_element_type3A_442 : vector<500x1000xi32> to vector<500x1000xf32>
      %get3A_444 = arith.constant 8000 : index
      %get3A_445 = arith.constant 0 : index
      %get3A_446 = vector.load %arg8[%get3A_444, %get3A_445] : memref<10000x128xf32, #tpu.memory_space<vmem>>, vector<500x128xf32>
      %get3A_447 = arith.constant 0 : index
      %get3A_448 = arith.constant 0 : index
      %get3A_449 = vector.load %arg10[%get3A_447, %get3A_448] : memref<1000x128xf32, #tpu.memory_space<vmem>>, vector<1000x128xf32>
      %dot_general3A_450 = arith.constant dense<0.000000e+00> : vector<1000x128xf32>
      %dot_general3A_451 = tpu.matmul %convert_element_type3A_443, %get3A_446, %dot_general3A_450 {dimension_numbers = #tpu.dot_dimension_numbers<[0], [0], [1], [1], [0, 1, 1, 1], [], []>, transpose_lhs_hint = false} : vector<500x1000xf32>, vector<500x128xf32>, vector<1000x128xf32> -> vector<1000x128xf32>
      %add3A_452 = arith.addf %get3A_449, %dot_general3A_451 : vector<1000x128xf32>
      %swap3A_453 = arith.constant 0 : index
      %swap3A_454 = arith.constant 0 : index
      %swap3A_455 = vector.load %arg10[%swap3A_453, %swap3A_454] : memref<1000x128xf32, #tpu.memory_space<vmem>>, vector<1000x128xf32>
      tpu.vector_store %arg10[%swap3A_453, %swap3A_454], %add3A_452 {strides = array<i32>} : memref<1000x128xf32, #tpu.memory_space<vmem>>, vector<1000x128xf32>,
    } else {
    }
    %lt3A_216 = arith.constant 9000 : i32
    %lt3A_217 = arith.cmpi slt, %get3A_2, %lt3A_216 : i32
    %ge3A_218 = arith.constant 8500 : i32
    %ge3A_219 = arith.cmpi sge, %get3A_5, %ge3A_218 : i32
    %and3A_220 = arith.andi %lt3A_217, %ge3A_219 : i1
    %convert_element_type3A_221 = arith.extui %and3A_220 : i1 to i32
    %cond3A_222 = arith.constant 0 : i32
    %cond3A_223 = arith.cmpi ne, %convert_element_type3A_221, %cond3A_222 : i32
    scf.if %cond3A_223 {
      %iota3A_436 = tpu.iota {dimensions = array<i32: 0>} : vector<500x1000xi32>
      %add3A_437 = arith.constant 8500 : i32
      %add3A_438 = vector.broadcast %add3A_437 : i32 to vector<500x1000xi32>
      %add3A_439 = arith.addi %iota3A_436, %add3A_438 : vector<500x1000xi32>
      %eq3A_440 = vector.broadcast %slice3A : vector<1x1000xi32> to vector<500x1000xi32>
      %eq3A_441 = arith.cmpi eq, %add3A_439, %eq3A_440 : vector<500x1000xi32>
      %convert_element_type3A_442 = arith.extui %eq3A_441 : vector<500x1000xi1> to vector<500x1000xi32>
      %convert_element_type3A_443 = arith.sitofp %convert_element_type3A_442 : vector<500x1000xi32> to vector<500x1000xf32>
      %get3A_444 = arith.constant 8500 : index
      %get3A_445 = arith.constant 0 : index
      %get3A_446 = vector.load %arg8[%get3A_444, %get3A_445] : memref<10000x128xf32, #tpu.memory_space<vmem>>, vector<500x128xf32>
      %get3A_447 = arith.constant 0 : index
      %get3A_448 = arith.constant 0 : index
      %get3A_449 = vector.load %arg10[%get3A_447, %get3A_448] : memref<1000x128xf32, #tpu.memory_space<vmem>>, vector<1000x128xf32>
      %dot_general3A_450 = arith.constant dense<0.000000e+00> : vector<1000x128xf32>
      %dot_general3A_451 = tpu.matmul %convert_element_type3A_443, %get3A_446, %dot_general3A_450 {dimension_numbers = #tpu.dot_dimension_numbers<[0], [0], [1], [1], [0, 1, 1, 1], [], []>, transpose_lhs_hint = false} : vector<500x1000xf32>, vector<500x128xf32>, vector<1000x128xf32> -> vector<1000x128xf32>
      %add3A_452 = arith.addf %get3A_449, %dot_general3A_451 : vector<1000x128xf32>
      %swap3A_453 = arith.constant 0 : index
      %swap3A_454 = arith.constant 0 : index
      %swap3A_455 = vector.load %arg10[%swap3A_453, %swap3A_454] : memref<1000x128xf32, #tpu.memory_space<vmem>>, vector<1000x128xf32>
      tpu.vector_store %arg10[%swap3A_453, %swap3A_454], %add3A_452 {strides = array<i32>} : memref<1000x128xf32, #tpu.memory_space<vmem>>, vector<1000x128xf32>,
    } else {
    }
    %lt3A_224 = arith.constant 9500 : i32
    %lt3A_225 = arith.cmpi slt, %get3A_2, %lt3A_224 : i32
    %ge3A_226 = arith.constant 9000 : i32
    %ge3A_227 = arith.cmpi sge, %get3A_5, %ge3A_226 : i32
    %and3A_228 = arith.andi %lt3A_225, %ge3A_227 : i1
    %convert_element_type3A_229 = arith.extui %and3A_228 : i1 to i32
    %cond3A_230 = arith.constant 0 : i32
    %cond3A_231 = arith.cmpi ne, %convert_element_type3A_229, %cond3A_230 : i32
    scf.if %cond3A_231 {
      %iota3A_436 = tpu.iota {dimensions = array<i32: 0>} : vector<500x1000xi32>
      %add3A_437 = arith.constant 9000 : i32
      %add3A_438 = vector.broadcast %add3A_437 : i32 to vector<500x1000xi32>
      %add3A_439 = arith.addi %iota3A_436, %add3A_438 : vector<500x1000xi32>
      %eq3A_440 = vector.broadcast %slice3A : vector<1x1000xi32> to vector<500x1000xi32>
      %eq3A_441 = arith.cmpi eq, %add3A_439, %eq3A_440 : vector<500x1000xi32>
      %convert_element_type3A_442 = arith.extui %eq3A_441 : vector<500x1000xi1> to vector<500x1000xi32>
      %convert_element_type3A_443 = arith.sitofp %convert_element_type3A_442 : vector<500x1000xi32> to vector<500x1000xf32>
      %get3A_444 = arith.constant 9000 : index
      %get3A_445 = arith.constant 0 : index
      %get3A_446 = vector.load %arg8[%get3A_444, %get3A_445] : memref<10000x128xf32, #tpu.memory_space<vmem>>, vector<500x128xf32>
      %get3A_447 = arith.constant 0 : index
      %get3A_448 = arith.constant 0 : index
      %get3A_449 = vector.load %arg10[%get3A_447, %get3A_448] : memref<1000x128xf32, #tpu.memory_space<vmem>>, vector<1000x128xf32>
      %dot_general3A_450 = arith.constant dense<0.000000e+00> : vector<1000x128xf32>
      %dot_general3A_451 = tpu.matmul %convert_element_type3A_443, %get3A_446, %dot_general3A_450 {dimension_numbers = #tpu.dot_dimension_numbers<[0], [0], [1], [1], [0, 1, 1, 1], [], []>, transpose_lhs_hint = false} : vector<500x1000xf32>, vector<500x128xf32>, vector<1000x128xf32> -> vector<1000x128xf32>
      %add3A_452 = arith.addf %get3A_449, %dot_general3A_451 : vector<1000x128xf32>
      %swap3A_453 = arith.constant 0 : index
      %swap3A_454 = arith.constant 0 : index
      %swap3A_455 = vector.load %arg10[%swap3A_453, %swap3A_454] : memref<1000x128xf32, #tpu.memory_space<vmem>>, vector<1000x128xf32>
      tpu.vector_store %arg10[%swap3A_453, %swap3A_454], %add3A_452 {strides = array<i32>} : memref<1000x128xf32, #tpu.memory_space<vmem>>, vector<1000x128xf32>,
    } else {
    }
    %lt3A_232 = arith.constant 10000 : i32
    %lt3A_233 = arith.cmpi slt, %get3A_2, %lt3A_232 : i32
    %ge3A_234 = arith.constant 9500 : i32
    %ge3A_235 = arith.cmpi sge, %get3A_5, %ge3A_234 : i32
    %and3A_236 = arith.andi %lt3A_233, %ge3A_235 : i1
    %convert_element_type3A_237 = arith.extui %and3A_236 : i1 to i32
    %cond3A_238 = arith.constant 0 : i32
    %cond3A_239 = arith.cmpi ne, %convert_element_type3A_237, %cond3A_238 : i32
    scf.if %cond3A_239 {
      %iota3A_436 = tpu.iota {dimensions = array<i32: 0>} : vector<500x1000xi32>
      %add3A_437 = arith.constant 9500 : i32
      %add3A_438 = vector.broadcast %add3A_437 : i32 to vector<500x1000xi32>
      %add3A_439 = arith.addi %iota3A_436, %add3A_438 : vector<500x1000xi32>
      %eq3A_440 = vector.broadcast %slice3A : vector<1x1000xi32> to vector<500x1000xi32>
      %eq3A_441 = arith.cmpi eq, %add3A_439, %eq3A_440 : vector<500x1000xi32>
      %convert_element_type3A_442 = arith.extui %eq3A_441 : vector<500x1000xi1> to vector<500x1000xi32>
      %convert_element_type3A_443 = arith.sitofp %convert_element_type3A_442 : vector<500x1000xi32> to vector<500x1000xf32>
      %get3A_444 = arith.constant 9500 : index
      %get3A_445 = arith.constant 0 : index
      %get3A_446 = vector.load %arg8[%get3A_444, %get3A_445] : memref<10000x128xf32, #tpu.memory_space<vmem>>, vector<500x128xf32>
      %get3A_447 = arith.constant 0 : index
      %get3A_448 = arith.constant 0 : index
      %get3A_449 = vector.load %arg10[%get3A_447, %get3A_448] : memref<1000x128xf32, #tpu.memory_space<vmem>>, vector<1000x128xf32>
      %dot_general3A_450 = arith.constant dense<0.000000e+00> : vector<1000x128xf32>
      %dot_general3A_451 = tpu.matmul %convert_element_type3A_443, %get3A_446, %dot_general3A_450 {dimension_numbers = #tpu.dot_dimension_numbers<[0], [0], [1], [1], [0, 1, 1, 1], [], []>, transpose_lhs_hint = false} : vector<500x1000xf32>, vector<500x128xf32>, vector<1000x128xf32> -> vector<1000x128xf32>
      %add3A_452 = arith.addf %get3A_449, %dot_general3A_451 : vector<1000x128xf32>
      %swap3A_453 = arith.constant 0 : index
      %swap3A_454 = arith.constant 0 : index
      %swap3A_455 = vector.load %arg10[%swap3A_453, %swap3A_454] : memref<1000x128xf32, #tpu.memory_space<vmem>>, vector<1000x128xf32>
      tpu.vector_store %arg10[%swap3A_453, %swap3A_454], %add3A_452 {strides = array<i32>} : memref<1000x128xf32, #tpu.memory_space<vmem>>, vector<1000x128xf32>,
    } else {
    }
    %get3A_240 = arith.constant 0 : index
    %get3A_241 = arith.constant 0 : index
    %get3A_242 = vector.load %arg10[%get3A_240, %get3A_241] : memref<1000x128xf32, #tpu.memory_space<vmem>>, vector<1000x128xf32>
    %mul3A_243 = arith.mulf %get3A_78, %get3A_242 : vector<1000x128xf32>
    %dot_general3A = arith.constant dense<0.000000e+00> : vector<1000x128xf32>
    %dot_general3A_244 = tpu.matmul %mul3A_243, %convert_element_type3A_71, %dot_general3A {dimension_numbers = #tpu.dot_dimension_numbers<[1], [0], [0], [1], [0, 0, 1, 1], [], []>, transpose_lhs_hint = false} : vector<1000x128xf32>, vector<128x128xf32>, vector<1000x128xf32> -> vector<1000x128xf32>
    %div3A_245 = arith.constant 1.000000e+00 : f32
    %div3A_246 = vector.broadcast %div3A_245 : f32 to vector<1000x128xf32>
    %div3A_247 = arith.divf %dot_general3A_244, %div3A_246 : vector<1000x128xf32>
    %reduce_max3A = arith.constant dense<0xFF800000> : vector<1000xf32>
    %reduce_max3A_248 = vector.multi_reduction <maximumf>, %div3A_247, %reduce_max3A [1] : vector<1000x128xf32> to vector<1000xf32>
    %broadcast_in_dim3A_249 = vector.shape_cast %reduce_max3A_248 : vector<1000xf32> to vector<1000x1xf32>
    %sub3A_250 = vector.broadcast %broadcast_in_dim3A_249 : vector<1000x1xf32> to vector<1000x128xf32>
    %sub3A_251 = arith.subf %div3A_247, %sub3A_250 : vector<1000x128xf32>
    %exp3A = math.exp %sub3A_251 : vector<1000x128xf32>
    %reduce_sum3A = arith.constant dense<0.000000e+00> : vector<1000xf32>
    %reduce_sum3A_252 = vector.multi_reduction <add>, %exp3A, %reduce_sum3A [1] : vector<1000x128xf32> to vector<1000xf32>
    %broadcast_in_dim3A_253 = vector.shape_cast %reduce_sum3A_252 : vector<1000xf32> to vector<1000x1xf32>
    %div3A_254 = arith.constant 1.600000e+01 : f32
    %div3A_255 = vector.broadcast %div3A_254 : f32 to vector<1000x1xf32>
    %div3A_256 = arith.divf %broadcast_in_dim3A_253, %div3A_255 : vector<1000x1xf32>
    %div3A_257 = vector.broadcast %div3A_256 : vector<1000x1xf32> to vector<1000x128xf32>
    %div3A_258 = arith.divf %exp3A, %div3A_257 : vector<1000x128xf32>
    %mul3A_259 = arith.mulf %get3A_78, %div3A_258 : vector<1000x128xf32>
    %lt3A_260 = arith.constant 500 : i32
    %lt3A_261 = arith.cmpi slt, %get3A_2, %lt3A_260 : i32
    %ge3A_262 = arith.constant 0 : i32
    %ge3A_263 = arith.cmpi sge, %get3A_5, %ge3A_262 : i32
    %and3A_264 = arith.andi %lt3A_261, %ge3A_263 : i1
    %convert_element_type3A_265 = arith.extui %and3A_264 : i1 to i32
    %cond3A_266 = arith.constant 0 : i32
    %cond3A_267 = arith.cmpi ne, %convert_element_type3A_265, %cond3A_266 : i32
    scf.if %cond3A_267 {
      %iota3A_436 = tpu.iota {dimensions = array<i32: 0>} : vector<500x1000xi32>
      %add3A_437 = arith.constant 0 : i32
      %add3A_438 = vector.broadcast %add3A_437 : i32 to vector<500x1000xi32>
      %add3A_439 = arith.addi %iota3A_436, %add3A_438 : vector<500x1000xi32>
      %eq3A_440 = vector.broadcast %slice3A : vector<1x1000xi32> to vector<500x1000xi32>
      %eq3A_441 = arith.cmpi eq, %add3A_439, %eq3A_440 : vector<500x1000xi32>
      %convert_element_type3A_442 = arith.extui %eq3A_441 : vector<500x1000xi1> to vector<500x1000xi32>
      %convert_element_type3A_443 = arith.sitofp %convert_element_type3A_442 : vector<500x1000xi32> to vector<500x1000xf32>
      %dot_general3A_444 = arith.constant dense<0.000000e+00> : vector<500x128xf32>
      %dot_general3A_445 = tpu.matmul %convert_element_type3A_443, %mul3A_259, %dot_general3A_444 {dimension_numbers = #tpu.dot_dimension_numbers<[1], [0], [0], [1], [0, 0, 1, 1], [], []>, transpose_lhs_hint = false} : vector<500x1000xf32>, vector<1000x128xf32>, vector<500x128xf32> -> vector<500x128xf32>
      %get3A_446 = arith.constant 0 : index
      %get3A_447 = arith.constant 0 : index
      %get3A_448 = vector.load %arg9[%get3A_446, %get3A_447] : memref<10000x128xf32, #tpu.memory_space<vmem>>, vector<500x128xf32>
      %add3A_449 = arith.addf %get3A_448, %dot_general3A_445 : vector<500x128xf32>
      %swap3A_450 = arith.constant 0 : index
      %swap3A_451 = arith.constant 0 : index
      %swap3A_452 = vector.load %arg9[%swap3A_450, %swap3A_451] : memref<10000x128xf32, #tpu.memory_space<vmem>>, vector<500x128xf32>
      tpu.vector_store %arg9[%swap3A_450, %swap3A_451], %add3A_449 {strides = array<i32>} : memref<10000x128xf32, #tpu.memory_space<vmem>>, vector<500x128xf32>,
    } else {
    }
    %lt3A_268 = arith.constant 1000 : i32
    %lt3A_269 = arith.cmpi slt, %get3A_2, %lt3A_268 : i32
    %ge3A_270 = arith.constant 500 : i32
    %ge3A_271 = arith.cmpi sge, %get3A_5, %ge3A_270 : i32
    %and3A_272 = arith.andi %lt3A_269, %ge3A_271 : i1
    %convert_element_type3A_273 = arith.extui %and3A_272 : i1 to i32
    %cond3A_274 = arith.constant 0 : i32
    %cond3A_275 = arith.cmpi ne, %convert_element_type3A_273, %cond3A_274 : i32
    scf.if %cond3A_275 {
      %iota3A_436 = tpu.iota {dimensions = array<i32: 0>} : vector<500x1000xi32>
      %add3A_437 = arith.constant 500 : i32
      %add3A_438 = vector.broadcast %add3A_437 : i32 to vector<500x1000xi32>
      %add3A_439 = arith.addi %iota3A_436, %add3A_438 : vector<500x1000xi32>
      %eq3A_440 = vector.broadcast %slice3A : vector<1x1000xi32> to vector<500x1000xi32>
      %eq3A_441 = arith.cmpi eq, %add3A_439, %eq3A_440 : vector<500x1000xi32>
      %convert_element_type3A_442 = arith.extui %eq3A_441 : vector<500x1000xi1> to vector<500x1000xi32>
      %convert_element_type3A_443 = arith.sitofp %convert_element_type3A_442 : vector<500x1000xi32> to vector<500x1000xf32>
      %dot_general3A_444 = arith.constant dense<0.000000e+00> : vector<500x128xf32>
      %dot_general3A_445 = tpu.matmul %convert_element_type3A_443, %mul3A_259, %dot_general3A_444 {dimension_numbers = #tpu.dot_dimension_numbers<[1], [0], [0], [1], [0, 0, 1, 1], [], []>, transpose_lhs_hint = false} : vector<500x1000xf32>, vector<1000x128xf32>, vector<500x128xf32> -> vector<500x128xf32>
      %get3A_446 = arith.constant 500 : index
      %get3A_447 = arith.constant 0 : index
      %get3A_448 = vector.load %arg9[%get3A_446, %get3A_447] : memref<10000x128xf32, #tpu.memory_space<vmem>>, vector<500x128xf32>
      %add3A_449 = arith.addf %get3A_448, %dot_general3A_445 : vector<500x128xf32>
      %swap3A_450 = arith.constant 500 : index
      %swap3A_451 = arith.constant 0 : index
      %swap3A_452 = vector.load %arg9[%swap3A_450, %swap3A_451] : memref<10000x128xf32, #tpu.memory_space<vmem>>, vector<500x128xf32>
      tpu.vector_store %arg9[%swap3A_450, %swap3A_451], %add3A_449 {strides = array<i32>} : memref<10000x128xf32, #tpu.memory_space<vmem>>, vector<500x128xf32>,
    } else {
    }
    %lt3A_276 = arith.constant 1500 : i32
    %lt3A_277 = arith.cmpi slt, %get3A_2, %lt3A_276 : i32
    %ge3A_278 = arith.constant 1000 : i32
    %ge3A_279 = arith.cmpi sge, %get3A_5, %ge3A_278 : i32
    %and3A_280 = arith.andi %lt3A_277, %ge3A_279 : i1
    %convert_element_type3A_281 = arith.extui %and3A_280 : i1 to i32
    %cond3A_282 = arith.constant 0 : i32
    %cond3A_283 = arith.cmpi ne, %convert_element_type3A_281, %cond3A_282 : i32
    scf.if %cond3A_283 {
      %iota3A_436 = tpu.iota {dimensions = array<i32: 0>} : vector<500x1000xi32>
      %add3A_437 = arith.constant 1000 : i32
      %add3A_438 = vector.broadcast %add3A_437 : i32 to vector<500x1000xi32>
      %add3A_439 = arith.addi %iota3A_436, %add3A_438 : vector<500x1000xi32>
      %eq3A_440 = vector.broadcast %slice3A : vector<1x1000xi32> to vector<500x1000xi32>
      %eq3A_441 = arith.cmpi eq, %add3A_439, %eq3A_440 : vector<500x1000xi32>
      %convert_element_type3A_442 = arith.extui %eq3A_441 : vector<500x1000xi1> to vector<500x1000xi32>
      %convert_element_type3A_443 = arith.sitofp %convert_element_type3A_442 : vector<500x1000xi32> to vector<500x1000xf32>
      %dot_general3A_444 = arith.constant dense<0.000000e+00> : vector<500x128xf32>
      %dot_general3A_445 = tpu.matmul %convert_element_type3A_443, %mul3A_259, %dot_general3A_444 {dimension_numbers = #tpu.dot_dimension_numbers<[1], [0], [0], [1], [0, 0, 1, 1], [], []>, transpose_lhs_hint = false} : vector<500x1000xf32>, vector<1000x128xf32>, vector<500x128xf32> -> vector<500x128xf32>
      %get3A_446 = arith.constant 1000 : index
      %get3A_447 = arith.constant 0 : index
      %get3A_448 = vector.load %arg9[%get3A_446, %get3A_447] : memref<10000x128xf32, #tpu.memory_space<vmem>>, vector<500x128xf32>
      %add3A_449 = arith.addf %get3A_448, %dot_general3A_445 : vector<500x128xf32>
      %swap3A_450 = arith.constant 1000 : index
      %swap3A_451 = arith.constant 0 : index
      %swap3A_452 = vector.load %arg9[%swap3A_450, %swap3A_451] : memref<10000x128xf32, #tpu.memory_space<vmem>>, vector<500x128xf32>
      tpu.vector_store %arg9[%swap3A_450, %swap3A_451], %add3A_449 {strides = array<i32>} : memref<10000x128xf32, #tpu.memory_space<vmem>>, vector<500x128xf32>,
    } else {
    }
    %lt3A_284 = arith.constant 2000 : i32
    %lt3A_285 = arith.cmpi slt, %get3A_2, %lt3A_284 : i32
    %ge3A_286 = arith.constant 1500 : i32
    %ge3A_287 = arith.cmpi sge, %get3A_5, %ge3A_286 : i32
    %and3A_288 = arith.andi %lt3A_285, %ge3A_287 : i1
    %convert_element_type3A_289 = arith.extui %and3A_288 : i1 to i32
    %cond3A_290 = arith.constant 0 : i32
    %cond3A_291 = arith.cmpi ne, %convert_element_type3A_289, %cond3A_290 : i32
    scf.if %cond3A_291 {
      %iota3A_436 = tpu.iota {dimensions = array<i32: 0>} : vector<500x1000xi32>
      %add3A_437 = arith.constant 1500 : i32
      %add3A_438 = vector.broadcast %add3A_437 : i32 to vector<500x1000xi32>
      %add3A_439 = arith.addi %iota3A_436, %add3A_438 : vector<500x1000xi32>
      %eq3A_440 = vector.broadcast %slice3A : vector<1x1000xi32> to vector<500x1000xi32>
      %eq3A_441 = arith.cmpi eq, %add3A_439, %eq3A_440 : vector<500x1000xi32>
      %convert_element_type3A_442 = arith.extui %eq3A_441 : vector<500x1000xi1> to vector<500x1000xi32>
      %convert_element_type3A_443 = arith.sitofp %convert_element_type3A_442 : vector<500x1000xi32> to vector<500x1000xf32>
      %dot_general3A_444 = arith.constant dense<0.000000e+00> : vector<500x128xf32>
      %dot_general3A_445 = tpu.matmul %convert_element_type3A_443, %mul3A_259, %dot_general3A_444 {dimension_numbers = #tpu.dot_dimension_numbers<[1], [0], [0], [1], [0, 0, 1, 1], [], []>, transpose_lhs_hint = false} : vector<500x1000xf32>, vector<1000x128xf32>, vector<500x128xf32> -> vector<500x128xf32>
      %get3A_446 = arith.constant 1500 : index
      %get3A_447 = arith.constant 0 : index
      %get3A_448 = vector.load %arg9[%get3A_446, %get3A_447] : memref<10000x128xf32, #tpu.memory_space<vmem>>, vector<500x128xf32>
      %add3A_449 = arith.addf %get3A_448, %dot_general3A_445 : vector<500x128xf32>
      %swap3A_450 = arith.constant 1500 : index
      %swap3A_451 = arith.constant 0 : index
      %swap3A_452 = vector.load %arg9[%swap3A_450, %swap3A_451] : memref<10000x128xf32, #tpu.memory_space<vmem>>, vector<500x128xf32>
      tpu.vector_store %arg9[%swap3A_450, %swap3A_451], %add3A_449 {strides = array<i32>} : memref<10000x128xf32, #tpu.memory_space<vmem>>, vector<500x128xf32>,
    } else {
    }
    %lt3A_292 = arith.constant 2500 : i32
    %lt3A_293 = arith.cmpi slt, %get3A_2, %lt3A_292 : i32
    %ge3A_294 = arith.constant 2000 : i32
    %ge3A_295 = arith.cmpi sge, %get3A_5, %ge3A_294 : i32
    %and3A_296 = arith.andi %lt3A_293, %ge3A_295 : i1
    %convert_element_type3A_297 = arith.extui %and3A_296 : i1 to i32
    %cond3A_298 = arith.constant 0 : i32
    %cond3A_299 = arith.cmpi ne, %convert_element_type3A_297, %cond3A_298 : i32
    scf.if %cond3A_299 {
      %iota3A_436 = tpu.iota {dimensions = array<i32: 0>} : vector<500x1000xi32>
      %add3A_437 = arith.constant 2000 : i32
      %add3A_438 = vector.broadcast %add3A_437 : i32 to vector<500x1000xi32>
      %add3A_439 = arith.addi %iota3A_436, %add3A_438 : vector<500x1000xi32>
      %eq3A_440 = vector.broadcast %slice3A : vector<1x1000xi32> to vector<500x1000xi32>
      %eq3A_441 = arith.cmpi eq, %add3A_439, %eq3A_440 : vector<500x1000xi32>
      %convert_element_type3A_442 = arith.extui %eq3A_441 : vector<500x1000xi1> to vector<500x1000xi32>
      %convert_element_type3A_443 = arith.sitofp %convert_element_type3A_442 : vector<500x1000xi32> to vector<500x1000xf32>
      %dot_general3A_444 = arith.constant dense<0.000000e+00> : vector<500x128xf32>
      %dot_general3A_445 = tpu.matmul %convert_element_type3A_443, %mul3A_259, %dot_general3A_444 {dimension_numbers = #tpu.dot_dimension_numbers<[1], [0], [0], [1], [0, 0, 1, 1], [], []>, transpose_lhs_hint = false} : vector<500x1000xf32>, vector<1000x128xf32>, vector<500x128xf32> -> vector<500x128xf32>
      %get3A_446 = arith.constant 2000 : index
      %get3A_447 = arith.constant 0 : index
      %get3A_448 = vector.load %arg9[%get3A_446, %get3A_447] : memref<10000x128xf32, #tpu.memory_space<vmem>>, vector<500x128xf32>
      %add3A_449 = arith.addf %get3A_448, %dot_general3A_445 : vector<500x128xf32>
      %swap3A_450 = arith.constant 2000 : index
      %swap3A_451 = arith.constant 0 : index
      %swap3A_452 = vector.load %arg9[%swap3A_450, %swap3A_451] : memref<10000x128xf32, #tpu.memory_space<vmem>>, vector<500x128xf32>
      tpu.vector_store %arg9[%swap3A_450, %swap3A_451], %add3A_449 {strides = array<i32>} : memref<10000x128xf32, #tpu.memory_space<vmem>>, vector<500x128xf32>,
    } else {
    }
    %lt3A_300 = arith.constant 3000 : i32
    %lt3A_301 = arith.cmpi slt, %get3A_2, %lt3A_300 : i32
    %ge3A_302 = arith.constant 2500 : i32
    %ge3A_303 = arith.cmpi sge, %get3A_5, %ge3A_302 : i32
    %and3A_304 = arith.andi %lt3A_301, %ge3A_303 : i1
    %convert_element_type3A_305 = arith.extui %and3A_304 : i1 to i32
    %cond3A_306 = arith.constant 0 : i32
    %cond3A_307 = arith.cmpi ne, %convert_element_type3A_305, %cond3A_306 : i32
    scf.if %cond3A_307 {
      %iota3A_436 = tpu.iota {dimensions = array<i32: 0>} : vector<500x1000xi32>
      %add3A_437 = arith.constant 2500 : i32
      %add3A_438 = vector.broadcast %add3A_437 : i32 to vector<500x1000xi32>
      %add3A_439 = arith.addi %iota3A_436, %add3A_438 : vector<500x1000xi32>
      %eq3A_440 = vector.broadcast %slice3A : vector<1x1000xi32> to vector<500x1000xi32>
      %eq3A_441 = arith.cmpi eq, %add3A_439, %eq3A_440 : vector<500x1000xi32>
      %convert_element_type3A_442 = arith.extui %eq3A_441 : vector<500x1000xi1> to vector<500x1000xi32>
      %convert_element_type3A_443 = arith.sitofp %convert_element_type3A_442 : vector<500x1000xi32> to vector<500x1000xf32>
      %dot_general3A_444 = arith.constant dense<0.000000e+00> : vector<500x128xf32>
      %dot_general3A_445 = tpu.matmul %convert_element_type3A_443, %mul3A_259, %dot_general3A_444 {dimension_numbers = #tpu.dot_dimension_numbers<[1], [0], [0], [1], [0, 0, 1, 1], [], []>, transpose_lhs_hint = false} : vector<500x1000xf32>, vector<1000x128xf32>, vector<500x128xf32> -> vector<500x128xf32>
      %get3A_446 = arith.constant 2500 : index
      %get3A_447 = arith.constant 0 : index
      %get3A_448 = vector.load %arg9[%get3A_446, %get3A_447] : memref<10000x128xf32, #tpu.memory_space<vmem>>, vector<500x128xf32>
      %add3A_449 = arith.addf %get3A_448, %dot_general3A_445 : vector<500x128xf32>
      %swap3A_450 = arith.constant 2500 : index
      %swap3A_451 = arith.constant 0 : index
      %swap3A_452 = vector.load %arg9[%swap3A_450, %swap3A_451] : memref<10000x128xf32, #tpu.memory_space<vmem>>, vector<500x128xf32>
      tpu.vector_store %arg9[%swap3A_450, %swap3A_451], %add3A_449 {strides = array<i32>} : memref<10000x128xf32, #tpu.memory_space<vmem>>, vector<500x128xf32>,
    } else {
    }
    %lt3A_308 = arith.constant 3500 : i32
    %lt3A_309 = arith.cmpi slt, %get3A_2, %lt3A_308 : i32
    %ge3A_310 = arith.constant 3000 : i32
    %ge3A_311 = arith.cmpi sge, %get3A_5, %ge3A_310 : i32
    %and3A_312 = arith.andi %lt3A_309, %ge3A_311 : i1
    %convert_element_type3A_313 = arith.extui %and3A_312 : i1 to i32
    %cond3A_314 = arith.constant 0 : i32
    %cond3A_315 = arith.cmpi ne, %convert_element_type3A_313, %cond3A_314 : i32
    scf.if %cond3A_315 {
      %iota3A_436 = tpu.iota {dimensions = array<i32: 0>} : vector<500x1000xi32>
      %add3A_437 = arith.constant 3000 : i32
      %add3A_438 = vector.broadcast %add3A_437 : i32 to vector<500x1000xi32>
      %add3A_439 = arith.addi %iota3A_436, %add3A_438 : vector<500x1000xi32>
      %eq3A_440 = vector.broadcast %slice3A : vector<1x1000xi32> to vector<500x1000xi32>
      %eq3A_441 = arith.cmpi eq, %add3A_439, %eq3A_440 : vector<500x1000xi32>
      %convert_element_type3A_442 = arith.extui %eq3A_441 : vector<500x1000xi1> to vector<500x1000xi32>
      %convert_element_type3A_443 = arith.sitofp %convert_element_type3A_442 : vector<500x1000xi32> to vector<500x1000xf32>
      %dot_general3A_444 = arith.constant dense<0.000000e+00> : vector<500x128xf32>
      %dot_general3A_445 = tpu.matmul %convert_element_type3A_443, %mul3A_259, %dot_general3A_444 {dimension_numbers = #tpu.dot_dimension_numbers<[1], [0], [0], [1], [0, 0, 1, 1], [], []>, transpose_lhs_hint = false} : vector<500x1000xf32>, vector<1000x128xf32>, vector<500x128xf32> -> vector<500x128xf32>
      %get3A_446 = arith.constant 3000 : index
      %get3A_447 = arith.constant 0 : index
      %get3A_448 = vector.load %arg9[%get3A_446, %get3A_447] : memref<10000x128xf32, #tpu.memory_space<vmem>>, vector<500x128xf32>
      %add3A_449 = arith.addf %get3A_448, %dot_general3A_445 : vector<500x128xf32>
      %swap3A_450 = arith.constant 3000 : index
      %swap3A_451 = arith.constant 0 : index
      %swap3A_452 = vector.load %arg9[%swap3A_450, %swap3A_451] : memref<10000x128xf32, #tpu.memory_space<vmem>>, vector<500x128xf32>
      tpu.vector_store %arg9[%swap3A_450, %swap3A_451], %add3A_449 {strides = array<i32>} : memref<10000x128xf32, #tpu.memory_space<vmem>>, vector<500x128xf32>,
    } else {
    }
    %lt3A_316 = arith.constant 4000 : i32
    %lt3A_317 = arith.cmpi slt, %get3A_2, %lt3A_316 : i32
    %ge3A_318 = arith.constant 3500 : i32
    %ge3A_319 = arith.cmpi sge, %get3A_5, %ge3A_318 : i32
    %and3A_320 = arith.andi %lt3A_317, %ge3A_319 : i1
    %convert_element_type3A_321 = arith.extui %and3A_320 : i1 to i32
    %cond3A_322 = arith.constant 0 : i32
    %cond3A_323 = arith.cmpi ne, %convert_element_type3A_321, %cond3A_322 : i32
    scf.if %cond3A_323 {
      %iota3A_436 = tpu.iota {dimensions = array<i32: 0>} : vector<500x1000xi32>
      %add3A_437 = arith.constant 3500 : i32
      %add3A_438 = vector.broadcast %add3A_437 : i32 to vector<500x1000xi32>
      %add3A_439 = arith.addi %iota3A_436, %add3A_438 : vector<500x1000xi32>
      %eq3A_440 = vector.broadcast %slice3A : vector<1x1000xi32> to vector<500x1000xi32>
      %eq3A_441 = arith.cmpi eq, %add3A_439, %eq3A_440 : vector<500x1000xi32>
      %convert_element_type3A_442 = arith.extui %eq3A_441 : vector<500x1000xi1> to vector<500x1000xi32>
      %convert_element_type3A_443 = arith.sitofp %convert_element_type3A_442 : vector<500x1000xi32> to vector<500x1000xf32>
      %dot_general3A_444 = arith.constant dense<0.000000e+00> : vector<500x128xf32>
      %dot_general3A_445 = tpu.matmul %convert_element_type3A_443, %mul3A_259, %dot_general3A_444 {dimension_numbers = #tpu.dot_dimension_numbers<[1], [0], [0], [1], [0, 0, 1, 1], [], []>, transpose_lhs_hint = false} : vector<500x1000xf32>, vector<1000x128xf32>, vector<500x128xf32> -> vector<500x128xf32>
      %get3A_446 = arith.constant 3500 : index
      %get3A_447 = arith.constant 0 : index
      %get3A_448 = vector.load %arg9[%get3A_446, %get3A_447] : memref<10000x128xf32, #tpu.memory_space<vmem>>, vector<500x128xf32>
      %add3A_449 = arith.addf %get3A_448, %dot_general3A_445 : vector<500x128xf32>
      %swap3A_450 = arith.constant 3500 : index
      %swap3A_451 = arith.constant 0 : index
      %swap3A_452 = vector.load %arg9[%swap3A_450, %swap3A_451] : memref<10000x128xf32, #tpu.memory_space<vmem>>, vector<500x128xf32>
      tpu.vector_store %arg9[%swap3A_450, %swap3A_451], %add3A_449 {strides = array<i32>} : memref<10000x128xf32, #tpu.memory_space<vmem>>, vector<500x128xf32>,
    } else {
    }
    %lt3A_324 = arith.constant 4500 : i32
    %lt3A_325 = arith.cmpi slt, %get3A_2, %lt3A_324 : i32
    %ge3A_326 = arith.constant 4000 : i32
    %ge3A_327 = arith.cmpi sge, %get3A_5, %ge3A_326 : i32
    %and3A_328 = arith.andi %lt3A_325, %ge3A_327 : i1
    %convert_element_type3A_329 = arith.extui %and3A_328 : i1 to i32
    %cond3A_330 = arith.constant 0 : i32
    %cond3A_331 = arith.cmpi ne, %convert_element_type3A_329, %cond3A_330 : i32
    scf.if %cond3A_331 {
      %iota3A_436 = tpu.iota {dimensions = array<i32: 0>} : vector<500x1000xi32>
      %add3A_437 = arith.constant 4000 : i32
      %add3A_438 = vector.broadcast %add3A_437 : i32 to vector<500x1000xi32>
      %add3A_439 = arith.addi %iota3A_436, %add3A_438 : vector<500x1000xi32>
      %eq3A_440 = vector.broadcast %slice3A : vector<1x1000xi32> to vector<500x1000xi32>
      %eq3A_441 = arith.cmpi eq, %add3A_439, %eq3A_440 : vector<500x1000xi32>
      %convert_element_type3A_442 = arith.extui %eq3A_441 : vector<500x1000xi1> to vector<500x1000xi32>
      %convert_element_type3A_443 = arith.sitofp %convert_element_type3A_442 : vector<500x1000xi32> to vector<500x1000xf32>
      %dot_general3A_444 = arith.constant dense<0.000000e+00> : vector<500x128xf32>
      %dot_general3A_445 = tpu.matmul %convert_element_type3A_443, %mul3A_259, %dot_general3A_444 {dimension_numbers = #tpu.dot_dimension_numbers<[1], [0], [0], [1], [0, 0, 1, 1], [], []>, transpose_lhs_hint = false} : vector<500x1000xf32>, vector<1000x128xf32>, vector<500x128xf32> -> vector<500x128xf32>
      %get3A_446 = arith.constant 4000 : index
      %get3A_447 = arith.constant 0 : index
      %get3A_448 = vector.load %arg9[%get3A_446, %get3A_447] : memref<10000x128xf32, #tpu.memory_space<vmem>>, vector<500x128xf32>
      %add3A_449 = arith.addf %get3A_448, %dot_general3A_445 : vector<500x128xf32>
      %swap3A_450 = arith.constant 4000 : index
      %swap3A_451 = arith.constant 0 : index
      %swap3A_452 = vector.load %arg9[%swap3A_450, %swap3A_451] : memref<10000x128xf32, #tpu.memory_space<vmem>>, vector<500x128xf32>
      tpu.vector_store %arg9[%swap3A_450, %swap3A_451], %add3A_449 {strides = array<i32>} : memref<10000x128xf32, #tpu.memory_space<vmem>>, vector<500x128xf32>,
    } else {
    }
    %lt3A_332 = arith.constant 5000 : i32
    %lt3A_333 = arith.cmpi slt, %get3A_2, %lt3A_332 : i32
    %ge3A_334 = arith.constant 4500 : i32
    %ge3A_335 = arith.cmpi sge, %get3A_5, %ge3A_334 : i32
    %and3A_336 = arith.andi %lt3A_333, %ge3A_335 : i1
    %convert_element_type3A_337 = arith.extui %and3A_336 : i1 to i32
    %cond3A_338 = arith.constant 0 : i32
    %cond3A_339 = arith.cmpi ne, %convert_element_type3A_337, %cond3A_338 : i32
    scf.if %cond3A_339 {
      %iota3A_436 = tpu.iota {dimensions = array<i32: 0>} : vector<500x1000xi32>
      %add3A_437 = arith.constant 4500 : i32
      %add3A_438 = vector.broadcast %add3A_437 : i32 to vector<500x1000xi32>
      %add3A_439 = arith.addi %iota3A_436, %add3A_438 : vector<500x1000xi32>
      %eq3A_440 = vector.broadcast %slice3A : vector<1x1000xi32> to vector<500x1000xi32>
      %eq3A_441 = arith.cmpi eq, %add3A_439, %eq3A_440 : vector<500x1000xi32>
      %convert_element_type3A_442 = arith.extui %eq3A_441 : vector<500x1000xi1> to vector<500x1000xi32>
      %convert_element_type3A_443 = arith.sitofp %convert_element_type3A_442 : vector<500x1000xi32> to vector<500x1000xf32>
      %dot_general3A_444 = arith.constant dense<0.000000e+00> : vector<500x128xf32>
      %dot_general3A_445 = tpu.matmul %convert_element_type3A_443, %mul3A_259, %dot_general3A_444 {dimension_numbers = #tpu.dot_dimension_numbers<[1], [0], [0], [1], [0, 0, 1, 1], [], []>, transpose_lhs_hint = false} : vector<500x1000xf32>, vector<1000x128xf32>, vector<500x128xf32> -> vector<500x128xf32>
      %get3A_446 = arith.constant 4500 : index
      %get3A_447 = arith.constant 0 : index
      %get3A_448 = vector.load %arg9[%get3A_446, %get3A_447] : memref<10000x128xf32, #tpu.memory_space<vmem>>, vector<500x128xf32>
      %add3A_449 = arith.addf %get3A_448, %dot_general3A_445 : vector<500x128xf32>
      %swap3A_450 = arith.constant 4500 : index
      %swap3A_451 = arith.constant 0 : index
      %swap3A_452 = vector.load %arg9[%swap3A_450, %swap3A_451] : memref<10000x128xf32, #tpu.memory_space<vmem>>, vector<500x128xf32>
      tpu.vector_store %arg9[%swap3A_450, %swap3A_451], %add3A_449 {strides = array<i32>} : memref<10000x128xf32, #tpu.memory_space<vmem>>, vector<500x128xf32>,
    } else {
    }
    %lt3A_340 = arith.constant 5500 : i32
    %lt3A_341 = arith.cmpi slt, %get3A_2, %lt3A_340 : i32
    %ge3A_342 = arith.constant 5000 : i32
    %ge3A_343 = arith.cmpi sge, %get3A_5, %ge3A_342 : i32
    %and3A_344 = arith.andi %lt3A_341, %ge3A_343 : i1
    %convert_element_type3A_345 = arith.extui %and3A_344 : i1 to i32
    %cond3A_346 = arith.constant 0 : i32
    %cond3A_347 = arith.cmpi ne, %convert_element_type3A_345, %cond3A_346 : i32
    scf.if %cond3A_347 {
      %iota3A_436 = tpu.iota {dimensions = array<i32: 0>} : vector<500x1000xi32>
      %add3A_437 = arith.constant 5000 : i32
      %add3A_438 = vector.broadcast %add3A_437 : i32 to vector<500x1000xi32>
      %add3A_439 = arith.addi %iota3A_436, %add3A_438 : vector<500x1000xi32>
      %eq3A_440 = vector.broadcast %slice3A : vector<1x1000xi32> to vector<500x1000xi32>
      %eq3A_441 = arith.cmpi eq, %add3A_439, %eq3A_440 : vector<500x1000xi32>
      %convert_element_type3A_442 = arith.extui %eq3A_441 : vector<500x1000xi1> to vector<500x1000xi32>
      %convert_element_type3A_443 = arith.sitofp %convert_element_type3A_442 : vector<500x1000xi32> to vector<500x1000xf32>
      %dot_general3A_444 = arith.constant dense<0.000000e+00> : vector<500x128xf32>
      %dot_general3A_445 = tpu.matmul %convert_element_type3A_443, %mul3A_259, %dot_general3A_444 {dimension_numbers = #tpu.dot_dimension_numbers<[1], [0], [0], [1], [0, 0, 1, 1], [], []>, transpose_lhs_hint = false} : vector<500x1000xf32>, vector<1000x128xf32>, vector<500x128xf32> -> vector<500x128xf32>
      %get3A_446 = arith.constant 5000 : index
      %get3A_447 = arith.constant 0 : index
      %get3A_448 = vector.load %arg9[%get3A_446, %get3A_447] : memref<10000x128xf32, #tpu.memory_space<vmem>>, vector<500x128xf32>
      %add3A_449 = arith.addf %get3A_448, %dot_general3A_445 : vector<500x128xf32>
      %swap3A_450 = arith.constant 5000 : index
      %swap3A_451 = arith.constant 0 : index
      %swap3A_452 = vector.load %arg9[%swap3A_450, %swap3A_451] : memref<10000x128xf32, #tpu.memory_space<vmem>>, vector<500x128xf32>
      tpu.vector_store %arg9[%swap3A_450, %swap3A_451], %add3A_449 {strides = array<i32>} : memref<10000x128xf32, #tpu.memory_space<vmem>>, vector<500x128xf32>,
    } else {
    }
    %lt3A_348 = arith.constant 6000 : i32
    %lt3A_349 = arith.cmpi slt, %get3A_2, %lt3A_348 : i32
    %ge3A_350 = arith.constant 5500 : i32
    %ge3A_351 = arith.cmpi sge, %get3A_5, %ge3A_350 : i32
    %and3A_352 = arith.andi %lt3A_349, %ge3A_351 : i1
    %convert_element_type3A_353 = arith.extui %and3A_352 : i1 to i32
    %cond3A_354 = arith.constant 0 : i32
    %cond3A_355 = arith.cmpi ne, %convert_element_type3A_353, %cond3A_354 : i32
    scf.if %cond3A_355 {
      %iota3A_436 = tpu.iota {dimensions = array<i32: 0>} : vector<500x1000xi32>
      %add3A_437 = arith.constant 5500 : i32
      %add3A_438 = vector.broadcast %add3A_437 : i32 to vector<500x1000xi32>
      %add3A_439 = arith.addi %iota3A_436, %add3A_438 : vector<500x1000xi32>
      %eq3A_440 = vector.broadcast %slice3A : vector<1x1000xi32> to vector<500x1000xi32>
      %eq3A_441 = arith.cmpi eq, %add3A_439, %eq3A_440 : vector<500x1000xi32>
      %convert_element_type3A_442 = arith.extui %eq3A_441 : vector<500x1000xi1> to vector<500x1000xi32>
      %convert_element_type3A_443 = arith.sitofp %convert_element_type3A_442 : vector<500x1000xi32> to vector<500x1000xf32>
      %dot_general3A_444 = arith.constant dense<0.000000e+00> : vector<500x128xf32>
      %dot_general3A_445 = tpu.matmul %convert_element_type3A_443, %mul3A_259, %dot_general3A_444 {dimension_numbers = #tpu.dot_dimension_numbers<[1], [0], [0], [1], [0, 0, 1, 1], [], []>, transpose_lhs_hint = false} : vector<500x1000xf32>, vector<1000x128xf32>, vector<500x128xf32> -> vector<500x128xf32>
      %get3A_446 = arith.constant 5500 : index
      %get3A_447 = arith.constant 0 : index
      %get3A_448 = vector.load %arg9[%get3A_446, %get3A_447] : memref<10000x128xf32, #tpu.memory_space<vmem>>, vector<500x128xf32>
      %add3A_449 = arith.addf %get3A_448, %dot_general3A_445 : vector<500x128xf32>
      %swap3A_450 = arith.constant 5500 : index
      %swap3A_451 = arith.constant 0 : index
      %swap3A_452 = vector.load %arg9[%swap3A_450, %swap3A_451] : memref<10000x128xf32, #tpu.memory_space<vmem>>, vector<500x128xf32>
      tpu.vector_store %arg9[%swap3A_450, %swap3A_451], %add3A_449 {strides = array<i32>} : memref<10000x128xf32, #tpu.memory_space<vmem>>, vector<500x128xf32>,
    } else {
    }
    %lt3A_356 = arith.constant 6500 : i32
    %lt3A_357 = arith.cmpi slt, %get3A_2, %lt3A_356 : i32
    %ge3A_358 = arith.constant 6000 : i32
    %ge3A_359 = arith.cmpi sge, %get3A_5, %ge3A_358 : i32
    %and3A_360 = arith.andi %lt3A_357, %ge3A_359 : i1
    %convert_element_type3A_361 = arith.extui %and3A_360 : i1 to i32
    %cond3A_362 = arith.constant 0 : i32
    %cond3A_363 = arith.cmpi ne, %convert_element_type3A_361, %cond3A_362 : i32
    scf.if %cond3A_363 {
      %iota3A_436 = tpu.iota {dimensions = array<i32: 0>} : vector<500x1000xi32>
      %add3A_437 = arith.constant 6000 : i32
      %add3A_438 = vector.broadcast %add3A_437 : i32 to vector<500x1000xi32>
      %add3A_439 = arith.addi %iota3A_436, %add3A_438 : vector<500x1000xi32>
      %eq3A_440 = vector.broadcast %slice3A : vector<1x1000xi32> to vector<500x1000xi32>
      %eq3A_441 = arith.cmpi eq, %add3A_439, %eq3A_440 : vector<500x1000xi32>
      %convert_element_type3A_442 = arith.extui %eq3A_441 : vector<500x1000xi1> to vector<500x1000xi32>
      %convert_element_type3A_443 = arith.sitofp %convert_element_type3A_442 : vector<500x1000xi32> to vector<500x1000xf32>
      %dot_general3A_444 = arith.constant dense<0.000000e+00> : vector<500x128xf32>
      %dot_general3A_445 = tpu.matmul %convert_element_type3A_443, %mul3A_259, %dot_general3A_444 {dimension_numbers = #tpu.dot_dimension_numbers<[1], [0], [0], [1], [0, 0, 1, 1], [], []>, transpose_lhs_hint = false} : vector<500x1000xf32>, vector<1000x128xf32>, vector<500x128xf32> -> vector<500x128xf32>
      %get3A_446 = arith.constant 6000 : index
      %get3A_447 = arith.constant 0 : index
      %get3A_448 = vector.load %arg9[%get3A_446, %get3A_447] : memref<10000x128xf32, #tpu.memory_space<vmem>>, vector<500x128xf32>
      %add3A_449 = arith.addf %get3A_448, %dot_general3A_445 : vector<500x128xf32>
      %swap3A_450 = arith.constant 6000 : index
      %swap3A_451 = arith.constant 0 : index
      %swap3A_452 = vector.load %arg9[%swap3A_450, %swap3A_451] : memref<10000x128xf32, #tpu.memory_space<vmem>>, vector<500x128xf32>
      tpu.vector_store %arg9[%swap3A_450, %swap3A_451], %add3A_449 {strides = array<i32>} : memref<10000x128xf32, #tpu.memory_space<vmem>>, vector<500x128xf32>,
    } else {
    }
    %lt3A_364 = arith.constant 7000 : i32
    %lt3A_365 = arith.cmpi slt, %get3A_2, %lt3A_364 : i32
    %ge3A_366 = arith.constant 6500 : i32
    %ge3A_367 = arith.cmpi sge, %get3A_5, %ge3A_366 : i32
    %and3A_368 = arith.andi %lt3A_365, %ge3A_367 : i1
    %convert_element_type3A_369 = arith.extui %and3A_368 : i1 to i32
    %cond3A_370 = arith.constant 0 : i32
    %cond3A_371 = arith.cmpi ne, %convert_element_type3A_369, %cond3A_370 : i32
    scf.if %cond3A_371 {
      %iota3A_436 = tpu.iota {dimensions = array<i32: 0>} : vector<500x1000xi32>
      %add3A_437 = arith.constant 6500 : i32
      %add3A_438 = vector.broadcast %add3A_437 : i32 to vector<500x1000xi32>
      %add3A_439 = arith.addi %iota3A_436, %add3A_438 : vector<500x1000xi32>
      %eq3A_440 = vector.broadcast %slice3A : vector<1x1000xi32> to vector<500x1000xi32>
      %eq3A_441 = arith.cmpi eq, %add3A_439, %eq3A_440 : vector<500x1000xi32>
      %convert_element_type3A_442 = arith.extui %eq3A_441 : vector<500x1000xi1> to vector<500x1000xi32>
      %convert_element_type3A_443 = arith.sitofp %convert_element_type3A_442 : vector<500x1000xi32> to vector<500x1000xf32>
      %dot_general3A_444 = arith.constant dense<0.000000e+00> : vector<500x128xf32>
      %dot_general3A_445 = tpu.matmul %convert_element_type3A_443, %mul3A_259, %dot_general3A_444 {dimension_numbers = #tpu.dot_dimension_numbers<[1], [0], [0], [1], [0, 0, 1, 1], [], []>, transpose_lhs_hint = false} : vector<500x1000xf32>, vector<1000x128xf32>, vector<500x128xf32> -> vector<500x128xf32>
      %get3A_446 = arith.constant 6500 : index
      %get3A_447 = arith.constant 0 : index
      %get3A_448 = vector.load %arg9[%get3A_446, %get3A_447] : memref<10000x128xf32, #tpu.memory_space<vmem>>, vector<500x128xf32>
      %add3A_449 = arith.addf %get3A_448, %dot_general3A_445 : vector<500x128xf32>
      %swap3A_450 = arith.constant 6500 : index
      %swap3A_451 = arith.constant 0 : index
      %swap3A_452 = vector.load %arg9[%swap3A_450, %swap3A_451] : memref<10000x128xf32, #tpu.memory_space<vmem>>, vector<500x128xf32>
      tpu.vector_store %arg9[%swap3A_450, %swap3A_451], %add3A_449 {strides = array<i32>} : memref<10000x128xf32, #tpu.memory_space<vmem>>, vector<500x128xf32>,
    } else {
    }
    %lt3A_372 = arith.constant 7500 : i32
    %lt3A_373 = arith.cmpi slt, %get3A_2, %lt3A_372 : i32
    %ge3A_374 = arith.constant 7000 : i32
    %ge3A_375 = arith.cmpi sge, %get3A_5, %ge3A_374 : i32
    %and3A_376 = arith.andi %lt3A_373, %ge3A_375 : i1
    %convert_element_type3A_377 = arith.extui %and3A_376 : i1 to i32
    %cond3A_378 = arith.constant 0 : i32
    %cond3A_379 = arith.cmpi ne, %convert_element_type3A_377, %cond3A_378 : i32
    scf.if %cond3A_379 {
      %iota3A_436 = tpu.iota {dimensions = array<i32: 0>} : vector<500x1000xi32>
      %add3A_437 = arith.constant 7000 : i32
      %add3A_438 = vector.broadcast %add3A_437 : i32 to vector<500x1000xi32>
      %add3A_439 = arith.addi %iota3A_436, %add3A_438 : vector<500x1000xi32>
      %eq3A_440 = vector.broadcast %slice3A : vector<1x1000xi32> to vector<500x1000xi32>
      %eq3A_441 = arith.cmpi eq, %add3A_439, %eq3A_440 : vector<500x1000xi32>
      %convert_element_type3A_442 = arith.extui %eq3A_441 : vector<500x1000xi1> to vector<500x1000xi32>
      %convert_element_type3A_443 = arith.sitofp %convert_element_type3A_442 : vector<500x1000xi32> to vector<500x1000xf32>
      %dot_general3A_444 = arith.constant dense<0.000000e+00> : vector<500x128xf32>
      %dot_general3A_445 = tpu.matmul %convert_element_type3A_443, %mul3A_259, %dot_general3A_444 {dimension_numbers = #tpu.dot_dimension_numbers<[1], [0], [0], [1], [0, 0, 1, 1], [], []>, transpose_lhs_hint = false} : vector<500x1000xf32>, vector<1000x128xf32>, vector<500x128xf32> -> vector<500x128xf32>
      %get3A_446 = arith.constant 7000 : index
      %get3A_447 = arith.constant 0 : index
      %get3A_448 = vector.load %arg9[%get3A_446, %get3A_447] : memref<10000x128xf32, #tpu.memory_space<vmem>>, vector<500x128xf32>
      %add3A_449 = arith.addf %get3A_448, %dot_general3A_445 : vector<500x128xf32>
      %swap3A_450 = arith.constant 7000 : index
      %swap3A_451 = arith.constant 0 : index
      %swap3A_452 = vector.load %arg9[%swap3A_450, %swap3A_451] : memref<10000x128xf32, #tpu.memory_space<vmem>>, vector<500x128xf32>
      tpu.vector_store %arg9[%swap3A_450, %swap3A_451], %add3A_449 {strides = array<i32>} : memref<10000x128xf32, #tpu.memory_space<vmem>>, vector<500x128xf32>,
    } else {
    }
    %lt3A_380 = arith.constant 8000 : i32
    %lt3A_381 = arith.cmpi slt, %get3A_2, %lt3A_380 : i32
    %ge3A_382 = arith.constant 7500 : i32
    %ge3A_383 = arith.cmpi sge, %get3A_5, %ge3A_382 : i32
    %and3A_384 = arith.andi %lt3A_381, %ge3A_383 : i1
    %convert_element_type3A_385 = arith.extui %and3A_384 : i1 to i32
    %cond3A_386 = arith.constant 0 : i32
    %cond3A_387 = arith.cmpi ne, %convert_element_type3A_385, %cond3A_386 : i32
    scf.if %cond3A_387 {
      %iota3A_436 = tpu.iota {dimensions = array<i32: 0>} : vector<500x1000xi32>
      %add3A_437 = arith.constant 7500 : i32
      %add3A_438 = vector.broadcast %add3A_437 : i32 to vector<500x1000xi32>
      %add3A_439 = arith.addi %iota3A_436, %add3A_438 : vector<500x1000xi32>
      %eq3A_440 = vector.broadcast %slice3A : vector<1x1000xi32> to vector<500x1000xi32>
      %eq3A_441 = arith.cmpi eq, %add3A_439, %eq3A_440 : vector<500x1000xi32>
      %convert_element_type3A_442 = arith.extui %eq3A_441 : vector<500x1000xi1> to vector<500x1000xi32>
      %convert_element_type3A_443 = arith.sitofp %convert_element_type3A_442 : vector<500x1000xi32> to vector<500x1000xf32>
      %dot_general3A_444 = arith.constant dense<0.000000e+00> : vector<500x128xf32>
      %dot_general3A_445 = tpu.matmul %convert_element_type3A_443, %mul3A_259, %dot_general3A_444 {dimension_numbers = #tpu.dot_dimension_numbers<[1], [0], [0], [1], [0, 0, 1, 1], [], []>, transpose_lhs_hint = false} : vector<500x1000xf32>, vector<1000x128xf32>, vector<500x128xf32> -> vector<500x128xf32>
      %get3A_446 = arith.constant 7500 : index
      %get3A_447 = arith.constant 0 : index
      %get3A_448 = vector.load %arg9[%get3A_446, %get3A_447] : memref<10000x128xf32, #tpu.memory_space<vmem>>, vector<500x128xf32>
      %add3A_449 = arith.addf %get3A_448, %dot_general3A_445 : vector<500x128xf32>
      %swap3A_450 = arith.constant 7500 : index
      %swap3A_451 = arith.constant 0 : index
      %swap3A_452 = vector.load %arg9[%swap3A_450, %swap3A_451] : memref<10000x128xf32, #tpu.memory_space<vmem>>, vector<500x128xf32>
      tpu.vector_store %arg9[%swap3A_450, %swap3A_451], %add3A_449 {strides = array<i32>} : memref<10000x128xf32, #tpu.memory_space<vmem>>, vector<500x128xf32>,
    } else {
    }
    %lt3A_388 = arith.constant 8500 : i32
    %lt3A_389 = arith.cmpi slt, %get3A_2, %lt3A_388 : i32
    %ge3A_390 = arith.constant 8000 : i32
    %ge3A_391 = arith.cmpi sge, %get3A_5, %ge3A_390 : i32
    %and3A_392 = arith.andi %lt3A_389, %ge3A_391 : i1
    %convert_element_type3A_393 = arith.extui %and3A_392 : i1 to i32
    %cond3A_394 = arith.constant 0 : i32
    %cond3A_395 = arith.cmpi ne, %convert_element_type3A_393, %cond3A_394 : i32
    scf.if %cond3A_395 {
      %iota3A_436 = tpu.iota {dimensions = array<i32: 0>} : vector<500x1000xi32>
      %add3A_437 = arith.constant 8000 : i32
      %add3A_438 = vector.broadcast %add3A_437 : i32 to vector<500x1000xi32>
      %add3A_439 = arith.addi %iota3A_436, %add3A_438 : vector<500x1000xi32>
      %eq3A_440 = vector.broadcast %slice3A : vector<1x1000xi32> to vector<500x1000xi32>
      %eq3A_441 = arith.cmpi eq, %add3A_439, %eq3A_440 : vector<500x1000xi32>
      %convert_element_type3A_442 = arith.extui %eq3A_441 : vector<500x1000xi1> to vector<500x1000xi32>
      %convert_element_type3A_443 = arith.sitofp %convert_element_type3A_442 : vector<500x1000xi32> to vector<500x1000xf32>
      %dot_general3A_444 = arith.constant dense<0.000000e+00> : vector<500x128xf32>
      %dot_general3A_445 = tpu.matmul %convert_element_type3A_443, %mul3A_259, %dot_general3A_444 {dimension_numbers = #tpu.dot_dimension_numbers<[1], [0], [0], [1], [0, 0, 1, 1], [], []>, transpose_lhs_hint = false} : vector<500x1000xf32>, vector<1000x128xf32>, vector<500x128xf32> -> vector<500x128xf32>
      %get3A_446 = arith.constant 8000 : index
      %get3A_447 = arith.constant 0 : index
      %get3A_448 = vector.load %arg9[%get3A_446, %get3A_447] : memref<10000x128xf32, #tpu.memory_space<vmem>>, vector<500x128xf32>
      %add3A_449 = arith.addf %get3A_448, %dot_general3A_445 : vector<500x128xf32>
      %swap3A_450 = arith.constant 8000 : index
      %swap3A_451 = arith.constant 0 : index
      %swap3A_452 = vector.load %arg9[%swap3A_450, %swap3A_451] : memref<10000x128xf32, #tpu.memory_space<vmem>>, vector<500x128xf32>
      tpu.vector_store %arg9[%swap3A_450, %swap3A_451], %add3A_449 {strides = array<i32>} : memref<10000x128xf32, #tpu.memory_space<vmem>>, vector<500x128xf32>,
    } else {
    }
    %lt3A_396 = arith.constant 9000 : i32
    %lt3A_397 = arith.cmpi slt, %get3A_2, %lt3A_396 : i32
    %ge3A_398 = arith.constant 8500 : i32
    %ge3A_399 = arith.cmpi sge, %get3A_5, %ge3A_398 : i32
    %and3A_400 = arith.andi %lt3A_397, %ge3A_399 : i1
    %convert_element_type3A_401 = arith.extui %and3A_400 : i1 to i32
    %cond3A_402 = arith.constant 0 : i32
    %cond3A_403 = arith.cmpi ne, %convert_element_type3A_401, %cond3A_402 : i32
    scf.if %cond3A_403 {
      %iota3A_436 = tpu.iota {dimensions = array<i32: 0>} : vector<500x1000xi32>
      %add3A_437 = arith.constant 8500 : i32
      %add3A_438 = vector.broadcast %add3A_437 : i32 to vector<500x1000xi32>
      %add3A_439 = arith.addi %iota3A_436, %add3A_438 : vector<500x1000xi32>
      %eq3A_440 = vector.broadcast %slice3A : vector<1x1000xi32> to vector<500x1000xi32>
      %eq3A_441 = arith.cmpi eq, %add3A_439, %eq3A_440 : vector<500x1000xi32>
      %convert_element_type3A_442 = arith.extui %eq3A_441 : vector<500x1000xi1> to vector<500x1000xi32>
      %convert_element_type3A_443 = arith.sitofp %convert_element_type3A_442 : vector<500x1000xi32> to vector<500x1000xf32>
      %dot_general3A_444 = arith.constant dense<0.000000e+00> : vector<500x128xf32>
      %dot_general3A_445 = tpu.matmul %convert_element_type3A_443, %mul3A_259, %dot_general3A_444 {dimension_numbers = #tpu.dot_dimension_numbers<[1], [0], [0], [1], [0, 0, 1, 1], [], []>, transpose_lhs_hint = false} : vector<500x1000xf32>, vector<1000x128xf32>, vector<500x128xf32> -> vector<500x128xf32>
      %get3A_446 = arith.constant 8500 : index
      %get3A_447 = arith.constant 0 : index
      %get3A_448 = vector.load %arg9[%get3A_446, %get3A_447] : memref<10000x128xf32, #tpu.memory_space<vmem>>, vector<500x128xf32>
      %add3A_449 = arith.addf %get3A_448, %dot_general3A_445 : vector<500x128xf32>
      %swap3A_450 = arith.constant 8500 : index
      %swap3A_451 = arith.constant 0 : index
      %swap3A_452 = vector.load %arg9[%swap3A_450, %swap3A_451] : memref<10000x128xf32, #tpu.memory_space<vmem>>, vector<500x128xf32>
      tpu.vector_store %arg9[%swap3A_450, %swap3A_451], %add3A_449 {strides = array<i32>} : memref<10000x128xf32, #tpu.memory_space<vmem>>, vector<500x128xf32>,
    } else {
    }
    %lt3A_404 = arith.constant 9500 : i32
    %lt3A_405 = arith.cmpi slt, %get3A_2, %lt3A_404 : i32
    %ge3A_406 = arith.constant 9000 : i32
    %ge3A_407 = arith.cmpi sge, %get3A_5, %ge3A_406 : i32
    %and3A_408 = arith.andi %lt3A_405, %ge3A_407 : i1
    %convert_element_type3A_409 = arith.extui %and3A_408 : i1 to i32
    %cond3A_410 = arith.constant 0 : i32
    %cond3A_411 = arith.cmpi ne, %convert_element_type3A_409, %cond3A_410 : i32
    scf.if %cond3A_411 {
      %iota3A_436 = tpu.iota {dimensions = array<i32: 0>} : vector<500x1000xi32>
      %add3A_437 = arith.constant 9000 : i32
      %add3A_438 = vector.broadcast %add3A_437 : i32 to vector<500x1000xi32>
      %add3A_439 = arith.addi %iota3A_436, %add3A_438 : vector<500x1000xi32>
      %eq3A_440 = vector.broadcast %slice3A : vector<1x1000xi32> to vector<500x1000xi32>
      %eq3A_441 = arith.cmpi eq, %add3A_439, %eq3A_440 : vector<500x1000xi32>
      %convert_element_type3A_442 = arith.extui %eq3A_441 : vector<500x1000xi1> to vector<500x1000xi32>
      %convert_element_type3A_443 = arith.sitofp %convert_element_type3A_442 : vector<500x1000xi32> to vector<500x1000xf32>
      %dot_general3A_444 = arith.constant dense<0.000000e+00> : vector<500x128xf32>
      %dot_general3A_445 = tpu.matmul %convert_element_type3A_443, %mul3A_259, %dot_general3A_444 {dimension_numbers = #tpu.dot_dimension_numbers<[1], [0], [0], [1], [0, 0, 1, 1], [], []>, transpose_lhs_hint = false} : vector<500x1000xf32>, vector<1000x128xf32>, vector<500x128xf32> -> vector<500x128xf32>
      %get3A_446 = arith.constant 9000 : index
      %get3A_447 = arith.constant 0 : index
      %get3A_448 = vector.load %arg9[%get3A_446, %get3A_447] : memref<10000x128xf32, #tpu.memory_space<vmem>>, vector<500x128xf32>
      %add3A_449 = arith.addf %get3A_448, %dot_general3A_445 : vector<500x128xf32>
      %swap3A_450 = arith.constant 9000 : index
      %swap3A_451 = arith.constant 0 : index
      %swap3A_452 = vector.load %arg9[%swap3A_450, %swap3A_451] : memref<10000x128xf32, #tpu.memory_space<vmem>>, vector<500x128xf32>
      tpu.vector_store %arg9[%swap3A_450, %swap3A_451], %add3A_449 {strides = array<i32>} : memref<10000x128xf32, #tpu.memory_space<vmem>>, vector<500x128xf32>,
    } else {
    }
    %lt3A_412 = arith.constant 10000 : i32
    %lt3A_413 = arith.cmpi slt, %get3A_2, %lt3A_412 : i32
    %ge3A_414 = arith.constant 9500 : i32
    %ge3A_415 = arith.cmpi sge, %get3A_5, %ge3A_414 : i32
    %and3A_416 = arith.andi %lt3A_413, %ge3A_415 : i1
    %convert_element_type3A_417 = arith.extui %and3A_416 : i1 to i32
    %cond3A_418 = arith.constant 0 : i32
    %cond3A_419 = arith.cmpi ne, %convert_element_type3A_417, %cond3A_418 : i32
    scf.if %cond3A_419 {
      %iota3A_436 = tpu.iota {dimensions = array<i32: 0>} : vector<500x1000xi32>
      %add3A_437 = arith.constant 9500 : i32
      %add3A_438 = vector.broadcast %add3A_437 : i32 to vector<500x1000xi32>
      %add3A_439 = arith.addi %iota3A_436, %add3A_438 : vector<500x1000xi32>
      %eq3A_440 = vector.broadcast %slice3A : vector<1x1000xi32> to vector<500x1000xi32>
      %eq3A_441 = arith.cmpi eq, %add3A_439, %eq3A_440 : vector<500x1000xi32>
      %convert_element_type3A_442 = arith.extui %eq3A_441 : vector<500x1000xi1> to vector<500x1000xi32>
      %convert_element_type3A_443 = arith.sitofp %convert_element_type3A_442 : vector<500x1000xi32> to vector<500x1000xf32>
      %dot_general3A_444 = arith.constant dense<0.000000e+00> : vector<500x128xf32>
      %dot_general3A_445 = tpu.matmul %convert_element_type3A_443, %mul3A_259, %dot_general3A_444 {dimension_numbers = #tpu.dot_dimension_numbers<[1], [0], [0], [1], [0, 0, 1, 1], [], []>, transpose_lhs_hint = false} : vector<500x1000xf32>, vector<1000x128xf32>, vector<500x128xf32> -> vector<500x128xf32>
      %get3A_446 = arith.constant 9500 : index
      %get3A_447 = arith.constant 0 : index
      %get3A_448 = vector.load %arg9[%get3A_446, %get3A_447] : memref<10000x128xf32, #tpu.memory_space<vmem>>, vector<500x128xf32>
      %add3A_449 = arith.addf %get3A_448, %dot_general3A_445 : vector<500x128xf32>
      %swap3A_450 = arith.constant 9500 : index
      %swap3A_451 = arith.constant 0 : index
      %swap3A_452 = vector.load %arg9[%swap3A_450, %swap3A_451] : memref<10000x128xf32, #tpu.memory_space<vmem>>, vector<500x128xf32>
      tpu.vector_store %arg9[%swap3A_450, %swap3A_451], %add3A_449 {strides = array<i32>} : memref<10000x128xf32, #tpu.memory_space<vmem>>, vector<500x128xf32>,
    } else {
    }
    %eq3A_420 = arith.constant 7 : i32
    %eq3A_421 = arith.cmpi eq, %arg2, %eq3A_420 : i32
    %convert_element_type3A_422 = arith.extui %eq3A_421 : i1 to i32
    %cond3A_423 = arith.constant 0 : i32
    %cond3A_424 = arith.cmpi ne, %convert_element_type3A_422, %cond3A_423 : i32
    scf.if %cond3A_424 {
      %eq3A_436 = arith.constant 19 : i32
      %eq3A_437 = arith.cmpi eq, %arg1, %eq3A_436 : i32
      %convert_element_type3A_438 = arith.extui %eq3A_437 : i1 to i32
      %cond3A_439 = arith.constant 0 : i32
      %cond3A_440 = arith.cmpi ne, %convert_element_type3A_438, %cond3A_439 : i32
      scf.if %cond3A_440 {
        %get3A_447 = arith.constant 0 : index
        %get3A_448 = arith.constant 0 : index
        %get3A_449 = vector.load %arg9[%get3A_447, %get3A_448] : memref<10000x128xf32, #tpu.memory_space<vmem>>, vector<10000x128xf32>
        %mul3A_450 = arith.mulf %get3A_449, %get3A_449 : vector<10000x128xf32>
        %dot_general3A_451 = arith.constant dense<0.000000e+00> : vector<10000x128xf32>
        %dot_general3A_452 = tpu.matmul %mul3A_450, %convert_element_type3A_71, %dot_general3A_451 {dimension_numbers = #tpu.dot_dimension_numbers<[1], [0], [0], [1], [0, 0, 1, 1], [], []>, transpose_lhs_hint = false} : vector<10000x128xf32>, vector<128x128xf32>, vector<10000x128xf32> -> vector<10000x128xf32>
        %sqrt3A = math.sqrt %dot_general3A_452 : vector<10000x128xf32>
        %max3A = arith.constant 9.99999996E-13 : f32
        %max3A_453 = vector.broadcast %max3A : f32 to vector<10000x128xf32>
        %max3A_454 = arith.maximumf %sqrt3A, %max3A_453 : vector<10000x128xf32>
        %div3A_455 = arith.divf %get3A_449, %max3A_454 : vector<10000x128xf32>
        %swap3A_456 = arith.constant 0 : index
        %swap3A_457 = arith.constant 0 : index
        %swap3A_458 = vector.load %arg9[%swap3A_456, %swap3A_457] : memref<10000x128xf32, #tpu.memory_space<vmem>>, vector<10000x128xf32>
        tpu.vector_store %arg9[%swap3A_456, %swap3A_457], %div3A_455 {strides = array<i32>} : memref<10000x128xf32, #tpu.memory_space<vmem>>, vector<10000x128xf32>,
      } else {
      }
      %get3A_441 = arith.constant 0 : index
      %get3A_442 = arith.constant 0 : index
      %get3A_443 = vector.load %arg9[%get3A_441, %get3A_442] : memref<10000x128xf32, #tpu.memory_space<vmem>>, vector<10000x128xf32>
      %swap3A_444 = arith.constant 0 : index
      %swap3A_445 = arith.constant 0 : index
      %swap3A_446 = vector.load %arg8[%swap3A_444, %swap3A_445] : memref<10000x128xf32, #tpu.memory_space<vmem>>, vector<10000x128xf32>
      tpu.vector_store %arg8[%swap3A_444, %swap3A_445], %get3A_443 {strides = array<i32>} : memref<10000x128xf32, #tpu.memory_space<vmem>>, vector<10000x128xf32>,
    } else {
    }
    %eq3A_425 = arith.constant 2 : i32
    %eq3A_426 = arith.cmpi eq, %arg0, %eq3A_425 : i32
    %eq3A_427 = arith.constant 19 : i32
    %eq3A_428 = arith.cmpi eq, %arg1, %eq3A_427 : i32
    %and3A_429 = arith.andi %eq3A_426, %eq3A_428 : i1
    %eq3A_430 = arith.constant 7 : i32
    %eq3A_431 = arith.cmpi eq, %arg2, %eq3A_430 : i32
    %and3A_432 = arith.andi %and3A_429, %eq3A_431 : i1
    %convert_element_type3A_433 = arith.extui %and3A_432 : i1 to i32
    %cond3A_434 = arith.constant 0 : i32
    %cond3A_435 = arith.cmpi ne, %convert_element_type3A_433, %cond3A_434 : i32
    scf.if %cond3A_435 {
      %get3A_436 = arith.constant 0 : index
      %get3A_437 = arith.constant 0 : index
      %get3A_438 = vector.load %arg9[%get3A_436, %get3A_437] : memref<10000x128xf32, #tpu.memory_space<vmem>>, vector<10000x128xf32>
      %swap3A_439 = arith.constant 0 : index
      %swap3A_440 = arith.constant 0 : index
      %swap3A_441 = vector.load %arg7[%swap3A_439, %swap3A_440] : memref<10000x128xf32, #tpu.memory_space<vmem>>, vector<10000x128xf32>
      tpu.vector_store %arg7[%swap3A_439, %swap3A_440], %get3A_438 {strides = array<i32>} : memref<10000x128xf32, #tpu.memory_space<vmem>>, vector<10000x128xf32>,
    } else {
    }
    return
  }
  func.func @transform_0(%arg0: i32, %arg1: i32, %arg2: i32) -> (i32, i32, i32) {
    %mul3A = arith.constant 8 : i32
    %mul3A_0 = arith.muli %arg1, %mul3A : i32
    %add3A = arith.addi %mul3A_0, %arg2 : i32
    %c0_i32 = arith.constant 0 : i32
    %c0_i32_1 = arith.constant 0 : i32
    %c0_i32_2 = arith.constant 0 : i32
    return %add3A, %c0_i32, %c0_i32_1 : i32, i32, i32
  }
  func.func @transform_1(%arg0: i32, %arg1: i32, %arg2: i32) -> (i32, i32) {
    %c0_i32 = arith.constant 0 : i32
    %c0_i32_0 = arith.constant 0 : i32
    %c0_i32_1 = arith.constant 0 : i32
    return %c0_i32, %c0_i32_0 : i32, i32
  }
  func.func @transform_2(%arg0: i32, %arg1: i32, %arg2: i32) -> (i32, i32) {
    %mul3A = arith.constant 8 : i32
    %mul3A_0 = arith.muli %arg1, %mul3A : i32
    %add3A = arith.addi %mul3A_0, %arg2 : i32
    %c0_i32 = arith.constant 0 : i32
    %c0_i32_1 = arith.constant 0 : i32
    return %add3A, %c0_i32 : i32, i32
  }
  func.func @transform_3(%arg0: i32, %arg1: i32, %arg2: i32) -> (i32, i32) {
    %c0_i32 = arith.constant 0 : i32
    %c0_i32_0 = arith.constant 0 : i32
    %c0_i32_1 = arith.constant 0 : i32
    return %c0_i32, %c0_i32_0 : i32, i32
  }
  func.func @transform_4(%arg0: i32, %arg1: i32, %arg2: i32) -> (i32, i32) {
    %c0_i32 = arith.constant 0 : i32
    %c0_i32_0 = arith.constant 0 : i32
    %c0_i32_1 = arith.constant 0 : i32
    return %c0_i32, %c0_i32_0 : i32, i32
  }
}

</mosaic_0001>

<sc_bundles>
// kernel: gather_offload_async_start.1
scs
__scs_entry_jumppad:
0x0: {  	(pc) =	sbr.rel $0x88, $3  }
0x1: {  	(tag) =	ssettag $0x0;
	lr =	simm.s32 $0x1  }
0x2: {  	[smem:$0x3F9E] =	sst lr;
	_ =	strace $0xD0000000  }
0x3: {  	_ = 	snop  }
0x4: {  	_ = 	snop  }
0x5: {  	_ = 	snop  }
0x6: {  	_ = 	snop  }
0x7: {  	_ = 	snop  }
__scs_overlays_trampoline_lowered:
0x8: {  	[smem:$0x3FAD] =	sst s0  }
0x9: {  	[smem:$0x3FAE] =	sst s1  }
0xa: {  	[smem:$0x3FAF] =	sst s2  }
0xb: {  	[smem:$0x3FB0] =	sst s3  }
0xc: {  	[smem:$0x3FB1] =	sst s4  }
0xd: {  	[smem:$0x3FB2] =	sst s5  }
0xe: {  	[smem:$0x3FB3] =	sst s6  }
0xf: {  	[smem:$0x3FB4] =	sst s7  }
0x10: {  	[smem:$0x3FB5] =	sst s8  }
0x11: {  	[smem:$0x3FB6] =	sst s9;
	s0 =	simm.s32 @!p0 $0x0  }
0x12: {  	s1 =	sld [smem:$0x3F9C];
	s0 =	simm.s32 @p0 $0x1  }
0x13: {  	[smem:$0x3FB7] =	sst s0;
	s0 =	simm.s32 @!p1 $0x0  }
0x14: {  	s2 =	sld [smem:$0x3F9B];
	s0 =	simm.s32 @p1 $0x1  }
0x15: {  	[smem:$0x3FB8] =	sst s0;
	s0 =	simm.s32 @!p2 $0x0  }
0x16: {  	s3 =	sld [smem:$0x3FDB];
	s0 =	simm.s32 @p2 $0x1  }
0x17: {  	s4 =	simm.s32 $0x1BF5;
	[smem:$0x3FBA] =	sst s0  }
0x18: {  	s0 =	sld [smem:$0x3F9D];
	_ =	swait.ge [sflag:s4], $0x0  }
0x19: {  	s7 =	sld [smem:$0x3F9E]  }
0x1a: {  	s8 =	sadd.s32 $0xFFFFE003, lr  }
0x1b: {  	s9 =	sadd.s32 $0xFFFFFEF7, lr;
	s5 =	simm.s32 $0xFFFFFFFF;
	p2 =	slt.u32 s8, $0xFFFFF086  }
0x1c: {  	p1 =	slt.u32 s9, $0xF7A;
	s5 =	simm.s32 @!p2 $0x0  }
0x1d: {  	s5 =	simm.s32 @p1 $0x1;
	p0 =	seq.s32 s7, s2  }
0x1e: {  	s7 =	smul.u32 @!p0 $0xF7A, s2;
	p2 =	seq.s32 @!p0 s5, $0x0  }
0x1f: {  	s9 =	smul.u32 $0xF7A, s1;
	s8 =	simm.s32 @!p0 $0x1BF5;
	p2 =	por !p2, p0  }
0x20: {  	[sflag:s8] =	ssyncset.s32 @!p0 $0xFFFFF086;
	s6 =	sadd.s32 @!p0 s3, s7;
	s7 =	simm.s32 @!p0 $0x108  }
0x21: {  	s3 =	sadd.s32 s3, s9;
	s6 =	sadd.s32 @!p0 $0x88, s6;
	s7 =	simm.s32 @p2 $0x1082  }
0x22: {  	[simem:s7], [sflag:s8] =	dma.local @!p0 [hbm:s6], $0xF7A  }
0x23: {  	s9 =	sor.u32 $0xD0000000, s2;
	s6 =	simm.s32 $0x108;
	_ =	swait.ge @!p0 [sflag:s8], $0x0  }
0x24: {  	s3 =	sadd.s32 $0x88, s3;
	s6 =	simm.s32 @!p1 $0x1082;
	[sflag:s4] =	ssyncset.s32 $0xFFFFF086  }
0x25: {  	[simem:s6], [sflag:s4] =	dma.local [hbm:s3], $0xF7A  }
0x26: {  	[smem:$0x3F9E] =	sst s1;
	(tag) =	ssettag s2;
	_ =	strace s9  }
0x27: {  	s1 =	sld [smem:$0x3FAE]  }
0x28: {  	s2 =	sld [smem:$0x3FAF]  }
0x29: {  	s4 =	sld [smem:$0x3FB1]  }
0x2a: {  	p0 =	seq.s32 s5, $0x0;
	s5 =	sld [smem:$0x3FB2]  }
0x2b: {  	s6 =	sld [smem:$0x3FB3]  }
0x2c: {  	s7 =	sld [smem:$0x3FB4]  }
0x2d: {  	s3 =	simm.s32 $0x108;
	s8 =	sld [smem:$0x3FB5]  }
0x2e: {  	s3 =	simm.s32 @!p0 $0x1082;
	s9 =	sld [smem:$0x3FB6]  }
0x2f: {  	lr =	sadd.s32 s0, s3;
	s0 =	sld [smem:$0x3FAD]  }
0x30: {  	s3 =	sld [smem:$0x3FB0]  }
0x31: {  	[smem:$0x3FB9] =	sst s10  }
0x32: {  	s10 =	sld [smem:$0x3FB7];
	_ =	sdelay $0x3  }
0x33: {  	p0 =	seq.s32 s10, $0x1;
	s10 =	sld [smem:$0x3FB9];
	_ =	sdelay $0x3  }
0x34: {  	[smem:$0x3FB9] =	sst s10  }
0x35: {  	s10 =	sld [smem:$0x3FB8];
	_ =	sdelay $0x3  }
0x36: {  	p1 =	seq.s32 s10, $0x1;
	s10 =	sld [smem:$0x3FB9];
	_ =	sdelay $0x3  }
0x37: {  	[smem:$0x3FB9] =	sst s10  }
0x38: {  	s10 =	sld [smem:$0x3FBA]  }
0x39: {  	_ = 	snop;
	(pc) =	sbr.ind lr, $3  }
0x3a: {  	_ = 	snop  }
0x3b: {  	_ = 	snop  }
0x3c: {  	p2 =	seq.s32 s10, $0x1;
	s10 =	sld [smem:$0x3FB9]  }
0x3d: {  	_ =	shalt  }
0x3e: {  	_ =	shalt  }
0x3f: {  	_ =	shalt  }
0x40: {  	_ =	shalt  }
0x41: {  	_ =	shalt  }
0x42: {  	_ =	shalt  }
0x43: {  	_ =	shalt  }
0x44: {  	_ =	shalt  }
0x45: {  	_ =	shalt  }
0x46: {  	_ =	shalt  }
0x47: {  	_ =	shalt  }
0x48: {  	_ =	shalt  }
0x49: {  	_ =	shalt  }
0x4a: {  	_ =	shalt  }
0x4b: {  	_ =	shalt  }
0x4c: {  	_ =	shalt  }
0x4d: {  	_ =	shalt  }
0x4e: {  	_ =	shalt  }
0x4f: {  	_ =	shalt  }
0x50: {  	_ =	shalt  }
0x51: {  	_ =	shalt  }
0x52: {  	_ =	shalt  }
0x53: {  	_ =	shalt  }
0x54: {  	_ =	shalt  }
0x55: {  	_ =	shalt  }
0x56: {  	_ =	shalt  }
0x57: {  	_ =	shalt  }
0x58: {  	_ =	shalt  }
0x59: {  	_ =	shalt  }
0x5a: {  	_ =	shalt  }
0x5b: {  	_ =	shalt  }
0x5c: {  	_ =	shalt  }
0x5d: {  	_ =	shalt  }
0x5e: {  	_ =	shalt  }
0x5f: {  	_ =	shalt  }
0x60: {  	_ =	shalt  }
0x61: {  	_ =	shalt  }
0x62: {  	_ =	shalt  }
0x63: {  	_ =	shalt  }
0x64: {  	_ =	shalt  }
0x65: {  	_ =	shalt  }
0x66: {  	_ =	shalt  }
0x67: {  	_ =	shalt  }
0x68: {  	_ =	shalt  }
0x69: {  	_ =	shalt  }
0x6a: {  	_ =	shalt  }
0x6b: {  	_ =	shalt  }
0x6c: {  	_ =	shalt  }
0x6d: {  	_ =	shalt  }
0x6e: {  	_ =	shalt  }
0x6f: {  	_ =	shalt  }
0x70: {  	_ =	shalt  }
0x71: {  	_ =	shalt  }
0x72: {  	_ =	shalt  }
0x73: {  	_ =	shalt  }
0x74: {  	_ =	shalt  }
0x75: {  	_ =	shalt  }
0x76: {  	_ =	shalt  }
0x77: {  	_ =	shalt  }
0x78: {  	_ =	shalt  }
0x79: {  	_ =	shalt  }
0x7a: {  	_ =	shalt  }
0x7b: {  	_ =	shalt  }
0x7c: {  	_ =	shalt  }
0x7d: {  	_ =	shalt  }
0x7e: {  	_ =	shalt  }
0x7f: {  	_ =	shalt  }
0x80: {  	_ =	shalt  }
0x81: {  	_ =	shalt  }
0x82: {  	_ =	shalt  }
0x83: {  	_ =	shalt  }
0x84: {  	_ =	shalt  }
0x85: {  	_ =	shalt  }
0x86: {  	_ =	shalt  }
0x87: {  	_ =	shalt  }
.Lfunc_end0:
.L_simem_size_0:
called_computation.1_lowered:
.L_overlay_start_0:
0x88: {  	s2 =	sld [smem:$0x3FD9]  }
0x89: {  	s3 =	sld [smem:$0x3FFE];
	_ =	sdelay $0x1  }
0x8a: {  	s1 =	srdreg.scid  }
0x8b: {  	s0 =	sand.u32 $0x1, s1  }
0x8c: {  	s17 =	sshll.u32 s0, $0xA;
	s2 =	sadd.s32 s3, s2  }
0x8d: {  	s2 =	sadd.s32 s2, s17  }
0x8e: {  	[smem:$0x3FC5] =	sst s2  }
0x8f: {  	_ = 	snop  }
0x90: {  	(tm) =	ssettm $0x1  }
0x91: {  	s18 =	sld [smem:$0x3FFB];
	_ =	sdelay $0x3  }
0x92: {  	_ =	strace s18  }
0x93: {  	s2 =	sld [smem:$0x3FFC];
	_ =	sdelay $0x3  }
0x94: {  	_ =	strace s2  }
0x95: {  	s2 =	sld [smem:$0x3FFD];
	_ =	sdelay $0x3  }
0x96: {  	_ =	strace s2  }
0x97: {  	_ =	strace $0x8FFFFFFF  }
0x98: {  	s19 =	sld [smem:$0x3FDB];
	_ =	sdelay $0x1  }
0x99: {  	s20 =	simm.s32 $_scs_section_size  }
0x9a: {  	s4 =	simm.s32 $_size__tile_overlayer_lowered;
	s5 =	simm.s32 $_tile_overlayer_lowered  }
0x9b: {  	s6 =	simm.s32 $0x1BFF;
	s21 =	sshll.u32 s5, $0x1;
	s3 =	sadd.s32 s20, s19  }
0x9c: {  	s22 =	simm.s32 $0x0;
	s4 =	sshll.u32 s4, $0x1;
	s5 =	sadd.s32 s21, s3  }
0x9d: {  	[timem:s22], [sflag:s6] =	dma.local [hbm:s5], s4  }
0x9e: {  	_ =	swait.ge [sflag:s6], s4  }
0x9f: {  	s4 =	ssub.s32 $0x0, s4;
	[sflag:s6] =	ssyncset.done $0x0  }
0xa0: {  	[sflag:s6] =	ssyncadd.s32 s4;
	_ =	sdelay $0x1  }
0xa1: {  	s23 =	simm.s32 $0x1B8B  }
0xa2: {  	_ =	swait.ge [sflag:s23], $0x1  }
0xa3: {  	[sflag:s23] =	ssyncset.done $0x0  }
0xa4: {  	[sflag:s23] =	ssyncadd.s32 $0xFFFFFFFF  }
0xa5: {  	s4 =	sld [smem:$0x0]  }
0xa6: {  	s5 =	sand.u32 $0xFFFFFFFE, s1  }
0xa7: {  	p0 =	sne.s32 s1, s5  }
0xa8: {  	s5 =	sshll.u32 @p0 s5, $0xE  }
0xa9: {  	s5 =	sadd.s32 @p0 $0x11B8D, s5;
	s6 =	sshll.u32 @p0 s4, $0x11  }
0xaa: {  	s5 =	sor.u32 @p0 s6, s5  }
0xab: {  	[sflag:s5] =	ssyncadd.remote.s32 @p0 $0x1;
	_ =	sdelay $0x1  }
0xac: {  	s5 =	simm.s32 @p0 $0x1B8D  }
0xad: {  	_ =	swait.eq @p0 [sflag:s5], $0x1  }
0xae: {  	[sflag:s5] =	ssyncadd.s32 @p0 $0xFFFFFFFF  }
0xaf: {  	s6 =	sshll.u32 @!p0 s1, $0xE  }
0xb0: {  	s6 =	sor.u32 @!p0 $0x4000, s6;
	s5 =	simm.s32 @!p0 $0x1B8D  }
0xb1: {  	s4 =	sshll.u32 @!p0 s4, $0x11;
	s6 =	sadd.s32 @!p0 $0x11B8D, s6;
	_ =	swait.eq @!p0 [sflag:s5], $0x1  }
0xb2: {  	s4 =	sor.u32 @!p0 s4, s6;
	[sflag:s5] =	ssyncadd.s32 @!p0 $0xFFFFFFFF  }
0xb3: {  	s25 =	simm.s32 $0x1B8E;
	s24 =	sld [smem:$0x3FFE];
	[sflag:s4] =	ssyncadd.remote.s32 @!p0 $0x1  }
0xb4: {  	s26 =	simm.s32 $execute0_lowered;
	[smem:$0x3FD2] =	sst s25  }
0xb5: {  	s5 =	sshll.u32 s26, $0x1;
	_ =	strace $0x80000052;
	[dreg:$0x1] =	wrdreg $0xFFFFFFFF  }
0xb6: {  	s28 =	simm.s32 $_size_execute0_lowered;
	s3 =	sadd.s32 s3, s5;
	[dreg:$0x0] =	wrdreg $0x0  }
0xb7: {  	s5 =	sshll.u32 s28, $0x1;
	[dreg:$0x2] =	wrdreg s3  }
0xb8: {  	[dreg:$0x3] =	wrdreg s5  }
0xb9: {  	[dreg:$0x4] =	wrdreg $0xC0  }
0xba: {  	_ =	task [dreg:s22], $0x5FFFF  }
0xbb: {  	[dreg:$0x1] =	wrdreg $0xFFFFFFFF  }
0xbc: {  	[dreg:$0x0] =	wrdreg $0x60  }
0xbd: {  	[dreg:$0x2] =	wrdreg s24  }
0xbe: {  	[dreg:$0x3] =	wrdreg $0xA  }
0xbf: {  	_ =	task.clear_ibuf [dreg:s22], $0x4FFFF;
	_ =	strace $0x90000052  }
0xc0: {  	s29 =	simm.s32 $0xA;
	_ =	strace $0x80000054  }
0xc1: {  	_ =	swait.ge [sflag:s29], $0x1  }
0xc2: {  	[sflag:s29] =	ssyncadd.s32 $0xFFFFFFFF  }
0xc3: {  	_ =	strace $0x90000054  }
0xc4: {  	_ =	sfence  }
0xc5: {  	s30 =	sld [smem:$0x0];
	_ =	sdelay $0x2  }
0xc6: {  	s31 =	sshll.u32 s1, $0xD;
	s1 =	sshrl.u32 s1, $0x2  }
0xc7: {  	s4 =	sand.u32 $0x4000, s31;
	s1 =	sadd.s32 s1, s30  }
0xc8: {  	s0 =	sor.u32 s4, s0;
	s1 =	sshll.u32 s1, $0x11  }
0xc9: {  	s0 =	sor.u32 s1, s0  }
0xca: {  	s0 =	sadd.s32 $0x8F2B, s0  }
0xcb: {  	[sflag:s0] =	ssyncadd.remote.s32 $0x1  }
0xcc: {  	_ =	sfence.sel $0xFFFF  }
0xcd: {  	[dreg:$0x0] =	wrdreg $0xFFFFFFFF;
	(pc) =	sbr.abs _section_cstart, $3  }
0xce: {  	[dreg:$0x1] =	wrdreg $0xFFFFFFFF  }
0xcf: {  	_ =	task.clear_ibuf [dreg:s22], $0x2FFFF;
	_ =	strace $0x9FFFFFFF  }
0xd0: {  	(tm) =	ssettm $0x7FFFFFFF  }
0xd1: {  	_ =	shalt  }
tec
execute0_lowered:
.L_overlay_start_1:
0x0: {  	(tag) =	ssettag $0x1  }
0x1: {  	s8 =	rddreg [dreg:$0x0]  }
0x2: {  	s0 =	rddreg [dreg:$0x1];
	_ =	strace $0x80000053;
	s1 =	stileid.u32  }
0x3: {  	s3 =	srdreg.scid;
	s4 =	simm.s32 $0x1;
	s7 =	simm.s32 $0x1  }
0x4: {  	s9 =	simm.s32 $0x1;
	s10 =	simm.s32 $0x3;
	s13 =	simm.s32 $0x0  }
0x5: {  	s12 =	simm.s32 $0x0;
	s5 =	sand.u32 $0x1, s3;
	s6 =	sshll.u32 s1, $0x1  }
0x6: {  	s2 =	sadd.s32 $0x5A00, s8;
	s3 =	sadd.s32 $0x1BA00, s8;
	s5 =	sor.u32 s6, s5  }
.Ltmp0:
0x7: {  	[sflag:s4] =	ssyncpa.u1 $0x0;
	p0 =	slt.u32 s5, $0x9;
	(pc) =	sbr.rel .LBB2_1-.Ltmp0, $4  }
0x8: {  	s6 =	simm.s32 $0x2;
	s7 =	simm.s32 @!p0 $0x0;
	p0 =	sne.s32 s5, $0x8  }
0x9: {  	[sflag:s6] =	ssyncpa.u1 $0x0;
	s5 =	smul.u32 $0xFA0, s5;
	s9 =	simm.s32 @!p0 $0x0  }
0xa: {  	s8 =	sadd.s32 $0x25A00, s8;
	[sflag:s10] =	ssyncpa.u1 $0x0;
	s7 =	sadd.s32 s9, s7  }
0xb: {  	vm0 =	vmmov $0xffff;
	s10 =	simm.s32 $0x0;
	s11 =	smov.u32 s5;
	s9 =	sadd.s32 $0x1, s7  }
.LBB2_4:
0xc: {  	v2 =	vnsel vm1, $0x0, v2  }
0xd: {  	vm1 =	vgt.s32 v0, $0x0;
	v2 =	vmin.u32 v2, $0x270FF  }
0xe: {  	v0 =	vnsel vm1, $0x0, v0  }
0xf: {  	v0 =	vmin.u32 v0, $0x270FF  }
0x10: {  	[tilespmem:s18], [sflag:$0x1] =	stream.indirect_vreg.gather [hbm4b:s2+s10], $0x1, v1, vm0, $0x4038;
	[tilespmem:$0x3E80] =	vst v63  }
0x11: {  	(ifvalue) =	ssetifvalue $0x7FFFFFFF  }
0x12: {  	[tilespmem:s15], [sflag:$0x1] =	stream.indirect_vreg.gather [hbm4b:s2+s10], $0x1, v2, vm0, $0x4038;
	[tilespmem:$0x3E80] =	vst v63  }
0x13: {  	s29 =	sadd.s32 $0x10, s15;
	(ifvalue) =	ssetifvalue $0x7FFFFFFF  }
0x14: {  	[tilespmem:s29], [sflag:$0x1] =	stream.indirect_vreg.gather [hbm4b:s2+s10], $0x1, v0, vm0, $0x4038;
	[tilespmem:$0x3E80] =	vst v63  }
0x15: {  	_ =	swait.ge [sflag:s4], $0xFA0  }
0x16: {  	s30 =	sshrl.u32 s13, $0x3;
	[sflag:s4] =	ssyncset.done $0x0  }
0x17: {  	s31 =	sand.u32 $0x7, s13;
	s15 =	sadd.s32 s8, s30;
	[sflag:s4] =	ssyncadd.s32 $0xFFFFF060  }
0x18: {  	[hbm4b:s15+s31] =	stream.linear.scatter [tilespmem:s14], [sflag:$0x3], $0xFA0, $0x38;
	[tilespmem:$0x3E80] =	vst v63  }
.LBB2_5:
0x19: {  	s15 =	sadd.s32 $0x1F400, s11  }
0x1a: {  	p1 =	sgt.s32 s15, $0x270FF  }
0x1b: {  	s15 =	smov.u32 @p1 s5;
	p1 =	sne.s32 s12, s9  }
.Ltmp1:
0x1c: {  	p0 =	slt.u32 s12, $0x2;
	(pc) =	sbr.rel @!p1 .LBB2_6-.Ltmp1, $4  }
0x1d: {  	s14 =	simm.s32 @!p0 $0x3  }
0x1e: {  	_ =	swait.ge @!p0 [sflag:s14], $0xFA0  }
0x1f: {  	s16 =	sadd.s32 $0x1, s12;
	s13 =	smov.u32 s11;
	[sflag:s14] =	ssyncset.done @!p0 $0x0  }
0x20: {  	s12 =	smov.u32 s16;
	s11 =	smov.u32 s15;
	[sflag:s14] =	ssyncadd.s32 @!p0 $0xFFFFF060  }
.LBB2_1:
0x21: {  	p0 =	sge.u32 s12, s7  }
0x22: {  	s14 =	sxor.u32 @!p0 $0x1, s12  }
0x23: {  	s14 =	smul.u32 @!p0 $0x3E80, s14  }
0x24: {  	s31 =	sadd.s32 $0xFFFFFFFF, s12;
	s15 =	sshrl.u32 @!p0 s11, $0x3  }
0x25: {  	s16 =	sand.u32 @!p0 $0x7, s11;
	s15 =	sadd.s32 @!p0 s3, s15;
	s14 =	sshra.s32 @!p0 s14, $0x2  }
0x26: {  	[tilespmem:s14], [sflag:$0x2] =	stream.linear.gather @!p0 [hbm4b:s15+s16], $0xFA0, $0x38;
	[tilespmem:$0x3E80] =	vst v63  }
0x27: {  	p0 =	sge.u32 s31, s7  }
.Ltmp2:
0x28: {  	_ = 	snop;
	(pc) =	sbr.rel @p0 .LBB2_5-.Ltmp2, $1  }
0x29: {  	_ =	sdelay $0x3  }
0x2a: {  	s14 =	sand.u32 $0x1, s12  }
0x2b: {  	_ =	swait.ge [sflag:s6], $0xFA0;
	p0 =	seq.s32 s14, $0x1;
	s14 =	simm.s32 $0xFA0  }
0x2c: {  	[sflag:s6] =	ssyncset.done $0x0;
	s14 =	simm.s32 @!p0 $0x0  }
0x2d: {  	[sflag:s6] =	ssyncadd.s32 $0xFFFFF060;
	(ifvalue) =	ssetifvalue $0x7FFFFFFF;
	v0 =	vld.msk [tilespmem:s14+$0x0 ss:$0x1], $0xffff;
	_ =	sdelay $0x4  }
0x2e: {  	s15 =	sadd.s32 $0x10, s14;
	vm1 =	vgt.s32 v0, $0x0  }
0x2f: {  	v2 =	vld.msk [tilespmem:s15+$0x0 ss:$0x1], $0xffff;
	v1 =	vnsel vm1, $0x0, v0  }
0x30: {  	v1 =	vmin.u32 v1, $0x270FF;
	_ =	sdelay $0x2  }
0x31: {  	s17 =	simm.s32 $0x20;
	s14 =	sadd.s32 $0x1F40, s14;
	s16 =	sadd.s32 $0x10, s15  }
0x32: {  	s15 =	sadd.s32 $0x10, s14;
	s18 =	smov.u32 s14;
	v0 =	vld.msk [tilespmem:s16+$0x0 ss:$0x1], $0xffff;
	vm1 =	vgt.s32 v2, $0x0;
	(ifvalue) =	ssetifvalue $0x7FFFFFFF  }
.LBB2_3:
0x33: {  	[tilespmem:s18], [sflag:$0x1] =	stream.indirect_vreg.gather [hbm4b:s2+s10], $0x1, v1, vm0, $0x4038;
	[tilespmem:$0x3E80] =	vst v63  }
0x34: {  	s17 =	sadd.s32 $0x10, s17  }
0x35: {  	v2 =	vnsel vm1, $0x0, v2;
	p0 =	slt.u32 s17, $0xF90  }
.Ltmp3:
0x36: {  	s18 =	smov.u32 s15;
	v1 =	vmin.u32 v2, $0x270FF;
	(pc) =	sbr.rel @p0 .LBB2_3-.Ltmp3, $3  }
0x37: {  	_ =	sdelay $0x1  }
0x38: {  	s16 =	sadd.s32 $0x10, s16  }
0x39: {  	vm1 =	vgt.s32 v0, $0x0;
	s15 =	sadd.s32 $0x10, s15;
	v2 =	vmov v0;
	(ifvalue) =	ssetifvalue $0x7FFFFFFF;
	v0 =	vld.msk [tilespmem:s16+$0x0 ss:$0x1], $0xffff  }
.Ltmp4:
0x3a: {  	_ = 	snop;
	(pc) =	sbr.rel .LBB2_4-.Ltmp4, $1  }
0x3b: {  	_ =	sdelay $0x3  }
.LBB2_6:
0x3c: {  	_ =	sfence.sel $0x180000  }
0x3d: {  	s2 =	simm.s32 $0x2;
	[bflag:$0x0] =	sbarrier.arrive $0xFFFF  }
0x3e: {  	s30 =	simm.s32 $0x3;
	[sflag:s2] =	ssyncpa.u1 $0x1  }
0x3f: {  	s31 =	simm.s32 $0x1;
	[sflag:s30] =	ssyncpa.u1 $0x1  }
0x40: {  	[sflag:s31] =	ssyncpa.u1 $0x1  }
0x41: {  	p0 =	sne.s32 s1, $0x0;
	_ =	strace $0x90000053  }
0x42: {  	s0 =	sadd.s32 @!p0 $0x100000, s0;
	[bflag:$0x2] =	sbarrier.arrive $0xFFFF  }
0x43: {  	[sflag:s0] =	ssyncadd.tile.s32 @!p0 $0x1;
	_ =	shalt  }
.Lfunc_end2:
_tile_overlayer_lowered:
.L_overlay_start_2:
0x44: {  	(tag) =	ssettag $0x2  }
0x45: {  	s0 =	rddreg [dreg:$0x0];
	s2 =	stileid.u32  }
0x46: {  	s1 =	rddreg [dreg:$0x1];
	p0 =	sne.s32 s2, $0x0  }
0x47: {  	s3 =	rddreg [dreg:$0x2];
	[bflag:$0x3] =	sbarrier.arrive $0xFFFF;
	s2 =	simm.s32 @!p0 $0x1C01  }
0x48: {  	[timem:s3], [sflag:s2] =	dma.local @!p0 [hbm:s0], s1  }
0x49: {  	s0 =	simm.s32 @!p0 $0x1  }
0x4a: {  	_ =	swait.ge @!p0 [sflag:s0], s1  }
0x4b: {  	s1 =	ssub.s32 @!p0 $0x0, s1;
	[sflag:s0] =	ssyncset.done @!p0 $0x0  }
0x4c: {  	[sflag:s0] =	ssyncadd.s32 @!p0 s1  }
0x4d: {  	[bflag:$0x3] =	sbarrier.arrive $0xFFFF  }
0x4e: {  	_ =	shalt  }

// kernel: gather_offload_async_start.2
scs
__scs_entry_jumppad:
0x0: {  	(pc) =	sbr.rel $0x88, $3  }
0x1: {  	(tag) =	ssettag $0x0;
	lr =	simm.s32 $0x1  }
0x2: {  	[smem:$0x3F9E] =	sst lr;
	_ =	strace $0xD0000000  }
0x3: {  	_ = 	snop  }
0x4: {  	_ = 	snop  }
0x5: {  	_ = 	snop  }
0x6: {  	_ = 	snop  }
0x7: {  	_ = 	snop  }
__scs_overlays_trampoline_lowered:
0x8: {  	[smem:$0x3FAD] =	sst s0  }
0x9: {  	[smem:$0x3FAE] =	sst s1  }
0xa: {  	[smem:$0x3FAF] =	sst s2  }
0xb: {  	[smem:$0x3FB0] =	sst s3  }
0xc: {  	[smem:$0x3FB1] =	sst s4  }
0xd: {  	[smem:$0x3FB2] =	sst s5  }
0xe: {  	[smem:$0x3FB3] =	sst s6  }
0xf: {  	[smem:$0x3FB4] =	sst s7  }
0x10: {  	[smem:$0x3FB5] =	sst s8  }
0x11: {  	[smem:$0x3FB6] =	sst s9;
	s0 =	simm.s32 @!p0 $0x0  }
0x12: {  	s1 =	sld [smem:$0x3F9C];
	s0 =	simm.s32 @p0 $0x1  }
0x13: {  	[smem:$0x3FB7] =	sst s0;
	s0 =	simm.s32 @!p1 $0x0  }
0x14: {  	s2 =	sld [smem:$0x3F9B];
	s0 =	simm.s32 @p1 $0x1  }
0x15: {  	[smem:$0x3FB8] =	sst s0;
	s0 =	simm.s32 @!p2 $0x0  }
0x16: {  	s3 =	sld [smem:$0x3FDB];
	s0 =	simm.s32 @p2 $0x1  }
0x17: {  	s4 =	simm.s32 $0x1BF5;
	[smem:$0x3FBA] =	sst s0  }
0x18: {  	s0 =	sld [smem:$0x3F9D];
	_ =	swait.ge [sflag:s4], $0x0  }
0x19: {  	s7 =	sld [smem:$0x3F9E]  }
0x1a: {  	s8 =	sadd.s32 $0xFFFFE003, lr  }
0x1b: {  	s9 =	sadd.s32 $0xFFFFFEF7, lr;
	s5 =	simm.s32 $0xFFFFFFFF;
	p2 =	slt.u32 s8, $0xFFFFF086  }
0x1c: {  	p1 =	slt.u32 s9, $0xF7A;
	s5 =	simm.s32 @!p2 $0x0  }
0x1d: {  	s5 =	simm.s32 @p1 $0x1;
	p0 =	seq.s32 s7, s2  }
0x1e: {  	s7 =	smul.u32 @!p0 $0xF7A, s2;
	p2 =	seq.s32 @!p0 s5, $0x0  }
0x1f: {  	s9 =	smul.u32 $0xF7A, s1;
	s8 =	simm.s32 @!p0 $0x1BF5;
	p2 =	por !p2, p0  }
0x20: {  	[sflag:s8] =	ssyncset.s32 @!p0 $0xFFFFF086;
	s6 =	sadd.s32 @!p0 s3, s7;
	s7 =	simm.s32 @!p0 $0x108  }
0x21: {  	s3 =	sadd.s32 s3, s9;
	s6 =	sadd.s32 @!p0 $0x88, s6;
	s7 =	simm.s32 @p2 $0x1082  }
0x22: {  	[simem:s7], [sflag:s8] =	dma.local @!p0 [hbm:s6], $0xF7A  }
0x23: {  	s9 =	sor.u32 $0xD0000000, s2;
	s6 =	simm.s32 $0x108;
	_ =	swait.ge @!p0 [sflag:s8], $0x0  }
0x24: {  	s3 =	sadd.s32 $0x88, s3;
	s6 =	simm.s32 @!p1 $0x1082;
	[sflag:s4] =	ssyncset.s32 $0xFFFFF086  }
0x25: {  	[simem:s6], [sflag:s4] =	dma.local [hbm:s3], $0xF7A  }
0x26: {  	[smem:$0x3F9E] =	sst s1;
	(tag) =	ssettag s2;
	_ =	strace s9  }
0x27: {  	s1 =	sld [smem:$0x3FAE]  }
0x28: {  	s2 =	sld [smem:$0x3FAF]  }
0x29: {  	s4 =	sld [smem:$0x3FB1]  }
0x2a: {  	p0 =	seq.s32 s5, $0x0;
	s5 =	sld [smem:$0x3FB2]  }
0x2b: {  	s6 =	sld [smem:$0x3FB3]  }
0x2c: {  	s7 =	sld [smem:$0x3FB4]  }
0x2d: {  	s3 =	simm.s32 $0x108;
	s8 =	sld [smem:$0x3FB5]  }
0x2e: {  	s3 =	simm.s32 @!p0 $0x1082;
	s9 =	sld [smem:$0x3FB6]  }
0x2f: {  	lr =	sadd.s32 s0, s3;
	s0 =	sld [smem:$0x3FAD]  }
0x30: {  	s3 =	sld [smem:$0x3FB0]  }
0x31: {  	[smem:$0x3FB9] =	sst s10  }
0x32: {  	s10 =	sld [smem:$0x3FB7];
	_ =	sdelay $0x3  }
0x33: {  	p0 =	seq.s32 s10, $0x1;
	s10 =	sld [smem:$0x3FB9];
	_ =	sdelay $0x3  }
0x34: {  	[smem:$0x3FB9] =	sst s10  }
0x35: {  	s10 =	sld [smem:$0x3FB8];
	_ =	sdelay $0x3  }
0x36: {  	p1 =	seq.s32 s10, $0x1;
	s10 =	sld [smem:$0x3FB9];
	_ =	sdelay $0x3  }
0x37: {  	[smem:$0x3FB9] =	sst s10  }
0x38: {  	s10 =	sld [smem:$0x3FBA]  }
0x39: {  	_ = 	snop;
	(pc) =	sbr.ind lr, $3  }
0x3a: {  	_ = 	snop  }
0x3b: {  	_ = 	snop  }
0x3c: {  	p2 =	seq.s32 s10, $0x1;
	s10 =	sld [smem:$0x3FB9]  }
0x3d: {  	_ =	shalt  }
0x3e: {  	_ =	shalt  }
0x3f: {  	_ =	shalt  }
0x40: {  	_ =	shalt  }
0x41: {  	_ =	shalt  }
0x42: {  	_ =	shalt  }
0x43: {  	_ =	shalt  }
0x44: {  	_ =	shalt  }
0x45: {  	_ =	shalt  }
0x46: {  	_ =	shalt  }
0x47: {  	_ =	shalt  }
0x48: {  	_ =	shalt  }
0x49: {  	_ =	shalt  }
0x4a: {  	_ =	shalt  }
0x4b: {  	_ =	shalt  }
0x4c: {  	_ =	shalt  }
0x4d: {  	_ =	shalt  }
0x4e: {  	_ =	shalt  }
0x4f: {  	_ =	shalt  }
0x50: {  	_ =	shalt  }
0x51: {  	_ =	shalt  }
0x52: {  	_ =	shalt  }
0x53: {  	_ =	shalt  }
0x54: {  	_ =	shalt  }
0x55: {  	_ =	shalt  }
0x56: {  	_ =	shalt  }
0x57: {  	_ =	shalt  }
0x58: {  	_ =	shalt  }
0x59: {  	_ =	shalt  }
0x5a: {  	_ =	shalt  }
0x5b: {  	_ =	shalt  }
0x5c: {  	_ =	shalt  }
0x5d: {  	_ =	shalt  }
0x5e: {  	_ =	shalt  }
0x5f: {  	_ =	shalt  }
0x60: {  	_ =	shalt  }
0x61: {  	_ =	shalt  }
0x62: {  	_ =	shalt  }
0x63: {  	_ =	shalt  }
0x64: {  	_ =	shalt  }
0x65: {  	_ =	shalt  }
0x66: {  	_ =	shalt  }
0x67: {  	_ =	shalt  }
0x68: {  	_ =	shalt  }
0x69: {  	_ =	shalt  }
0x6a: {  	_ =	shalt  }
0x6b: {  	_ =	shalt  }
0x6c: {  	_ =	shalt  }
0x6d: {  	_ =	shalt  }
0x6e: {  	_ =	shalt  }
0x6f: {  	_ =	shalt  }
0x70: {  	_ =	shalt  }
0x71: {  	_ =	shalt  }
0x72: {  	_ =	shalt  }
0x73: {  	_ =	shalt  }
0x74: {  	_ =	shalt  }
0x75: {  	_ =	shalt  }
0x76: {  	_ =	shalt  }
0x77: {  	_ =	shalt  }
0x78: {  	_ =	shalt  }
0x79: {  	_ =	shalt  }
0x7a: {  	_ =	shalt  }
0x7b: {  	_ =	shalt  }
0x7c: {  	_ =	shalt  }
0x7d: {  	_ =	shalt  }
0x7e: {  	_ =	shalt  }
0x7f: {  	_ =	shalt  }
0x80: {  	_ =	shalt  }
0x81: {  	_ =	shalt  }
0x82: {  	_ =	shalt  }
0x83: {  	_ =	shalt  }
0x84: {  	_ =	shalt  }
0x85: {  	_ =	shalt  }
0x86: {  	_ =	shalt  }
0x87: {  	_ =	shalt  }
.Lfunc_end0:
.L_simem_size_0:
called_computation.2_lowered:
.L_overlay_start_0:
0x88: {  	s2 =	sld [smem:$0x3FD9]  }
0x89: {  	s3 =	sld [smem:$0x3FFE];
	_ =	sdelay $0x1  }
0x8a: {  	s1 =	srdreg.scid  }
0x8b: {  	s0 =	sand.u32 $0x1, s1  }
0x8c: {  	s16 =	sshll.u32 s0, $0xA;
	s2 =	sadd.s32 s3, s2  }
0x8d: {  	s2 =	sadd.s32 s2, s16  }
0x8e: {  	[smem:$0x3FC5] =	sst s2  }
0x8f: {  	_ = 	snop  }
0x90: {  	(tm) =	ssettm $0x1  }
0x91: {  	s17 =	sld [smem:$0x3FFB];
	_ =	sdelay $0x3  }
0x92: {  	_ =	strace s17  }
0x93: {  	s2 =	sld [smem:$0x3FFC];
	_ =	sdelay $0x3  }
0x94: {  	_ =	strace s2  }
0x95: {  	s2 =	sld [smem:$0x3FFD];
	_ =	sdelay $0x3  }
0x96: {  	_ =	strace s2  }
0x97: {  	_ =	strace $0x8FFFFFFF  }
0x98: {  	s18 =	sld [smem:$0x3FDB];
	_ =	sdelay $0x1  }
0x99: {  	s19 =	simm.s32 $_scs_section_size  }
0x9a: {  	s4 =	simm.s32 $_size__tile_overlayer_lowered;
	s5 =	simm.s32 $_tile_overlayer_lowered  }
0x9b: {  	s22 =	simm.s32 $0x1BFF;
	s21 =	sshll.u32 s5, $0x1;
	s2 =	sadd.s32 s19, s18  }
0x9c: {  	s6 =	simm.s32 $0x0;
	s20 =	sshll.u32 s4, $0x1;
	s4 =	sadd.s32 s21, s2  }
0x9d: {  	[timem:s6], [sflag:s22] =	dma.local [hbm:s4], s20  }
0x9e: {  	_ =	swait.ge [sflag:s22], s20  }
0x9f: {  	s3 =	ssub.s32 $0x0, s20;
	[sflag:s22] =	ssyncset.done $0x0  }
0xa0: {  	[sflag:s22] =	ssyncadd.s32 s3;
	_ =	sdelay $0x1  }
0xa1: {  	s23 =	simm.s32 $0x1B8B  }
0xa2: {  	_ =	swait.ge [sflag:s23], $0x1  }
0xa3: {  	[sflag:s23] =	ssyncset.done $0x0  }
0xa4: {  	s25 =	simm.s32 $0x1B8E;
	s24 =	sld [smem:$0x3FFE];
	[sflag:s23] =	ssyncadd.s32 $0xFFFFFFFF  }
0xa5: {  	s26 =	simm.s32 $execute0_lowered;
	[smem:$0x3FD2] =	sst s25  }
0xa6: {  	s4 =	sshll.u32 s26, $0x1;
	_ =	strace $0x80000049;
	[dreg:$0x1] =	wrdreg $0xFFFFFFFF  }
0xa7: {  	s28 =	simm.s32 $_size_execute0_lowered;
	s2 =	sadd.s32 s2, s4;
	[dreg:$0x0] =	wrdreg $0x0  }
0xa8: {  	s4 =	sshll.u32 s28, $0x1;
	[dreg:$0x2] =	wrdreg s2  }
0xa9: {  	[dreg:$0x3] =	wrdreg s4  }
0xaa: {  	[dreg:$0x4] =	wrdreg $0xC0  }
0xab: {  	_ =	task [dreg:s6], $0x5FFFF  }
0xac: {  	[dreg:$0x1] =	wrdreg $0xFFFFFFFF  }
0xad: {  	[dreg:$0x0] =	wrdreg $0x60  }
0xae: {  	[dreg:$0x2] =	wrdreg s24  }
0xaf: {  	[dreg:$0x3] =	wrdreg $0xB  }
0xb0: {  	_ =	task.clear_ibuf [dreg:s6], $0x4FFFF;
	_ =	strace $0x90000049  }
0xb1: {  	s29 =	simm.s32 $0xB;
	_ =	strace $0x8000004B  }
0xb2: {  	_ =	swait.ge [sflag:s29], $0x1  }
0xb3: {  	[sflag:s29] =	ssyncadd.s32 $0xFFFFFFFF  }
0xb4: {  	_ =	strace $0x9000004B  }
0xb5: {  	_ =	sfence  }
0xb6: {  	s30 =	sld [smem:$0x0];
	_ =	sdelay $0x2  }
0xb7: {  	s31 =	sshll.u32 s1, $0xD;
	s1 =	sshrl.u32 s1, $0x2  }
0xb8: {  	s3 =	sand.u32 $0x4000, s31;
	s1 =	sadd.s32 s1, s30  }
0xb9: {  	s0 =	sor.u32 s3, s0;
	s1 =	sshll.u32 s1, $0x11  }
0xba: {  	s0 =	sor.u32 s1, s0  }
0xbb: {  	s0 =	sadd.s32 $0x8F2B, s0  }
0xbc: {  	[sflag:s0] =	ssyncadd.remote.s32 $0x1  }
0xbd: {  	_ =	sfence.sel $0xFFFF  }
0xbe: {  	[dreg:$0x0] =	wrdreg $0xFFFFFFFF;
	(pc) =	sbr.abs _section_cstart, $3  }
0xbf: {  	[dreg:$0x1] =	wrdreg $0xFFFFFFFF  }
0xc0: {  	_ =	task.clear_ibuf [dreg:s6], $0x2FFFF;
	_ =	strace $0x9FFFFFFF  }
0xc1: {  	(tm) =	ssettm $0x7FFFFFFF  }
tec
execute0_lowered:
.L_overlay_start_1:
0x0: {  	(tag) =	ssettag $0x1  }
0x1: {  	s8 =	rddreg [dreg:$0x0]  }
0x2: {  	s0 =	rddreg [dreg:$0x1];
	_ =	strace $0x8000004A;
	s1 =	stileid.u32  }
0x3: {  	s3 =	srdreg.scid;
	s4 =	simm.s32 $0x1;
	s7 =	simm.s32 $0x1  }
0x4: {  	s9 =	simm.s32 $0x1;
	s10 =	simm.s32 $0x3;
	s13 =	simm.s32 $0x0  }
0x5: {  	s12 =	simm.s32 $0x0;
	s5 =	sand.u32 $0x1, s3;
	s6 =	sshll.u32 s1, $0x1  }
0x6: {  	s2 =	sadd.s32 $0xAA00, s8;
	s3 =	sadd.s32 $0x16A00, s8;
	s5 =	sor.u32 s6, s5  }
.Ltmp0:
0x7: {  	[sflag:s4] =	ssyncpa.u1 $0x0;
	p0 =	slt.u32 s5, $0x9;
	(pc) =	sbr.rel .LBB2_1-.Ltmp0, $4  }
0x8: {  	s6 =	simm.s32 $0x2;
	s7 =	simm.s32 @!p0 $0x0;
	p0 =	sne.s32 s5, $0x8  }
0x9: {  	[sflag:s6] =	ssyncpa.u1 $0x0;
	s5 =	smul.u32 $0xFA0, s5;
	s9 =	simm.s32 @!p0 $0x0  }
0xa: {  	s8 =	sadd.s32 $0x20A00, s8;
	[sflag:s10] =	ssyncpa.u1 $0x0;
	s7 =	sadd.s32 s9, s7  }
0xb: {  	vm0 =	vmmov $0xffff;
	s10 =	simm.s32 $0x0;
	s11 =	smov.u32 s5;
	s9 =	sadd.s32 $0x1, s7  }
.LBB2_4:
0xc: {  	vm1 =	veq.s32 v4, $0x80000000;
	v56 =	vand.u32 $0x1F, v4;
	v6 =	vand.u32 $0x1FFF, v6  }
0xd: {  	v2 =	vor.u32 v2, v5;
	v59 =	vshrl.u32 v1, $0x5;
	v60 =	vand.u32 $0x1F, v1  }
0xe: {  	v4 =	vsel vm1, $0xFFFFFFFF, v56;
	v6 =	vsel vm1, $0xFFFFFFFF, v6;
	v2 =	vor.u32 v3, v2  }
0xf: {  	vm1 =	veq.s32 v1, $0x80000000;
	v5 =	vand.u32 $0x1FFF, v59;
	v7 =	vshrl.u32 v4, $0x3  }
0x10: {  	v57 =	vshll.u32 v6, $0x3;
	v4 =	vshll.u32 v4, $0x7;
	v1 =	vsel vm1, $0xFFFFFFFF, v60  }
0x11: {  	v5 =	vsel vm1, $0xFFFFFFFF, v5;
	v6 =	vand.u32 $0x7F, v6;
	v7 =	vmul.u32 $0xFC00, v7  }
0x12: {  	v58 =	vand.u32 $0xFFFFFC00, v57;
	v4 =	vand.u32 $0x380, v4;
	v61 =	vshrl.u32 v1, $0x3  }
0x13: {  	v62 =	vshll.u32 v5, $0x3;
	v3 =	vadd.s32 v7, v58;
	v7 =	vmul.u32 $0xFC00, v61  }
0x14: {  	v1 =	vshll.u32 v1, $0x7;
	v3 =	vor.u32 v4, v3;
	v4 =	vand.u32 $0xFFFFFC00, v62  }
0x15: {  	v1 =	vand.u32 $0x380, v1;
	v3 =	vor.u32 v6, v3;
	v4 =	vadd.s32 v7, v4  }
0x16: {  	[tilespmem:s16], [sflag:$0x1] =	stream.indirect_vreg.gather [hbm4b:s2+s10], $0x1, v0, vm0, $0x4038;
	v63 =	vand.u32 $0x7F, v5;
	v1 =	vor.u32 v1, v4;
	[tilespmem:$0x3E80] =	vst v63  }
0x17: {  	s15 =	sadd.s32 $0x10, s15;
	(ifvalue) =	ssetifvalue $0x7FFFFFFF;
	v0 =	vor.u32 v63, v1  }
0x18: {  	[tilespmem:s15], [sflag:$0x1] =	stream.indirect_vreg.gather [hbm4b:s2+s10], $0x1, v2, vm0, $0x4038;
	[tilespmem:$0x3E80] =	vst v63  }
0x19: {  	s15 =	sadd.s32 $0x10, s15;
	(ifvalue) =	ssetifvalue $0x7FFFFFFF  }
0x1a: {  	[tilespmem:s15], [sflag:$0x1] =	stream.indirect_vreg.gather [hbm4b:s2+s10], $0x1, v3, vm0, $0x4038;
	[tilespmem:$0x3E80] =	vst v63  }
0x1b: {  	s15 =	sadd.s32 $0x10, s15;
	(ifvalue) =	ssetifvalue $0x7FFFFFFF  }
0x1c: {  	[tilespmem:s15], [sflag:$0x1] =	stream.indirect_vreg.gather [hbm4b:s2+s10], $0x1, v0, vm0, $0x4038;
	[tilespmem:$0x3E80] =	vst v63  }
0x1d: {  	_ =	swait.ge [sflag:s4], $0xFA0  }
0x1e: {  	s30 =	sshrl.u32 s13, $0x3;
	[sflag:s4] =	ssyncset.done $0x0  }
0x1f: {  	s31 =	sand.u32 $0x7, s13;
	s15 =	sadd.s32 s8, s30;
	[sflag:s4] =	ssyncadd.s32 $0xFFFFF060  }
0x20: {  	[hbm4b:s15+s31] =	stream.linear.scatter [tilespmem:s14], [sflag:$0x3], $0xFA0, $0x38;
	[tilespmem:$0x3E80] =	vst v63  }
.LBB2_5:
0x21: {  	s15 =	sadd.s32 $0x1F400, s11  }
0x22: {  	p1 =	sgt.s32 s15, $0x270FF  }
0x23: {  	s15 =	smov.u32 @p1 s5;
	p1 =	sne.s32 s12, s9  }
.Ltmp1:
0x24: {  	p0 =	slt.u32 s12, $0x2;
	(pc) =	sbr.rel @!p1 .LBB2_6-.Ltmp1, $4  }
0x25: {  	s14 =	simm.s32 @!p0 $0x3  }
0x26: {  	_ =	swait.ge @!p0 [sflag:s14], $0xFA0  }
0x27: {  	s16 =	sadd.s32 $0x1, s12;
	s13 =	smov.u32 s11;
	[sflag:s14] =	ssyncset.done @!p0 $0x0  }
0x28: {  	s12 =	smov.u32 s16;
	s11 =	smov.u32 s15;
	[sflag:s14] =	ssyncadd.s32 @!p0 $0xFFFFF060  }
.LBB2_1:
0x29: {  	p0 =	sge.u32 s12, s7  }
0x2a: {  	s14 =	sxor.u32 @!p0 $0x1, s12  }
0x2b: {  	s14 =	smul.u32 @!p0 $0x3E80, s14  }
0x2c: {  	s31 =	sadd.s32 $0xFFFFFFFF, s12;
	s15 =	sshrl.u32 @!p0 s11, $0x3  }
0x2d: {  	s16 =	sand.u32 @!p0 $0x7, s11;
	s15 =	sadd.s32 @!p0 s3, s15;
	s14 =	sshra.s32 @!p0 s14, $0x2  }
0x2e: {  	[tilespmem:s14], [sflag:$0x2] =	stream.linear.gather @!p0 [hbm4b:s15+s16], $0xFA0, $0x38;
	[tilespmem:$0x3E80] =	vst v63  }
0x2f: {  	p0 =	sge.u32 s31, s7  }
.Ltmp2:
0x30: {  	_ = 	snop;
	(pc) =	sbr.rel @p0 .LBB2_5-.Ltmp2, $1  }
0x31: {  	_ =	sdelay $0x3  }
0x32: {  	s14 =	sand.u32 $0x1, s12  }
0x33: {  	_ =	swait.ge [sflag:s6], $0xFA0;
	p0 =	seq.s32 s14, $0x1;
	s14 =	simm.s32 $0xFA0  }
0x34: {  	[sflag:s6] =	ssyncset.done $0x0;
	s14 =	simm.s32 @!p0 $0x0  }
0x35: {  	[sflag:s6] =	ssyncadd.s32 $0xFFFFF060;
	(ifvalue) =	ssetifvalue $0x7FFFFFFF;
	v0 =	vld.msk [tilespmem:s14+$0x0 ss:$0x1], $0xffff  }
0x36: {  	s15 =	sadd.s32 $0x10, s14  }
0x37: {  	v1 =	vld.msk [tilespmem:s15+$0x0 ss:$0x1], $0xffff;
	_ =	sdelay $0x2  }
0x38: {  	v2 =	vshrl.u32 v0, $0x5  }
0x39: {  	vm1 =	veq.s32 v0, $0x80000000;
	v0 =	vand.u32 $0x1F, v0;
	v2 =	vand.u32 $0x1FFF, v2  }
0x3a: {  	v0 =	vsel vm1, $0xFFFFFFFF, v0;
	v6 =	vshrl.u32 v1, $0x5;
	v2 =	vsel vm1, $0xFFFFFFFF, v2  }
0x3b: {  	v3 =	vshrl.u32 v0, $0x3;
	v0 =	vshll.u32 v0, $0x7;
	vm1 =	veq.s32 v1, $0x80000000  }
0x3c: {  	s15 =	sadd.s32 $0x10, s15;
	v1 =	vand.u32 $0x1F, v1;
	v4 =	vshll.u32 v2, $0x3;
	v3 =	vmul.u32 $0xFC00, v3  }
0x3d: {  	v0 =	vand.u32 $0x380, v0;
	v7 =	vand.u32 $0x7F, v2;
	v5 =	vand.u32 $0xFFFFFC00, v4;
	v4 =	vld.msk [tilespmem:s15+$0x0 ss:$0x1], $0xffff  }
0x3e: {  	v1 =	vsel vm1, $0xFFFFFFFF, v1;
	v2 =	vadd.s32 v3, v5;
	v3 =	vand.u32 $0x1FFF, v6  }
0x3f: {  	v3 =	vsel vm1, $0xFFFFFFFF, v3;
	v0 =	vor.u32 v0, v2;
	v2 =	vshrl.u32 v1, $0x3  }
0x40: {  	v1 =	vshll.u32 v1, $0x7;
	v5 =	vshll.u32 v3, $0x3;
	v8 =	vmul.u32 $0xFC00, v2  }
0x41: {  	s18 =	simm.s32 $0x30;
	s14 =	sadd.s32 $0x1F40, s14;
	s17 =	sadd.s32 $0x10, s15;
	v2 =	vand.u32 $0x380, v1;
	v0 =	vor.u32 v7, v0;
	v5 =	vand.u32 $0xFFFFFC00, v5  }
0x42: {  	s16 =	smov.u32 s14;
	s15 =	smov.u32 s14;
	v1 =	vld.msk [tilespmem:s17+$0x0 ss:$0x1], $0xffff;
	v3 =	vand.u32 $0x7F, v3;
	(ifvalue) =	ssetifvalue $0x7FFFFFFF;
	v6 =	vshrl.u32 v4, $0x5;
	v5 =	vadd.s32 v8, v5  }
.LBB2_3:
0x43: {  	s18 =	sadd.s32 $0x10, s18  }
0x44: {  	vm1 =	veq.s32 v4, $0x80000000;
	v4 =	vand.u32 $0x1F, v4;
	v6 =	vand.u32 $0x1FFF, v6;
	s15 =	sadd.s32 $0x10, s15;
	p0 =	slt.u32 s18, $0xF90  }
.Ltmp3:
0x45: {  	v5 =	vor.u32 v2, v5;
	v4 =	vsel vm1, $0xFFFFFFFF, v4;
	v7 =	vsel vm1, $0xFFFFFFFF, v6;
	(pc) =	sbr.rel @p0 .LBB2_3-.Ltmp3, $4  }
0x46: {  	v2 =	vshrl.u32 v4, $0x3;
	v6 =	vshll.u32 v7, $0x3;
	v4 =	vshll.u32 v4, $0x7;
	[tilespmem:s16], [sflag:$0x1] =	stream.indirect_vreg.gather [hbm4b:s2+s10], $0x1, v0, vm0, $0x4038;
	[tilespmem:$0x3E80] =	vst v63  }
0x47: {  	v0 =	vor.u32 v3, v5;
	s16 =	smov.u32 s15;
	v8 =	vmul.u32 $0xFC00, v2;
	v2 =	vand.u32 $0x380, v4  }
0x48: {  	s17 =	sadd.s32 $0x10, s17;
	v9 =	vand.u32 $0xFFFFFC00, v6  }
0x49: {  	v3 =	vand.u32 $0x7F, v7;
	v6 =	vshrl.u32 v1, $0x5;
	v5 =	vadd.s32 v8, v9;
	(ifvalue) =	ssetifvalue $0x7FFFFFFF;
	v4 =	vmovc v1;
	v1 =	vld.msk [tilespmem:s17+$0x0 ss:$0x1], $0xffff  }
.Ltmp4:
0x4a: {  	_ = 	snop;
	(pc) =	sbr.rel .LBB2_4-.Ltmp4, $1  }
0x4b: {  	_ =	sdelay $0x3  }
.LBB2_6:
0x4c: {  	_ =	sfence.sel $0x180000  }
0x4d: {  	s2 =	simm.s32 $0x2;
	[bflag:$0x0] =	sbarrier.arrive $0xFFFF  }
0x4e: {  	s30 =	simm.s32 $0x3;
	[sflag:s2] =	ssyncpa.u1 $0x1  }
0x4f: {  	s31 =	simm.s32 $0x1;
	[sflag:s30] =	ssyncpa.u1 $0x1  }
0x50: {  	[sflag:s31] =	ssyncpa.u1 $0x1  }
0x51: {  	p0 =	sne.s32 s1, $0x0;
	_ =	strace $0x9000004A  }
0x52: {  	s0 =	sadd.s32 @!p0 $0x100000, s0;
	[bflag:$0x2] =	sbarrier.arrive $0xFFFF  }
0x53: {  	[sflag:s0] =	ssyncadd.tile.s32 @!p0 $0x1;
	_ =	shalt  }
.Lfunc_end2:
_tile_overlayer_lowered:
.L_overlay_start_2:
0x54: {  	(tag) =	ssettag $0x2  }
0x55: {  	s0 =	rddreg [dreg:$0x0];
	s2 =	stileid.u32  }
0x56: {  	s1 =	rddreg [dreg:$0x1];
	p0 =	sne.s32 s2, $0x0  }
0x57: {  	s3 =	rddreg [dreg:$0x2];
	[bflag:$0x3] =	sbarrier.arrive $0xFFFF;
	s2 =	simm.s32 @!p0 $0x1C01  }
0x58: {  	[timem:s3], [sflag:s2] =	dma.local @!p0 [hbm:s0], s1  }
0x59: {  	s0 =	simm.s32 @!p0 $0x1  }
0x5a: {  	_ =	swait.ge @!p0 [sflag:s0], s1  }
0x5b: {  	s1 =	ssub.s32 @!p0 $0x0, s1;
	[sflag:s0] =	ssyncset.done @!p0 $0x0  }
0x5c: {  	[sflag:s0] =	ssyncadd.s32 @!p0 s1  }
0x5d: {  	[bflag:$0x3] =	sbarrier.arrive $0xFFFF  }
0x5e: {  	_ =	shalt  }

// kernel: gather_offload_async_start.3
scs
__scs_entry_jumppad:
0x0: {  	(pc) =	sbr.rel $0x88, $3  }
0x1: {  	(tag) =	ssettag $0x0;
	lr =	simm.s32 $0x1  }
0x2: {  	[smem:$0x3F9E] =	sst lr;
	_ =	strace $0xD0000000  }
0x3: {  	_ = 	snop  }
0x4: {  	_ = 	snop  }
0x5: {  	_ = 	snop  }
0x6: {  	_ = 	snop  }
0x7: {  	_ = 	snop  }
__scs_overlays_trampoline_lowered:
0x8: {  	[smem:$0x3FAD] =	sst s0  }
0x9: {  	[smem:$0x3FAE] =	sst s1  }
0xa: {  	[smem:$0x3FAF] =	sst s2  }
0xb: {  	[smem:$0x3FB0] =	sst s3  }
0xc: {  	[smem:$0x3FB1] =	sst s4  }
0xd: {  	[smem:$0x3FB2] =	sst s5  }
0xe: {  	[smem:$0x3FB3] =	sst s6  }
0xf: {  	[smem:$0x3FB4] =	sst s7  }
0x10: {  	[smem:$0x3FB5] =	sst s8  }
0x11: {  	[smem:$0x3FB6] =	sst s9;
	s0 =	simm.s32 @!p0 $0x0  }
0x12: {  	s1 =	sld [smem:$0x3F9C];
	s0 =	simm.s32 @p0 $0x1  }
0x13: {  	[smem:$0x3FB7] =	sst s0;
	s0 =	simm.s32 @!p1 $0x0  }
0x14: {  	s2 =	sld [smem:$0x3F9B];
	s0 =	simm.s32 @p1 $0x1  }
0x15: {  	[smem:$0x3FB8] =	sst s0;
	s0 =	simm.s32 @!p2 $0x0  }
0x16: {  	s3 =	sld [smem:$0x3FDB];
	s0 =	simm.s32 @p2 $0x1  }
0x17: {  	s4 =	simm.s32 $0x1BF5;
	[smem:$0x3FBA] =	sst s0  }
0x18: {  	s0 =	sld [smem:$0x3F9D];
	_ =	swait.ge [sflag:s4], $0x0  }
0x19: {  	s7 =	sld [smem:$0x3F9E]  }
0x1a: {  	s8 =	sadd.s32 $0xFFFFE003, lr  }
0x1b: {  	s9 =	sadd.s32 $0xFFFFFEF7, lr;
	s5 =	simm.s32 $0xFFFFFFFF;
	p2 =	slt.u32 s8, $0xFFFFF086  }
0x1c: {  	p1 =	slt.u32 s9, $0xF7A;
	s5 =	simm.s32 @!p2 $0x0  }
0x1d: {  	s5 =	simm.s32 @p1 $0x1;
	p0 =	seq.s32 s7, s2  }
0x1e: {  	s7 =	smul.u32 @!p0 $0xF7A, s2;
	p2 =	seq.s32 @!p0 s5, $0x0  }
0x1f: {  	s9 =	smul.u32 $0xF7A, s1;
	s8 =	simm.s32 @!p0 $0x1BF5;
	p2 =	por !p2, p0  }
0x20: {  	[sflag:s8] =	ssyncset.s32 @!p0 $0xFFFFF086;
	s6 =	sadd.s32 @!p0 s3, s7;
	s7 =	simm.s32 @!p0 $0x108  }
0x21: {  	s3 =	sadd.s32 s3, s9;
	s6 =	sadd.s32 @!p0 $0x88, s6;
	s7 =	simm.s32 @p2 $0x1082  }
0x22: {  	[simem:s7], [sflag:s8] =	dma.local @!p0 [hbm:s6], $0xF7A  }
0x23: {  	s9 =	sor.u32 $0xD0000000, s2;
	s6 =	simm.s32 $0x108;
	_ =	swait.ge @!p0 [sflag:s8], $0x0  }
0x24: {  	s3 =	sadd.s32 $0x88, s3;
	s6 =	simm.s32 @!p1 $0x1082;
	[sflag:s4] =	ssyncset.s32 $0xFFFFF086  }
0x25: {  	[simem:s6], [sflag:s4] =	dma.local [hbm:s3], $0xF7A  }
0x26: {  	[smem:$0x3F9E] =	sst s1;
	(tag) =	ssettag s2;
	_ =	strace s9  }
0x27: {  	s1 =	sld [smem:$0x3FAE]  }
0x28: {  	s2 =	sld [smem:$0x3FAF]  }
0x29: {  	s4 =	sld [smem:$0x3FB1]  }
0x2a: {  	p0 =	seq.s32 s5, $0x0;
	s5 =	sld [smem:$0x3FB2]  }
0x2b: {  	s6 =	sld [smem:$0x3FB3]  }
0x2c: {  	s7 =	sld [smem:$0x3FB4]  }
0x2d: {  	s3 =	simm.s32 $0x108;
	s8 =	sld [smem:$0x3FB5]  }
0x2e: {  	s3 =	simm.s32 @!p0 $0x1082;
	s9 =	sld [smem:$0x3FB6]  }
0x2f: {  	lr =	sadd.s32 s0, s3;
	s0 =	sld [smem:$0x3FAD]  }
0x30: {  	s3 =	sld [smem:$0x3FB0]  }
0x31: {  	[smem:$0x3FB9] =	sst s10  }
0x32: {  	s10 =	sld [smem:$0x3FB7];
	_ =	sdelay $0x3  }
0x33: {  	p0 =	seq.s32 s10, $0x1;
	s10 =	sld [smem:$0x3FB9];
	_ =	sdelay $0x3  }
0x34: {  	[smem:$0x3FB9] =	sst s10  }
0x35: {  	s10 =	sld [smem:$0x3FB8];
	_ =	sdelay $0x3  }
0x36: {  	p1 =	seq.s32 s10, $0x1;
	s10 =	sld [smem:$0x3FB9];
	_ =	sdelay $0x3  }
0x37: {  	[smem:$0x3FB9] =	sst s10  }
0x38: {  	s10 =	sld [smem:$0x3FBA]  }
0x39: {  	_ = 	snop;
	(pc) =	sbr.ind lr, $3  }
0x3a: {  	_ = 	snop  }
0x3b: {  	_ = 	snop  }
0x3c: {  	p2 =	seq.s32 s10, $0x1;
	s10 =	sld [smem:$0x3FB9]  }
0x3d: {  	_ =	shalt  }
0x3e: {  	_ =	shalt  }
0x3f: {  	_ =	shalt  }
0x40: {  	_ =	shalt  }
0x41: {  	_ =	shalt  }
0x42: {  	_ =	shalt  }
0x43: {  	_ =	shalt  }
0x44: {  	_ =	shalt  }
0x45: {  	_ =	shalt  }
0x46: {  	_ =	shalt  }
0x47: {  	_ =	shalt  }
0x48: {  	_ =	shalt  }
0x49: {  	_ =	shalt  }
0x4a: {  	_ =	shalt  }
0x4b: {  	_ =	shalt  }
0x4c: {  	_ =	shalt  }
0x4d: {  	_ =	shalt  }
0x4e: {  	_ =	shalt  }
0x4f: {  	_ =	shalt  }
0x50: {  	_ =	shalt  }
0x51: {  	_ =	shalt  }
0x52: {  	_ =	shalt  }
0x53: {  	_ =	shalt  }
0x54: {  	_ =	shalt  }
0x55: {  	_ =	shalt  }
0x56: {  	_ =	shalt  }
0x57: {  	_ =	shalt  }
0x58: {  	_ =	shalt  }
0x59: {  	_ =	shalt  }
0x5a: {  	_ =	shalt  }
0x5b: {  	_ =	shalt  }
0x5c: {  	_ =	shalt  }
0x5d: {  	_ =	shalt  }
0x5e: {  	_ =	shalt  }
0x5f: {  	_ =	shalt  }
0x60: {  	_ =	shalt  }
0x61: {  	_ =	shalt  }
0x62: {  	_ =	shalt  }
0x63: {  	_ =	shalt  }
0x64: {  	_ =	shalt  }
0x65: {  	_ =	shalt  }
0x66: {  	_ =	shalt  }
0x67: {  	_ =	shalt  }
0x68: {  	_ =	shalt  }
0x69: {  	_ =	shalt  }
0x6a: {  	_ =	shalt  }
0x6b: {  	_ =	shalt  }
0x6c: {  	_ =	shalt  }
0x6d: {  	_ =	shalt  }
0x6e: {  	_ =	shalt  }
0x6f: {  	_ =	shalt  }
0x70: {  	_ =	shalt  }
0x71: {  	_ =	shalt  }
0x72: {  	_ =	shalt  }
0x73: {  	_ =	shalt  }
0x74: {  	_ =	shalt  }
0x75: {  	_ =	shalt  }
0x76: {  	_ =	shalt  }
0x77: {  	_ =	shalt  }
0x78: {  	_ =	shalt  }
0x79: {  	_ =	shalt  }
0x7a: {  	_ =	shalt  }
0x7b: {  	_ =	shalt  }
0x7c: {  	_ =	shalt  }
0x7d: {  	_ =	shalt  }
0x7e: {  	_ =	shalt  }
0x7f: {  	_ =	shalt  }
0x80: {  	_ =	shalt  }
0x81: {  	_ =	shalt  }
0x82: {  	_ =	shalt  }
0x83: {  	_ =	shalt  }
0x84: {  	_ =	shalt  }
0x85: {  	_ =	shalt  }
0x86: {  	_ =	shalt  }
0x87: {  	_ =	shalt  }
.Lfunc_end0:
.L_simem_size_0:
called_computation.3_lowered:
.L_overlay_start_0:
0x88: {  	s2 =	sld [smem:$0x3FD9]  }
0x89: {  	s3 =	sld [smem:$0x3FFE];
	_ =	sdelay $0x1  }
0x8a: {  	s1 =	srdreg.scid  }
0x8b: {  	s0 =	sand.u32 $0x1, s1  }
0x8c: {  	s14 =	sshll.u32 s0, $0xA;
	s2 =	sadd.s32 s3, s2  }
0x8d: {  	s2 =	sadd.s32 s2, s14  }
0x8e: {  	[smem:$0x3FC5] =	sst s2  }
0x8f: {  	_ = 	snop  }
0x90: {  	s2 =	sld [smem:$0x3FD0];
	_ =	sdelay $0x2  }
0x91: {  	s15 =	simm.s32 $0xC;
	s4 =	simm.s32 $0x10  }
0x92: {  	[smem:s4], [sflag:s15] =	dma.local [hbm:s2], $0x1  }
0x93: {  	_ =	swait.eq [sflag:s15], $0x1  }
0x94: {  	[sflag:s15] =	ssyncset.done $0x0  }
0x95: {  	[sflag:s15] =	ssyncadd.s32 $0xFFFFFFFF  }
0x96: {  	s16 =	sld [smem:$0x11];
	(tm) =	ssettm $0x1  }
0x97: {  	s17 =	sld [smem:$0x3FFB];
	_ =	sdelay $0x3  }
0x98: {  	_ =	strace s17  }
0x99: {  	s3 =	sld [smem:$0x3FFC];
	_ =	sdelay $0x3  }
0x9a: {  	_ =	strace s3  }
0x9b: {  	s3 =	sld [smem:$0x3FFD];
	_ =	sdelay $0x3  }
0x9c: {  	_ =	strace s3  }
0x9d: {  	_ =	strace $0x8FFFFFFF  }
0x9e: {  	s18 =	sld [smem:$0x3FDB];
	_ =	sdelay $0x1  }
0x9f: {  	s19 =	simm.s32 $_scs_section_size  }
0xa0: {  	s5 =	simm.s32 $_size__tile_overlayer_lowered;
	s6 =	simm.s32 $_tile_overlayer_lowered  }
0xa1: {  	s22 =	simm.s32 $0x1BFF;
	s21 =	sshll.u32 s6, $0x1;
	s3 =	sadd.s32 s19, s18  }
0xa2: {  	s7 =	simm.s32 $0x0;
	s20 =	sshll.u32 s5, $0x1;
	s5 =	sadd.s32 s21, s3  }
0xa3: {  	[timem:s7], [sflag:s22] =	dma.local [hbm:s5], s20  }
0xa4: {  	_ =	swait.ge [sflag:s22], s20  }
0xa5: {  	s4 =	ssub.s32 $0x0, s20;
	[sflag:s22] =	ssyncset.done $0x0  }
0xa6: {  	[sflag:s22] =	ssyncadd.s32 s4;
	_ =	sdelay $0x1  }
0xa7: {  	s23 =	simm.s32 $0x1B8B  }
0xa8: {  	_ =	swait.ge [sflag:s23], $0x1  }
0xa9: {  	[sflag:s23] =	ssyncset.done $0x0  }
0xaa: {  	s25 =	simm.s32 $0x1B8E;
	s24 =	sld [smem:$0x3FFE];
	[sflag:s23] =	ssyncadd.s32 $0xFFFFFFFF  }
0xab: {  	s26 =	simm.s32 $execute0_lowered;
	[smem:$0x3FD2] =	sst s25  }
0xac: {  	s5 =	sshll.u32 s26, $0x1;
	_ =	strace $0x80000046;
	[dreg:$0x1] =	wrdreg $0xFFFFFFFF  }
0xad: {  	s28 =	simm.s32 $_size_execute0_lowered;
	s3 =	sadd.s32 s3, s5;
	[dreg:$0x0] =	wrdreg $0x0  }
0xae: {  	s5 =	sshll.u32 s28, $0x1;
	[dreg:$0x2] =	wrdreg s3  }
0xaf: {  	[dreg:$0x3] =	wrdreg s5  }
0xb0: {  	[dreg:$0x4] =	wrdreg $0xC0  }
0xb1: {  	_ =	task [dreg:s7], $0x5FFFF  }
0xb2: {  	[dreg:$0x1] =	wrdreg $0xFFFFFFFF  }
0xb3: {  	[dreg:$0x0] =	wrdreg $0x60  }
0xb4: {  	[dreg:$0x2] =	wrdreg s16  }
0xb5: {  	[dreg:$0x3] =	wrdreg s24  }
0xb6: {  	[dreg:$0x4] =	wrdreg $0x9  }
0xb7: {  	_ =	task.clear_ibuf [dreg:s7], $0x5FFFF;
	_ =	strace $0x90000046  }
0xb8: {  	s29 =	simm.s32 $0x9;
	_ =	strace $0x80000048  }
0xb9: {  	_ =	swait.ge [sflag:s29], $0x1  }
0xba: {  	[sflag:s29] =	ssyncadd.s32 $0xFFFFFFFF  }
0xbb: {  	_ =	strace $0x90000048  }
0xbc: {  	_ =	sfence  }
0xbd: {  	s30 =	sld [smem:$0x0];
	_ =	sdelay $0x2  }
0xbe: {  	s31 =	sshll.u32 s1, $0xD;
	s1 =	sshrl.u32 s1, $0x2  }
0xbf: {  	s3 =	sand.u32 $0x4000, s31;
	s1 =	sadd.s32 s1, s30  }
0xc0: {  	s0 =	sor.u32 s3, s0;
	s1 =	sshll.u32 s1, $0x11  }
0xc1: {  	s0 =	sor.u32 s1, s0  }
0xc2: {  	s0 =	sadd.s32 $0x8F2B, s0  }
0xc3: {  	[sflag:s0] =	ssyncadd.remote.s32 $0x1  }
0xc4: {  	_ =	sfence.sel $0xFFFF  }
0xc5: {  	[dreg:$0x0] =	wrdreg $0xFFFFFFFF;
	(pc) =	sbr.abs _section_cstart, $3  }
0xc6: {  	[dreg:$0x1] =	wrdreg $0xFFFFFFFF  }
0xc7: {  	_ =	task.clear_ibuf [dreg:s7], $0x2FFFF;
	_ =	strace $0x9FFFFFFF  }
0xc8: {  	(tm) =	ssettm $0x7FFFFFFF  }
0xc9: {  	_ =	shalt  }
tec
execute0_lowered:
.L_overlay_start_1:
0x0: {  	(tag) =	ssettag $0x1  }
0x1: {  	s2 =	rddreg [dreg:$0x0]  }
0x2: {  	s8 =	rddreg [dreg:$0x1]  }
0x3: {  	s0 =	rddreg [dreg:$0x2];
	s1 =	stileid.u32  }
0x4: {  	s3 =	srdreg.scid;
	_ =	strace $0x80000047;
	s4 =	simm.s32 $0x1  }
0x5: {  	s7 =	simm.s32 $0x1;
	s9 =	simm.s32 $0x1;
	s10 =	simm.s32 $0x3  }
0x6: {  	s13 =	simm.s32 $0x0;
	s5 =	sand.u32 $0x1, s3;
	s6 =	sshll.u32 s1, $0x1  }
0x7: {  	s12 =	simm.s32 $0x0;
	s3 =	sadd.s32 $0x16A00, s8;
	s5 =	sor.u32 s6, s5  }
.Ltmp0:
0x8: {  	[sflag:s4] =	ssyncpa.u1 $0x0;
	p0 =	slt.u32 s5, $0x9;
	(pc) =	sbr.rel .LBB2_1-.Ltmp0, $4  }
0x9: {  	s6 =	simm.s32 $0x2;
	s7 =	simm.s32 @!p0 $0x0;
	p0 =	sne.s32 s5, $0x8  }
0xa: {  	[sflag:s6] =	ssyncpa.u1 $0x0;
	s5 =	smul.u32 $0xFA0, s5;
	s9 =	simm.s32 @!p0 $0x0  }
0xb: {  	s8 =	sadd.s32 $0x20A00, s8;
	[sflag:s10] =	ssyncpa.u1 $0x0;
	s7 =	sadd.s32 s9, s7  }
0xc: {  	vm0 =	vmmov $0xffff;
	s10 =	simm.s32 $0x0;
	s11 =	smov.u32 s5;
	s9 =	sadd.s32 $0x1, s7  }
.LBB2_4:
0xd: {  	vm1 =	veq.s32 v4, $0x80000000;
	v56 =	vand.u32 $0x1F, v4;
	v6 =	vand.u32 $0x1FFF, v6  }
0xe: {  	v2 =	vor.u32 v2, v5;
	v59 =	vshrl.u32 v1, $0x5;
	v60 =	vand.u32 $0x1F, v1  }
0xf: {  	v4 =	vsel vm1, $0xFFFFFFFF, v56;
	v6 =	vsel vm1, $0xFFFFFFFF, v6;
	v2 =	vor.u32 v3, v2  }
0x10: {  	vm1 =	veq.s32 v1, $0x80000000;
	v5 =	vand.u32 $0x1FFF, v59;
	v7 =	vshrl.u32 v4, $0x3  }
0x11: {  	v57 =	vshll.u32 v6, $0x3;
	v4 =	vshll.u32 v4, $0x7;
	v1 =	vsel vm1, $0xFFFFFFFF, v60  }
0x12: {  	v5 =	vsel vm1, $0xFFFFFFFF, v5;
	v6 =	vand.u32 $0x7F, v6;
	v7 =	vmul.u32 $0xFC00, v7  }
0x13: {  	v58 =	vand.u32 $0xFFFFFC00, v57;
	v4 =	vand.u32 $0x380, v4;
	v61 =	vshrl.u32 v1, $0x3  }
0x14: {  	v62 =	vshll.u32 v5, $0x3;
	v3 =	vadd.s32 v7, v58;
	v7 =	vmul.u32 $0xFC00, v61  }
0x15: {  	v1 =	vshll.u32 v1, $0x7;
	v3 =	vor.u32 v4, v3;
	v4 =	vand.u32 $0xFFFFFC00, v62  }
0x16: {  	v1 =	vand.u32 $0x380, v1;
	v3 =	vor.u32 v6, v3;
	v4 =	vadd.s32 v7, v4  }
0x17: {  	[tilespmem:s16], [sflag:$0x1] =	stream.indirect_vreg.gather [hbm4b:s2+s10], $0x1, v0, vm0, $0x4038;
	v63 =	vand.u32 $0x7F, v5;
	v1 =	vor.u32 v1, v4;
	[tilespmem:$0x3E80] =	vst v63  }
0x18: {  	s15 =	sadd.s32 $0x10, s15;
	(ifvalue) =	ssetifvalue $0x7FFFFFFF;
	v0 =	vor.u32 v63, v1  }
0x19: {  	[tilespmem:s15], [sflag:$0x1] =	stream.indirect_vreg.gather [hbm4b:s2+s10], $0x1, v2, vm0, $0x4038;
	[tilespmem:$0x3E80] =	vst v63  }
0x1a: {  	s15 =	sadd.s32 $0x10, s15;
	(ifvalue) =	ssetifvalue $0x7FFFFFFF  }
0x1b: {  	[tilespmem:s15], [sflag:$0x1] =	stream.indirect_vreg.gather [hbm4b:s2+s10], $0x1, v3, vm0, $0x4038;
	[tilespmem:$0x3E80] =	vst v63  }
0x1c: {  	s15 =	sadd.s32 $0x10, s15;
	(ifvalue) =	ssetifvalue $0x7FFFFFFF  }
0x1d: {  	[tilespmem:s15], [sflag:$0x1] =	stream.indirect_vreg.gather [hbm4b:s2+s10], $0x1, v0, vm0, $0x4038;
	[tilespmem:$0x3E80] =	vst v63  }
0x1e: {  	_ =	swait.ge [sflag:s4], $0xFA0  }
0x1f: {  	s30 =	sshrl.u32 s13, $0x3;
	[sflag:s4] =	ssyncset.done $0x0  }
0x20: {  	s31 =	sand.u32 $0x7, s13;
	s15 =	sadd.s32 s8, s30;
	[sflag:s4] =	ssyncadd.s32 $0xFFFFF060  }
0x21: {  	[hbm4b:s15+s31] =	stream.linear.scatter [tilespmem:s14], [sflag:$0x3], $0xFA0, $0x38;
	[tilespmem:$0x3E80] =	vst v63  }
.LBB2_5:
0x22: {  	s15 =	sadd.s32 $0x1F400, s11  }
0x23: {  	p1 =	sgt.s32 s15, $0x270FF  }
0x24: {  	s15 =	smov.u32 @p1 s5;
	p1 =	sne.s32 s12, s9  }
.Ltmp1:
0x25: {  	p0 =	slt.u32 s12, $0x2;
	(pc) =	sbr.rel @!p1 .LBB2_6-.Ltmp1, $4  }
0x26: {  	s14 =	simm.s32 @!p0 $0x3  }
0x27: {  	_ =	swait.ge @!p0 [sflag:s14], $0xFA0  }
0x28: {  	s16 =	sadd.s32 $0x1, s12;
	s13 =	smov.u32 s11;
	[sflag:s14] =	ssyncset.done @!p0 $0x0  }
0x29: {  	s12 =	smov.u32 s16;
	s11 =	smov.u32 s15;
	[sflag:s14] =	ssyncadd.s32 @!p0 $0xFFFFF060  }
.LBB2_1:
0x2a: {  	p0 =	sge.u32 s12, s7  }
0x2b: {  	s14 =	sxor.u32 @!p0 $0x1, s12  }
0x2c: {  	s14 =	smul.u32 @!p0 $0x3E80, s14  }
0x2d: {  	s31 =	sadd.s32 $0xFFFFFFFF, s12;
	s15 =	sshrl.u32 @!p0 s11, $0x3  }
0x2e: {  	s16 =	sand.u32 @!p0 $0x7, s11;
	s15 =	sadd.s32 @!p0 s3, s15;
	s14 =	sshra.s32 @!p0 s14, $0x2  }
0x2f: {  	[tilespmem:s14], [sflag:$0x2] =	stream.linear.gather @!p0 [hbm4b:s15+s16], $0xFA0, $0x38;
	[tilespmem:$0x3E80] =	vst v63  }
0x30: {  	p0 =	sge.u32 s31, s7  }
.Ltmp2:
0x31: {  	_ = 	snop;
	(pc) =	sbr.rel @p0 .LBB2_5-.Ltmp2, $1  }
0x32: {  	_ =	sdelay $0x3  }
0x33: {  	s14 =	sand.u32 $0x1, s12  }
0x34: {  	_ =	swait.ge [sflag:s6], $0xFA0;
	p0 =	seq.s32 s14, $0x1;
	s14 =	simm.s32 $0xFA0  }
0x35: {  	[sflag:s6] =	ssyncset.done $0x0;
	s14 =	simm.s32 @!p0 $0x0  }
0x36: {  	[sflag:s6] =	ssyncadd.s32 $0xFFFFF060;
	(ifvalue) =	ssetifvalue $0x7FFFFFFF;
	v0 =	vld.msk [tilespmem:s14+$0x0 ss:$0x1], $0xffff  }
0x37: {  	s15 =	sadd.s32 $0x10, s14  }
0x38: {  	v1 =	vld.msk [tilespmem:s15+$0x0 ss:$0x1], $0xffff;
	_ =	sdelay $0x2  }
0x39: {  	v2 =	vshrl.u32 v0, $0x5  }
0x3a: {  	vm1 =	veq.s32 v0, $0x80000000;
	v0 =	vand.u32 $0x1F, v0;
	v2 =	vand.u32 $0x1FFF, v2  }
0x3b: {  	v0 =	vsel vm1, $0xFFFFFFFF, v0;
	v6 =	vshrl.u32 v1, $0x5;
	v2 =	vsel vm1, $0xFFFFFFFF, v2  }
0x3c: {  	v3 =	vshrl.u32 v0, $0x3;
	v0 =	vshll.u32 v0, $0x7;
	vm1 =	veq.s32 v1, $0x80000000  }
0x3d: {  	s15 =	sadd.s32 $0x10, s15;
	v1 =	vand.u32 $0x1F, v1;
	v4 =	vshll.u32 v2, $0x3;
	v3 =	vmul.u32 $0xFC00, v3  }
0x3e: {  	v0 =	vand.u32 $0x380, v0;
	v7 =	vand.u32 $0x7F, v2;
	v5 =	vand.u32 $0xFFFFFC00, v4;
	v4 =	vld.msk [tilespmem:s15+$0x0 ss:$0x1], $0xffff  }
0x3f: {  	v1 =	vsel vm1, $0xFFFFFFFF, v1;
	v2 =	vadd.s32 v3, v5;
	v3 =	vand.u32 $0x1FFF, v6  }
0x40: {  	v3 =	vsel vm1, $0xFFFFFFFF, v3;
	v0 =	vor.u32 v0, v2;
	v2 =	vshrl.u32 v1, $0x3  }
0x41: {  	v1 =	vshll.u32 v1, $0x7;
	v5 =	vshll.u32 v3, $0x3;
	v8 =	vmul.u32 $0xFC00, v2  }
0x42: {  	s18 =	simm.s32 $0x30;
	s14 =	sadd.s32 $0x1F40, s14;
	s17 =	sadd.s32 $0x10, s15;
	v2 =	vand.u32 $0x380, v1;
	v0 =	vor.u32 v7, v0;
	v5 =	vand.u32 $0xFFFFFC00, v5  }
0x43: {  	s16 =	smov.u32 s14;
	s15 =	smov.u32 s14;
	v1 =	vld.msk [tilespmem:s17+$0x0 ss:$0x1], $0xffff;
	v3 =	vand.u32 $0x7F, v3;
	(ifvalue) =	ssetifvalue $0x7FFFFFFF;
	v6 =	vshrl.u32 v4, $0x5;
	v5 =	vadd.s32 v8, v5  }
.LBB2_3:
0x44: {  	s18 =	sadd.s32 $0x10, s18  }
0x45: {  	vm1 =	veq.s32 v4, $0x80000000;
	v4 =	vand.u32 $0x1F, v4;
	v6 =	vand.u32 $0x1FFF, v6;
	s15 =	sadd.s32 $0x10, s15;
	p0 =	slt.u32 s18, $0xF90  }
.Ltmp3:
0x46: {  	v5 =	vor.u32 v2, v5;
	v4 =	vsel vm1, $0xFFFFFFFF, v4;
	v7 =	vsel vm1, $0xFFFFFFFF, v6;
	(pc) =	sbr.rel @p0 .LBB2_3-.Ltmp3, $4  }
0x47: {  	v2 =	vshrl.u32 v4, $0x3;
	v6 =	vshll.u32 v7, $0x3;
	v4 =	vshll.u32 v4, $0x7;
	[tilespmem:s16], [sflag:$0x1] =	stream.indirect_vreg.gather [hbm4b:s2+s10], $0x1, v0, vm0, $0x4038;
	[tilespmem:$0x3E80] =	vst v63  }
0x48: {  	v0 =	vor.u32 v3, v5;
	s16 =	smov.u32 s15;
	v8 =	vmul.u32 $0xFC00, v2;
	v2 =	vand.u32 $0x380, v4  }
0x49: {  	s17 =	sadd.s32 $0x10, s17;
	v9 =	vand.u32 $0xFFFFFC00, v6  }
0x4a: {  	v3 =	vand.u32 $0x7F, v7;
	v6 =	vshrl.u32 v1, $0x5;
	v5 =	vadd.s32 v8, v9;
	(ifvalue) =	ssetifvalue $0x7FFFFFFF;
	v4 =	vmovc v1;
	v1 =	vld.msk [tilespmem:s17+$0x0 ss:$0x1], $0xffff  }
.Ltmp4:
0x4b: {  	_ = 	snop;
	(pc) =	sbr.rel .LBB2_4-.Ltmp4, $1  }
0x4c: {  	_ =	sdelay $0x3  }
.LBB2_6:
0x4d: {  	_ =	sfence.sel $0x180000  }
0x4e: {  	s2 =	simm.s32 $0x2;
	[bflag:$0x0] =	sbarrier.arrive $0xFFFF  }
0x4f: {  	s30 =	simm.s32 $0x3;
	[sflag:s2] =	ssyncpa.u1 $0x1  }
0x50: {  	s31 =	simm.s32 $0x1;
	[sflag:s30] =	ssyncpa.u1 $0x1  }
0x51: {  	[sflag:s31] =	ssyncpa.u1 $0x1  }
0x52: {  	p0 =	sne.s32 s1, $0x0;
	_ =	strace $0x90000047  }
0x53: {  	s0 =	sadd.s32 @!p0 $0x100000, s0;
	[bflag:$0x2] =	sbarrier.arrive $0xFFFF  }
0x54: {  	[sflag:s0] =	ssyncadd.tile.s32 @!p0 $0x1;
	_ =	shalt  }
.Lfunc_end2:
_tile_overlayer_lowered:
.L_overlay_start_2:
0x55: {  	(tag) =	ssettag $0x2  }
0x56: {  	s0 =	rddreg [dreg:$0x0];
	s2 =	stileid.u32  }
0x57: {  	s1 =	rddreg [dreg:$0x1];
	p0 =	sne.s32 s2, $0x0  }
0x58: {  	s3 =	rddreg [dreg:$0x2];
	[bflag:$0x3] =	sbarrier.arrive $0xFFFF;
	s2 =	simm.s32 @!p0 $0x1C01  }
0x59: {  	[timem:s3], [sflag:s2] =	dma.local @!p0 [hbm:s0], s1  }
0x5a: {  	s0 =	simm.s32 @!p0 $0x1  }
0x5b: {  	_ =	swait.ge @!p0 [sflag:s0], s1  }
0x5c: {  	s1 =	ssub.s32 @!p0 $0x0, s1;
	[sflag:s0] =	ssyncset.done @!p0 $0x0  }
0x5d: {  	[sflag:s0] =	ssyncadd.s32 @!p0 s1  }
0x5e: {  	[bflag:$0x3] =	sbarrier.arrive $0xFFFF  }
0x5f: {  	_ =	shalt  }

// kernel: gather_offload_async_start
scs
__scs_entry_jumppad:
0x0: {  	(pc) =	sbr.rel $0x88, $3  }
0x1: {  	(tag) =	ssettag $0x0;
	lr =	simm.s32 $0x1  }
0x2: {  	[smem:$0x3F9E] =	sst lr;
	_ =	strace $0xD0000000  }
0x3: {  	_ = 	snop  }
0x4: {  	_ = 	snop  }
0x5: {  	_ = 	snop  }
0x6: {  	_ = 	snop  }
0x7: {  	_ = 	snop  }
__scs_overlays_trampoline_lowered:
0x8: {  	[smem:$0x3FAD] =	sst s0  }
0x9: {  	[smem:$0x3FAE] =	sst s1  }
0xa: {  	[smem:$0x3FAF] =	sst s2  }
0xb: {  	[smem:$0x3FB0] =	sst s3  }
0xc: {  	[smem:$0x3FB1] =	sst s4  }
0xd: {  	[smem:$0x3FB2] =	sst s5  }
0xe: {  	[smem:$0x3FB3] =	sst s6  }
0xf: {  	[smem:$0x3FB4] =	sst s7  }
0x10: {  	[smem:$0x3FB5] =	sst s8  }
0x11: {  	[smem:$0x3FB6] =	sst s9;
	s0 =	simm.s32 @!p0 $0x0  }
0x12: {  	s1 =	sld [smem:$0x3F9C];
	s0 =	simm.s32 @p0 $0x1  }
0x13: {  	[smem:$0x3FB7] =	sst s0;
	s0 =	simm.s32 @!p1 $0x0  }
0x14: {  	s2 =	sld [smem:$0x3F9B];
	s0 =	simm.s32 @p1 $0x1  }
0x15: {  	[smem:$0x3FB8] =	sst s0;
	s0 =	simm.s32 @!p2 $0x0  }
0x16: {  	s3 =	sld [smem:$0x3FDB];
	s0 =	simm.s32 @p2 $0x1  }
0x17: {  	s4 =	simm.s32 $0x1BF5;
	[smem:$0x3FBA] =	sst s0  }
0x18: {  	s0 =	sld [smem:$0x3F9D];
	_ =	swait.ge [sflag:s4], $0x0  }
0x19: {  	s7 =	sld [smem:$0x3F9E]  }
0x1a: {  	s8 =	sadd.s32 $0xFFFFE003, lr  }
0x1b: {  	s9 =	sadd.s32 $0xFFFFFEF7, lr;
	s5 =	simm.s32 $0xFFFFFFFF;
	p2 =	slt.u32 s8, $0xFFFFF086  }
0x1c: {  	p1 =	slt.u32 s9, $0xF7A;
	s5 =	simm.s32 @!p2 $0x0  }
0x1d: {  	s5 =	simm.s32 @p1 $0x1;
	p0 =	seq.s32 s7, s2  }
0x1e: {  	s7 =	smul.u32 @!p0 $0xF7A, s2;
	p2 =	seq.s32 @!p0 s5, $0x0  }
0x1f: {  	s9 =	smul.u32 $0xF7A, s1;
	s8 =	simm.s32 @!p0 $0x1BF5;
	p2 =	por !p2, p0  }
0x20: {  	[sflag:s8] =	ssyncset.s32 @!p0 $0xFFFFF086;
	s6 =	sadd.s32 @!p0 s3, s7;
	s7 =	simm.s32 @!p0 $0x108  }
0x21: {  	s3 =	sadd.s32 s3, s9;
	s6 =	sadd.s32 @!p0 $0x88, s6;
	s7 =	simm.s32 @p2 $0x1082  }
0x22: {  	[simem:s7], [sflag:s8] =	dma.local @!p0 [hbm:s6], $0xF7A  }
0x23: {  	s9 =	sor.u32 $0xD0000000, s2;
	s6 =	simm.s32 $0x108;
	_ =	swait.ge @!p0 [sflag:s8], $0x0  }
0x24: {  	s3 =	sadd.s32 $0x88, s3;
	s6 =	simm.s32 @!p1 $0x1082;
	[sflag:s4] =	ssyncset.s32 $0xFFFFF086  }
0x25: {  	[simem:s6], [sflag:s4] =	dma.local [hbm:s3], $0xF7A  }
0x26: {  	[smem:$0x3F9E] =	sst s1;
	(tag) =	ssettag s2;
	_ =	strace s9  }
0x27: {  	s1 =	sld [smem:$0x3FAE]  }
0x28: {  	s2 =	sld [smem:$0x3FAF]  }
0x29: {  	s4 =	sld [smem:$0x3FB1]  }
0x2a: {  	p0 =	seq.s32 s5, $0x0;
	s5 =	sld [smem:$0x3FB2]  }
0x2b: {  	s6 =	sld [smem:$0x3FB3]  }
0x2c: {  	s7 =	sld [smem:$0x3FB4]  }
0x2d: {  	s3 =	simm.s32 $0x108;
	s8 =	sld [smem:$0x3FB5]  }
0x2e: {  	s3 =	simm.s32 @!p0 $0x1082;
	s9 =	sld [smem:$0x3FB6]  }
0x2f: {  	lr =	sadd.s32 s0, s3;
	s0 =	sld [smem:$0x3FAD]  }
0x30: {  	s3 =	sld [smem:$0x3FB0]  }
0x31: {  	[smem:$0x3FB9] =	sst s10  }
0x32: {  	s10 =	sld [smem:$0x3FB7];
	_ =	sdelay $0x3  }
0x33: {  	p0 =	seq.s32 s10, $0x1;
	s10 =	sld [smem:$0x3FB9];
	_ =	sdelay $0x3  }
0x34: {  	[smem:$0x3FB9] =	sst s10  }
0x35: {  	s10 =	sld [smem:$0x3FB8];
	_ =	sdelay $0x3  }
0x36: {  	p1 =	seq.s32 s10, $0x1;
	s10 =	sld [smem:$0x3FB9];
	_ =	sdelay $0x3  }
0x37: {  	[smem:$0x3FB9] =	sst s10  }
0x38: {  	s10 =	sld [smem:$0x3FBA]  }
0x39: {  	_ = 	snop;
	(pc) =	sbr.ind lr, $3  }
0x3a: {  	_ = 	snop  }
0x3b: {  	_ = 	snop  }
0x3c: {  	p2 =	seq.s32 s10, $0x1;
	s10 =	sld [smem:$0x3FB9]  }
0x3d: {  	_ =	shalt  }
0x3e: {  	_ =	shalt  }
0x3f: {  	_ =	shalt  }
0x40: {  	_ =	shalt  }
0x41: {  	_ =	shalt  }
0x42: {  	_ =	shalt  }
0x43: {  	_ =	shalt  }
0x44: {  	_ =	shalt  }
0x45: {  	_ =	shalt  }
0x46: {  	_ =	shalt  }
0x47: {  	_ =	shalt  }
0x48: {  	_ =	shalt  }
0x49: {  	_ =	shalt  }
0x4a: {  	_ =	shalt  }
0x4b: {  	_ =	shalt  }
0x4c: {  	_ =	shalt  }
0x4d: {  	_ =	shalt  }
0x4e: {  	_ =	shalt  }
0x4f: {  	_ =	shalt  }
0x50: {  	_ =	shalt  }
0x51: {  	_ =	shalt  }
0x52: {  	_ =	shalt  }
0x53: {  	_ =	shalt  }
0x54: {  	_ =	shalt  }
0x55: {  	_ =	shalt  }
0x56: {  	_ =	shalt  }
0x57: {  	_ =	shalt  }
0x58: {  	_ =	shalt  }
0x59: {  	_ =	shalt  }
0x5a: {  	_ =	shalt  }
0x5b: {  	_ =	shalt  }
0x5c: {  	_ =	shalt  }
0x5d: {  	_ =	shalt  }
0x5e: {  	_ =	shalt  }
0x5f: {  	_ =	shalt  }
0x60: {  	_ =	shalt  }
0x61: {  	_ =	shalt  }
0x62: {  	_ =	shalt  }
0x63: {  	_ =	shalt  }
0x64: {  	_ =	shalt  }
0x65: {  	_ =	shalt  }
0x66: {  	_ =	shalt  }
0x67: {  	_ =	shalt  }
0x68: {  	_ =	shalt  }
0x69: {  	_ =	shalt  }
0x6a: {  	_ =	shalt  }
0x6b: {  	_ =	shalt  }
0x6c: {  	_ =	shalt  }
0x6d: {  	_ =	shalt  }
0x6e: {  	_ =	shalt  }
0x6f: {  	_ =	shalt  }
0x70: {  	_ =	shalt  }
0x71: {  	_ =	shalt  }
0x72: {  	_ =	shalt  }
0x73: {  	_ =	shalt  }
0x74: {  	_ =	shalt  }
0x75: {  	_ =	shalt  }
0x76: {  	_ =	shalt  }
0x77: {  	_ =	shalt  }
0x78: {  	_ =	shalt  }
0x79: {  	_ =	shalt  }
0x7a: {  	_ =	shalt  }
0x7b: {  	_ =	shalt  }
0x7c: {  	_ =	shalt  }
0x7d: {  	_ =	shalt  }
0x7e: {  	_ =	shalt  }
0x7f: {  	_ =	shalt  }
0x80: {  	_ =	shalt  }
0x81: {  	_ =	shalt  }
0x82: {  	_ =	shalt  }
0x83: {  	_ =	shalt  }
0x84: {  	_ =	shalt  }
0x85: {  	_ =	shalt  }
0x86: {  	_ =	shalt  }
0x87: {  	_ =	shalt  }
.Lfunc_end0:
.L_simem_size_0:
called_computation_lowered:
.L_overlay_start_0:
0x88: {  	s2 =	sld [smem:$0x3FD9]  }
0x89: {  	s3 =	sld [smem:$0x3FFE];
	_ =	sdelay $0x1  }
0x8a: {  	s1 =	srdreg.scid  }
0x8b: {  	s0 =	sand.u32 $0x1, s1  }
0x8c: {  	s17 =	sshll.u32 s0, $0xA;
	s2 =	sadd.s32 s3, s2  }
0x8d: {  	s2 =	sadd.s32 s2, s17  }
0x8e: {  	[smem:$0x3FC5] =	sst s2  }
0x8f: {  	_ = 	snop  }
0x90: {  	(tm) =	ssettm $0x1  }
0x91: {  	s18 =	sld [smem:$0x3FFB];
	_ =	sdelay $0x3  }
0x92: {  	_ =	strace s18  }
0x93: {  	s2 =	sld [smem:$0x3FFC];
	_ =	sdelay $0x3  }
0x94: {  	_ =	strace s2  }
0x95: {  	s2 =	sld [smem:$0x3FFD];
	_ =	sdelay $0x3  }
0x96: {  	_ =	strace s2  }
0x97: {  	_ =	strace $0x8FFFFFFF  }
0x98: {  	s19 =	sld [smem:$0x3FDB];
	_ =	sdelay $0x1  }
0x99: {  	s20 =	simm.s32 $_scs_section_size  }
0x9a: {  	s4 =	simm.s32 $_size__tile_overlayer_lowered;
	s5 =	simm.s32 $_tile_overlayer_lowered  }
0x9b: {  	s6 =	simm.s32 $0x1BFF;
	s21 =	sshll.u32 s5, $0x1;
	s3 =	sadd.s32 s20, s19  }
0x9c: {  	s22 =	simm.s32 $0x0;
	s4 =	sshll.u32 s4, $0x1;
	s5 =	sadd.s32 s21, s3  }
0x9d: {  	[timem:s22], [sflag:s6] =	dma.local [hbm:s5], s4  }
0x9e: {  	_ =	swait.ge [sflag:s6], s4  }
0x9f: {  	s4 =	ssub.s32 $0x0, s4;
	[sflag:s6] =	ssyncset.done $0x0  }
0xa0: {  	[sflag:s6] =	ssyncadd.s32 s4;
	_ =	sdelay $0x1  }
0xa1: {  	s23 =	simm.s32 $0x1B8B  }
0xa2: {  	_ =	swait.ge [sflag:s23], $0x1  }
0xa3: {  	[sflag:s23] =	ssyncset.done $0x0  }
0xa4: {  	[sflag:s23] =	ssyncadd.s32 $0xFFFFFFFF  }
0xa5: {  	s4 =	sld [smem:$0x0]  }
0xa6: {  	s5 =	sand.u32 $0xFFFFFFFE, s1  }
0xa7: {  	p0 =	sne.s32 s1, s5  }
0xa8: {  	s5 =	sshll.u32 @p0 s5, $0xE  }
0xa9: {  	s5 =	sadd.s32 @p0 $0x11B8D, s5;
	s6 =	sshll.u32 @p0 s4, $0x11  }
0xaa: {  	s5 =	sor.u32 @p0 s6, s5  }
0xab: {  	[sflag:s5] =	ssyncadd.remote.s32 @p0 $0x1;
	_ =	sdelay $0x1  }
0xac: {  	s5 =	simm.s32 @p0 $0x1B8D  }
0xad: {  	_ =	swait.eq @p0 [sflag:s5], $0x1  }
0xae: {  	[sflag:s5] =	ssyncadd.s32 @p0 $0xFFFFFFFF  }
0xaf: {  	s6 =	sshll.u32 @!p0 s1, $0xE  }
0xb0: {  	s6 =	sor.u32 @!p0 $0x4000, s6;
	s5 =	simm.s32 @!p0 $0x1B8D  }
0xb1: {  	s4 =	sshll.u32 @!p0 s4, $0x11;
	s6 =	sadd.s32 @!p0 $0x11B8D, s6;
	_ =	swait.eq @!p0 [sflag:s5], $0x1  }
0xb2: {  	s4 =	sor.u32 @!p0 s4, s6;
	[sflag:s5] =	ssyncadd.s32 @!p0 $0xFFFFFFFF  }
0xb3: {  	s25 =	simm.s32 $0x1B8E;
	s24 =	sld [smem:$0x3FFE];
	[sflag:s4] =	ssyncadd.remote.s32 @!p0 $0x1  }
0xb4: {  	s26 =	simm.s32 $execute0_lowered;
	[smem:$0x3FD2] =	sst s25  }
0xb5: {  	s5 =	sshll.u32 s26, $0x1;
	_ =	strace $0x8000004C;
	[dreg:$0x1] =	wrdreg $0xFFFFFFFF  }
0xb6: {  	s28 =	simm.s32 $_size_execute0_lowered;
	s3 =	sadd.s32 s3, s5;
	[dreg:$0x0] =	wrdreg $0x0  }
0xb7: {  	s5 =	sshll.u32 s28, $0x1;
	[dreg:$0x2] =	wrdreg s3  }
0xb8: {  	[dreg:$0x3] =	wrdreg s5  }
0xb9: {  	[dreg:$0x4] =	wrdreg $0xC0  }
0xba: {  	_ =	task [dreg:s22], $0x5FFFF  }
0xbb: {  	[dreg:$0x1] =	wrdreg $0xFFFFFFFF  }
0xbc: {  	[dreg:$0x0] =	wrdreg $0x60  }
0xbd: {  	[dreg:$0x2] =	wrdreg s24  }
0xbe: {  	[dreg:$0x3] =	wrdreg $0xA  }
0xbf: {  	_ =	task.clear_ibuf [dreg:s22], $0x4FFFF;
	_ =	strace $0x9000004C  }
0xc0: {  	s29 =	simm.s32 $0xA;
	_ =	strace $0x8000004E  }
0xc1: {  	_ =	swait.ge [sflag:s29], $0x1  }
0xc2: {  	[sflag:s29] =	ssyncadd.s32 $0xFFFFFFFF  }
0xc3: {  	_ =	strace $0x9000004E  }
0xc4: {  	_ =	sfence  }
0xc5: {  	s30 =	sld [smem:$0x0];
	_ =	sdelay $0x2  }
0xc6: {  	s31 =	sshll.u32 s1, $0xD;
	s1 =	sshrl.u32 s1, $0x2  }
0xc7: {  	s4 =	sand.u32 $0x4000, s31;
	s1 =	sadd.s32 s1, s30  }
0xc8: {  	s0 =	sor.u32 s4, s0;
	s1 =	sshll.u32 s1, $0x11  }
0xc9: {  	s0 =	sor.u32 s1, s0  }
0xca: {  	s0 =	sadd.s32 $0x8F2B, s0  }
0xcb: {  	[sflag:s0] =	ssyncadd.remote.s32 $0x1  }
0xcc: {  	_ =	sfence.sel $0xFFFF  }
0xcd: {  	[dreg:$0x0] =	wrdreg $0xFFFFFFFF;
	(pc) =	sbr.abs _section_cstart, $3  }
0xce: {  	[dreg:$0x1] =	wrdreg $0xFFFFFFFF  }
0xcf: {  	_ =	task.clear_ibuf [dreg:s22], $0x2FFFF;
	_ =	strace $0x9FFFFFFF  }
0xd0: {  	(tm) =	ssettm $0x7FFFFFFF  }
0xd1: {  	_ =	shalt  }
tec
execute0_lowered:
.L_overlay_start_1:
0x0: {  	(tag) =	ssettag $0x1  }
0x1: {  	s8 =	rddreg [dreg:$0x0]  }
0x2: {  	s0 =	rddreg [dreg:$0x1];
	_ =	strace $0x8000004D;
	s1 =	stileid.u32  }
0x3: {  	s3 =	srdreg.scid;
	s4 =	simm.s32 $0x1;
	s7 =	simm.s32 $0x1  }
0x4: {  	s9 =	simm.s32 $0x1;
	s10 =	simm.s32 $0x3;
	s13 =	simm.s32 $0x0  }
0x5: {  	s12 =	simm.s32 $0x0;
	s5 =	sand.u32 $0x1, s3;
	s6 =	sshll.u32 s1, $0x1  }
0x6: {  	s2 =	sadd.s32 $0xA00, s8;
	s3 =	sadd.s32 $0x1BA00, s8;
	s5 =	sor.u32 s6, s5  }
.Ltmp0:
0x7: {  	[sflag:s4] =	ssyncpa.u1 $0x0;
	p0 =	slt.u32 s5, $0x9;
	(pc) =	sbr.rel .LBB2_1-.Ltmp0, $4  }
0x8: {  	s6 =	simm.s32 $0x2;
	s7 =	simm.s32 @!p0 $0x0;
	p0 =	sne.s32 s5, $0x8  }
0x9: {  	[sflag:s6] =	ssyncpa.u1 $0x0;
	s5 =	smul.u32 $0xFA0, s5;
	s9 =	simm.s32 @!p0 $0x0  }
0xa: {  	s8 =	sadd.s32 $0x25A00, s8;
	[sflag:s10] =	ssyncpa.u1 $0x0;
	s7 =	sadd.s32 s9, s7  }
0xb: {  	vm0 =	vmmov $0xffff;
	s10 =	simm.s32 $0x0;
	s11 =	smov.u32 s5;
	s9 =	sadd.s32 $0x1, s7  }
.LBB2_4:
0xc: {  	v2 =	vnsel vm1, $0x0, v2  }
0xd: {  	vm1 =	vgt.s32 v0, $0x0;
	v2 =	vmin.u32 v2, $0x270FF  }
0xe: {  	v0 =	vnsel vm1, $0x0, v0  }
0xf: {  	v0 =	vmin.u32 v0, $0x270FF  }
0x10: {  	[tilespmem:s18], [sflag:$0x1] =	stream.indirect_vreg.gather [hbm4b:s2+s10], $0x1, v1, vm0, $0x4038;
	[tilespmem:$0x3E80] =	vst v63  }
0x11: {  	(ifvalue) =	ssetifvalue $0x7FFFFFFF  }
0x12: {  	[tilespmem:s15], [sflag:$0x1] =	stream.indirect_vreg.gather [hbm4b:s2+s10], $0x1, v2, vm0, $0x4038;
	[tilespmem:$0x3E80] =	vst v63  }
0x13: {  	s29 =	sadd.s32 $0x10, s15;
	(ifvalue) =	ssetifvalue $0x7FFFFFFF  }
0x14: {  	[tilespmem:s29], [sflag:$0x1] =	stream.indirect_vreg.gather [hbm4b:s2+s10], $0x1, v0, vm0, $0x4038;
	[tilespmem:$0x3E80] =	vst v63  }
0x15: {  	_ =	swait.ge [sflag:s4], $0xFA0  }
0x16: {  	s30 =	sshrl.u32 s13, $0x3;
	[sflag:s4] =	ssyncset.done $0x0  }
0x17: {  	s31 =	sand.u32 $0x7, s13;
	s15 =	sadd.s32 s8, s30;
	[sflag:s4] =	ssyncadd.s32 $0xFFFFF060  }
0x18: {  	[hbm4b:s15+s31] =	stream.linear.scatter [tilespmem:s14], [sflag:$0x3], $0xFA0, $0x38;
	[tilespmem:$0x3E80] =	vst v63  }
.LBB2_5:
0x19: {  	s15 =	sadd.s32 $0x1F400, s11  }
0x1a: {  	p1 =	sgt.s32 s15, $0x270FF  }
0x1b: {  	s15 =	smov.u32 @p1 s5;
	p1 =	sne.s32 s12, s9  }
.Ltmp1:
0x1c: {  	p0 =	slt.u32 s12, $0x2;
	(pc) =	sbr.rel @!p1 .LBB2_6-.Ltmp1, $4  }
0x1d: {  	s14 =	simm.s32 @!p0 $0x3  }
0x1e: {  	_ =	swait.ge @!p0 [sflag:s14], $0xFA0  }
0x1f: {  	s16 =	sadd.s32 $0x1, s12;
	s13 =	smov.u32 s11;
	[sflag:s14] =	ssyncset.done @!p0 $0x0  }
0x20: {  	s12 =	smov.u32 s16;
	s11 =	smov.u32 s15;
	[sflag:s14] =	ssyncadd.s32 @!p0 $0xFFFFF060  }
.LBB2_1:
0x21: {  	p0 =	sge.u32 s12, s7  }
0x22: {  	s14 =	sxor.u32 @!p0 $0x1, s12  }
0x23: {  	s14 =	smul.u32 @!p0 $0x3E80, s14  }
0x24: {  	s31 =	sadd.s32 $0xFFFFFFFF, s12;
	s15 =	sshrl.u32 @!p0 s11, $0x3  }
0x25: {  	s16 =	sand.u32 @!p0 $0x7, s11;
	s15 =	sadd.s32 @!p0 s3, s15;
	s14 =	sshra.s32 @!p0 s14, $0x2  }
0x26: {  	[tilespmem:s14], [sflag:$0x2] =	stream.linear.gather @!p0 [hbm4b:s15+s16], $0xFA0, $0x38;
	[tilespmem:$0x3E80] =	vst v63  }
0x27: {  	p0 =	sge.u32 s31, s7  }
.Ltmp2:
0x28: {  	_ = 	snop;
	(pc) =	sbr.rel @p0 .LBB2_5-.Ltmp2, $1  }
0x29: {  	_ =	sdelay $0x3  }
0x2a: {  	s14 =	sand.u32 $0x1, s12  }
0x2b: {  	_ =	swait.ge [sflag:s6], $0xFA0;
	p0 =	seq.s32 s14, $0x1;
	s14 =	simm.s32 $0xFA0  }
0x2c: {  	[sflag:s6] =	ssyncset.done $0x0;
	s14 =	simm.s32 @!p0 $0x0  }
0x2d: {  	[sflag:s6] =	ssyncadd.s32 $0xFFFFF060;
	(ifvalue) =	ssetifvalue $0x7FFFFFFF;
	v0 =	vld.msk [tilespmem:s14+$0x0 ss:$0x1], $0xffff;
	_ =	sdelay $0x4  }
0x2e: {  	s15 =	sadd.s32 $0x10, s14;
	vm1 =	vgt.s32 v0, $0x0  }
0x2f: {  	v2 =	vld.msk [tilespmem:s15+$0x0 ss:$0x1], $0xffff;
	v1 =	vnsel vm1, $0x0, v0  }
0x30: {  	v1 =	vmin.u32 v1, $0x270FF;
	_ =	sdelay $0x2  }
0x31: {  	s17 =	simm.s32 $0x20;
	s14 =	sadd.s32 $0x1F40, s14;
	s16 =	sadd.s32 $0x10, s15  }
0x32: {  	s15 =	sadd.s32 $0x10, s14;
	s18 =	smov.u32 s14;
	v0 =	vld.msk [tilespmem:s16+$0x0 ss:$0x1], $0xffff;
	vm1 =	vgt.s32 v2, $0x0;
	(ifvalue) =	ssetifvalue $0x7FFFFFFF  }
.LBB2_3:
0x33: {  	[tilespmem:s18], [sflag:$0x1] =	stream.indirect_vreg.gather [hbm4b:s2+s10], $0x1, v1, vm0, $0x4038;
	[tilespmem:$0x3E80] =	vst v63  }
0x34: {  	s17 =	sadd.s32 $0x10, s17  }
0x35: {  	v2 =	vnsel vm1, $0x0, v2;
	p0 =	slt.u32 s17, $0xF90  }
.Ltmp3:
0x36: {  	s18 =	smov.u32 s15;
	v1 =	vmin.u32 v2, $0x270FF;
	(pc) =	sbr.rel @p0 .LBB2_3-.Ltmp3, $3  }
0x37: {  	_ =	sdelay $0x1  }
0x38: {  	s16 =	sadd.s32 $0x10, s16  }
0x39: {  	vm1 =	vgt.s32 v0, $0x0;
	s15 =	sadd.s32 $0x10, s15;
	v2 =	vmov v0;
	(ifvalue) =	ssetifvalue $0x7FFFFFFF;
	v0 =	vld.msk [tilespmem:s16+$0x0 ss:$0x1], $0xffff  }
.Ltmp4:
0x3a: {  	_ = 	snop;
	(pc) =	sbr.rel .LBB2_4-.Ltmp4, $1  }
0x3b: {  	_ =	sdelay $0x3  }
.LBB2_6:
0x3c: {  	_ =	sfence.sel $0x180000  }
0x3d: {  	s2 =	simm.s32 $0x2;
	[bflag:$0x0] =	sbarrier.arrive $0xFFFF  }
0x3e: {  	s30 =	simm.s32 $0x3;
	[sflag:s2] =	ssyncpa.u1 $0x1  }
0x3f: {  	s31 =	simm.s32 $0x1;
	[sflag:s30] =	ssyncpa.u1 $0x1  }
0x40: {  	[sflag:s31] =	ssyncpa.u1 $0x1  }
0x41: {  	p0 =	sne.s32 s1, $0x0;
	_ =	strace $0x9000004D  }
0x42: {  	s0 =	sadd.s32 @!p0 $0x100000, s0;
	[bflag:$0x2] =	sbarrier.arrive $0xFFFF  }
0x43: {  	[sflag:s0] =	ssyncadd.tile.s32 @!p0 $0x1;
	_ =	shalt  }
.Lfunc_end2:
_tile_overlayer_lowered:
.L_overlay_start_2:
0x44: {  	(tag) =	ssettag $0x2  }
0x45: {  	s0 =	rddreg [dreg:$0x0];
	s2 =	stileid.u32  }
0x46: {  	s1 =	rddreg [dreg:$0x1];
	p0 =	sne.s32 s2, $0x0  }
0x47: {  	s3 =	rddreg [dreg:$0x2];
	[bflag:$0x3] =	sbarrier.arrive $0xFFFF;
	s2 =	simm.s32 @!p0 $0x1C01  }
0x48: {  	[timem:s3], [sflag:s2] =	dma.local @!p0 [hbm:s0], s1  }
0x49: {  	s0 =	simm.s32 @!p0 $0x1  }
0x4a: {  	_ =	swait.ge @!p0 [sflag:s0], s1  }
0x4b: {  	s1 =	ssub.s32 @!p0 $0x0, s1;
	[sflag:s0] =	ssyncset.done @!p0 $0x0  }
0x4c: {  	[sflag:s0] =	ssyncadd.s32 @!p0 s1  }
0x4d: {  	[bflag:$0x3] =	sbarrier.arrive $0xFFFF  }
0x4e: {  	_ =	shalt  }

// kernel: kernel.11.cloned.1.call-start
scs
__scs_entry_jumppad:
0x0: {  	(pc) =	sbr.rel $0x88, $3  }
0x1: {  	(tag) =	ssettag $0x0;
	lr =	simm.s32 $0x1  }
0x2: {  	[smem:$0x3F9E] =	sst lr;
	_ =	strace $0xD0000000  }
0x3: {  	_ = 	snop  }
0x4: {  	_ = 	snop  }
0x5: {  	_ = 	snop  }
0x6: {  	_ = 	snop  }
0x7: {  	_ = 	snop  }
__scs_overlays_trampoline_lowered:
0x8: {  	[smem:$0x3FAD] =	sst s0  }
0x9: {  	[smem:$0x3FAE] =	sst s1  }
0xa: {  	[smem:$0x3FAF] =	sst s2  }
0xb: {  	[smem:$0x3FB0] =	sst s3  }
0xc: {  	[smem:$0x3FB1] =	sst s4  }
0xd: {  	[smem:$0x3FB2] =	sst s5  }
0xe: {  	[smem:$0x3FB3] =	sst s6  }
0xf: {  	[smem:$0x3FB4] =	sst s7  }
0x10: {  	[smem:$0x3FB5] =	sst s8  }
0x11: {  	[smem:$0x3FB6] =	sst s9;
	s0 =	simm.s32 @!p0 $0x0  }
0x12: {  	s1 =	sld [smem:$0x3F9C];
	s0 =	simm.s32 @p0 $0x1  }
0x13: {  	[smem:$0x3FB7] =	sst s0;
	s0 =	simm.s32 @!p1 $0x0  }
0x14: {  	s2 =	sld [smem:$0x3F9B];
	s0 =	simm.s32 @p1 $0x1  }
0x15: {  	[smem:$0x3FB8] =	sst s0;
	s0 =	simm.s32 @!p2 $0x0  }
0x16: {  	s3 =	sld [smem:$0x3FDB];
	s0 =	simm.s32 @p2 $0x1  }
0x17: {  	s4 =	simm.s32 $0x1BF5;
	[smem:$0x3FBA] =	sst s0  }
0x18: {  	s0 =	sld [smem:$0x3F9D];
	_ =	swait.ge [sflag:s4], $0x0  }
0x19: {  	s7 =	sld [smem:$0x3F9E]  }
0x1a: {  	s8 =	sadd.s32 $0xFFFFE003, lr  }
0x1b: {  	s9 =	sadd.s32 $0xFFFFFEF7, lr;
	s5 =	simm.s32 $0xFFFFFFFF;
	p2 =	slt.u32 s8, $0xFFFFF086  }
0x1c: {  	p1 =	slt.u32 s9, $0xF7A;
	s5 =	simm.s32 @!p2 $0x0  }
0x1d: {  	s5 =	simm.s32 @p1 $0x1;
	p0 =	seq.s32 s7, s2  }
0x1e: {  	s7 =	smul.u32 @!p0 $0xF7A, s2;
	p2 =	seq.s32 @!p0 s5, $0x0  }
0x1f: {  	s9 =	smul.u32 $0xF7A, s1;
	s8 =	simm.s32 @!p0 $0x1BF5;
	p2 =	por !p2, p0  }
0x20: {  	[sflag:s8] =	ssyncset.s32 @!p0 $0xFFFFF086;
	s6 =	sadd.s32 @!p0 s3, s7;
	s7 =	simm.s32 @!p0 $0x108  }
0x21: {  	s3 =	sadd.s32 s3, s9;
	s6 =	sadd.s32 @!p0 $0x88, s6;
	s7 =	simm.s32 @p2 $0x1082  }
0x22: {  	[simem:s7], [sflag:s8] =	dma.local @!p0 [hbm:s6], $0xF7A  }
0x23: {  	s9 =	sor.u32 $0xD0000000, s2;
	s6 =	simm.s32 $0x108;
	_ =	swait.ge @!p0 [sflag:s8], $0x0  }
0x24: {  	s3 =	sadd.s32 $0x88, s3;
	s6 =	simm.s32 @!p1 $0x1082;
	[sflag:s4] =	ssyncset.s32 $0xFFFFF086  }
0x25: {  	[simem:s6], [sflag:s4] =	dma.local [hbm:s3], $0xF7A  }
0x26: {  	[smem:$0x3F9E] =	sst s1;
	(tag) =	ssettag s2;
	_ =	strace s9  }
0x27: {  	s1 =	sld [smem:$0x3FAE]  }
0x28: {  	s2 =	sld [smem:$0x3FAF]  }
0x29: {  	s4 =	sld [smem:$0x3FB1]  }
0x2a: {  	p0 =	seq.s32 s5, $0x0;
	s5 =	sld [smem:$0x3FB2]  }
0x2b: {  	s6 =	sld [smem:$0x3FB3]  }
0x2c: {  	s7 =	sld [smem:$0x3FB4]  }
0x2d: {  	s3 =	simm.s32 $0x108;
	s8 =	sld [smem:$0x3FB5]  }
0x2e: {  	s3 =	simm.s32 @!p0 $0x1082;
	s9 =	sld [smem:$0x3FB6]  }
0x2f: {  	lr =	sadd.s32 s0, s3;
	s0 =	sld [smem:$0x3FAD]  }
0x30: {  	s3 =	sld [smem:$0x3FB0]  }
0x31: {  	[smem:$0x3FB9] =	sst s10  }
0x32: {  	s10 =	sld [smem:$0x3FB7];
	_ =	sdelay $0x3  }
0x33: {  	p0 =	seq.s32 s10, $0x1;
	s10 =	sld [smem:$0x3FB9];
	_ =	sdelay $0x3  }
0x34: {  	[smem:$0x3FB9] =	sst s10  }
0x35: {  	s10 =	sld [smem:$0x3FB8];
	_ =	sdelay $0x3  }
0x36: {  	p1 =	seq.s32 s10, $0x1;
	s10 =	sld [smem:$0x3FB9];
	_ =	sdelay $0x3  }
0x37: {  	[smem:$0x3FB9] =	sst s10  }
0x38: {  	s10 =	sld [smem:$0x3FBA]  }
0x39: {  	_ = 	snop;
	(pc) =	sbr.ind lr, $3  }
0x3a: {  	_ = 	snop  }
0x3b: {  	_ = 	snop  }
0x3c: {  	p2 =	seq.s32 s10, $0x1;
	s10 =	sld [smem:$0x3FB9]  }
0x3d: {  	_ =	shalt  }
0x3e: {  	_ =	shalt  }
0x3f: {  	_ =	shalt  }
0x40: {  	_ =	shalt  }
0x41: {  	_ =	shalt  }
0x42: {  	_ =	shalt  }
0x43: {  	_ =	shalt  }
0x44: {  	_ =	shalt  }
0x45: {  	_ =	shalt  }
0x46: {  	_ =	shalt  }
0x47: {  	_ =	shalt  }
0x48: {  	_ =	shalt  }
0x49: {  	_ =	shalt  }
0x4a: {  	_ =	shalt  }
0x4b: {  	_ =	shalt  }
0x4c: {  	_ =	shalt  }
0x4d: {  	_ =	shalt  }
0x4e: {  	_ =	shalt  }
0x4f: {  	_ =	shalt  }
0x50: {  	_ =	shalt  }
0x51: {  	_ =	shalt  }
0x52: {  	_ =	shalt  }
0x53: {  	_ =	shalt  }
0x54: {  	_ =	shalt  }
0x55: {  	_ =	shalt  }
0x56: {  	_ =	shalt  }
0x57: {  	_ =	shalt  }
0x58: {  	_ =	shalt  }
0x59: {  	_ =	shalt  }
0x5a: {  	_ =	shalt  }
0x5b: {  	_ =	shalt  }
0x5c: {  	_ =	shalt  }
0x5d: {  	_ =	shalt  }
0x5e: {  	_ =	shalt  }
0x5f: {  	_ =	shalt  }
0x60: {  	_ =	shalt  }
0x61: {  	_ =	shalt  }
0x62: {  	_ =	shalt  }
0x63: {  	_ =	shalt  }
0x64: {  	_ =	shalt  }
0x65: {  	_ =	shalt  }
0x66: {  	_ =	shalt  }
0x67: {  	_ =	shalt  }
0x68: {  	_ =	shalt  }
0x69: {  	_ =	shalt  }
0x6a: {  	_ =	shalt  }
0x6b: {  	_ =	shalt  }
0x6c: {  	_ =	shalt  }
0x6d: {  	_ =	shalt  }
0x6e: {  	_ =	shalt  }
0x6f: {  	_ =	shalt  }
0x70: {  	_ =	shalt  }
0x71: {  	_ =	shalt  }
0x72: {  	_ =	shalt  }
0x73: {  	_ =	shalt  }
0x74: {  	_ =	shalt  }
0x75: {  	_ =	shalt  }
0x76: {  	_ =	shalt  }
0x77: {  	_ =	shalt  }
0x78: {  	_ =	shalt  }
0x79: {  	_ =	shalt  }
0x7a: {  	_ =	shalt  }
0x7b: {  	_ =	shalt  }
0x7c: {  	_ =	shalt  }
0x7d: {  	_ =	shalt  }
0x7e: {  	_ =	shalt  }
0x7f: {  	_ =	shalt  }
0x80: {  	_ =	shalt  }
0x81: {  	_ =	shalt  }
0x82: {  	_ =	shalt  }
0x83: {  	_ =	shalt  }
0x84: {  	_ =	shalt  }
0x85: {  	_ =	shalt  }
0x86: {  	_ =	shalt  }
0x87: {  	_ =	shalt  }
.Lfunc_end0:
.L_simem_size_0:
called_computation.5_lowered:
.L_overlay_start_0:
0x88: {  	s2 =	sld [smem:$0x3FD9]  }
0x89: {  	s3 =	sld [smem:$0x3FFE];
	_ =	sdelay $0x1  }
0x8a: {  	s1 =	srdreg.scid  }
0x8b: {  	s0 =	sand.u32 $0x1, s1  }
0x8c: {  	s14 =	sshll.u32 s0, $0xA;
	s2 =	sadd.s32 s3, s2  }
0x8d: {  	s2 =	sadd.s32 s2, s14  }
0x8e: {  	[smem:$0x3FC5] =	sst s2  }
0x8f: {  	_ = 	snop  }
0x90: {  	s2 =	sld [smem:$0x3FD0];
	_ =	sdelay $0x2  }
0x91: {  	s15 =	simm.s32 $0xC;
	s4 =	simm.s32 $0x10  }
0x92: {  	[smem:s4], [sflag:s15] =	dma.local [hbm:s2], $0x1  }
0x93: {  	_ =	swait.eq [sflag:s15], $0x1  }
0x94: {  	[sflag:s15] =	ssyncset.done $0x0  }
0x95: {  	[sflag:s15] =	ssyncadd.s32 $0xFFFFFFFF  }
0x96: {  	s16 =	sld [smem:$0x11];
	(tm) =	ssettm $0x1  }
0x97: {  	s17 =	sld [smem:$0x3FFB];
	_ =	sdelay $0x3  }
0x98: {  	_ =	strace s17  }
0x99: {  	s3 =	sld [smem:$0x3FFC];
	_ =	sdelay $0x3  }
0x9a: {  	_ =	strace s3  }
0x9b: {  	s3 =	sld [smem:$0x3FFD];
	_ =	sdelay $0x3  }
0x9c: {  	_ =	strace s3  }
0x9d: {  	_ =	strace $0x8FFFFFFF  }
0x9e: {  	s18 =	sld [smem:$0x3FDB];
	_ =	sdelay $0x1  }
0x9f: {  	s19 =	simm.s32 $_scs_section_size  }
0xa0: {  	s5 =	simm.s32 $_size__tile_overlayer_lowered;
	s6 =	simm.s32 $_tile_overlayer_lowered  }
0xa1: {  	s22 =	simm.s32 $0x1BFF;
	s21 =	sshll.u32 s6, $0x1;
	s3 =	sadd.s32 s19, s18  }
0xa2: {  	s7 =	simm.s32 $0x0;
	s20 =	sshll.u32 s5, $0x1;
	s5 =	sadd.s32 s21, s3  }
0xa3: {  	[timem:s7], [sflag:s22] =	dma.local [hbm:s5], s20  }
0xa4: {  	_ =	swait.ge [sflag:s22], s20  }
0xa5: {  	s4 =	ssub.s32 $0x0, s20;
	[sflag:s22] =	ssyncset.done $0x0  }
0xa6: {  	[sflag:s22] =	ssyncadd.s32 s4;
	_ =	sdelay $0x1  }
0xa7: {  	s23 =	simm.s32 $0x1B8B  }
0xa8: {  	_ =	swait.ge [sflag:s23], $0x1  }
0xa9: {  	[sflag:s23] =	ssyncset.done $0x0  }
0xaa: {  	s25 =	simm.s32 $0x1B8E;
	s24 =	sld [smem:$0x3FFE];
	[sflag:s23] =	ssyncadd.s32 $0xFFFFFFFF  }
0xab: {  	s26 =	simm.s32 $execute0_lowered;
	[smem:$0x3FD2] =	sst s25  }
0xac: {  	s5 =	sshll.u32 s26, $0x1;
	_ =	strace $0x80000055;
	[dreg:$0x1] =	wrdreg $0xFFFFFFFF  }
0xad: {  	s28 =	simm.s32 $_size_execute0_lowered;
	s3 =	sadd.s32 s3, s5;
	[dreg:$0x0] =	wrdreg $0x0  }
0xae: {  	s5 =	sshll.u32 s28, $0x1;
	[dreg:$0x2] =	wrdreg s3  }
0xaf: {  	[dreg:$0x3] =	wrdreg s5  }
0xb0: {  	[dreg:$0x4] =	wrdreg $0xC0  }
0xb1: {  	_ =	task [dreg:s7], $0x5FFFF  }
0xb2: {  	[dreg:$0x1] =	wrdreg $0xFFFFFFFF  }
0xb3: {  	[dreg:$0x0] =	wrdreg $0x60  }
0xb4: {  	[dreg:$0x2] =	wrdreg s16  }
0xb5: {  	[dreg:$0x3] =	wrdreg s24  }
0xb6: {  	[dreg:$0x4] =	wrdreg $0x9  }
0xb7: {  	_ =	task.clear_ibuf [dreg:s7], $0x5FFFF;
	_ =	strace $0x90000055  }
0xb8: {  	s29 =	simm.s32 $0x9;
	_ =	strace $0x80000057  }
0xb9: {  	_ =	swait.ge [sflag:s29], $0x1  }
0xba: {  	[sflag:s29] =	ssyncadd.s32 $0xFFFFFFFF  }
0xbb: {  	_ =	strace $0x90000057  }
0xbc: {  	_ =	sfence  }
0xbd: {  	s30 =	sld [smem:$0x0];
	_ =	sdelay $0x2  }
0xbe: {  	s31 =	sshll.u32 s1, $0xD;
	s1 =	sshrl.u32 s1, $0x2  }
0xbf: {  	s3 =	sand.u32 $0x4000, s31;
	s1 =	sadd.s32 s1, s30  }
0xc0: {  	s0 =	sor.u32 s3, s0;
	s1 =	sshll.u32 s1, $0x11  }
0xc1: {  	s0 =	sor.u32 s1, s0  }
0xc2: {  	s0 =	sadd.s32 $0x8F2B, s0  }
0xc3: {  	[sflag:s0] =	ssyncadd.remote.s32 $0x1  }
0xc4: {  	_ =	sfence.sel $0xFFFF  }
0xc5: {  	[dreg:$0x0] =	wrdreg $0xFFFFFFFF;
	(pc) =	sbr.abs _section_cstart, $3  }
0xc6: {  	[dreg:$0x1] =	wrdreg $0xFFFFFFFF  }
0xc7: {  	_ =	task.clear_ibuf [dreg:s7], $0x2FFFF;
	_ =	strace $0x9FFFFFFF  }
0xc8: {  	(tm) =	ssettm $0x7FFFFFFF  }
0xc9: {  	_ =	shalt  }
tec
execute0_lowered:
.L_overlay_start_1:
0x0: {  	(tag) =	ssettag $0x1  }
0x1: {  	s1 =	rddreg [dreg:$0x0]  }
0x2: {  	s4 =	rddreg [dreg:$0x1]  }
0x3: {  	s0 =	rddreg [dreg:$0x2]  }
0x4: {  	s3 =	simm.s32 $0x0;
	s5 =	srdreg.scid;
	s2 =	stileid.u32  }
0x5: {  	[smem:$0x7FF] =	sst s3;
	s5 =	sand.u32 $0x1, s5;
	s6 =	sshll.u32 s2, $0x5  }
0x6: {  	s7 =	sshll.u32 s2, $0xC;
	_ =	strace $0x80000056;
	s8 =	ssub.s32 $0x2, s5  }
0x7: {  	s6 =	sadd.s32 s6, s4;
	s7 =	sadd.s32 s7, s4;
	s9 =	sshll.u32 s5, $0xB  }
0x8: {  	s5 =	sshll.u32 s5, $0x4;
	s4 =	sshll.u32 s2, $0x1;
	s30 =	sshrl.u32 s8, $0x1  }
0x9: {  	s7 =	sadd.s32 s9, s7;
	s31 =	sadd.s32 s5, s6;
	s8 =	ssub.s32 s8, s30  }
0xa: {  	s6 =	sadd.s32 $0x2AA00, s7;
	s7 =	sadd.s32 $0x25A00, s31;
	s5 =	smax.u32 s8, $0x1  }
.LBB2_1:
0xb: {  	s8 =	sadd.s32 $0x0, s4  }
0xc: {  	p0 =	sgt.u32 s8, $0x4E1  }
0xd: {  	s8 =	simm.s32 @!p0 $0x0;
	s9 =	simm.s32 @!p0 $0x3  }
0xe: {  	[tilespmem:s8], [sflag:$0x3] =	stream.linear.gather @!p0 [hbm4b:s7+s8], $0x80, $0x38;
	[tilespmem:$0x4080] =	vst v63  }
0xf: {  	_ =	swait.ge @!p0 [sflag:s9], $0x80  }
0x10: {  	[sflag:s9] =	ssyncset.done @!p0 $0x0;
	p0 =	por p0, p0  }
0x11: {  	[sflag:s9] =	ssyncadd.s32 @!p0 $0xFFFFFF80;
	s10 =	simm.s32 @!p0 $0x80;
	s11 =	simm.s32 @!p0 $0x1  }
0x12: {  	[tilespmem:s10], [sflag:$0x1] =	stream.indirect.gather @!p0 [hbm4b:s1+s10], $0x80, s8, s10, $0xb8;
	[tilespmem:$0x4080] =	vst v63  }
0x13: {  	_ =	swait.ge @!p0 [sflag:s11], $0x4000  }
0x14: {  	[sflag:s11] =	ssyncset.done @!p0 $0x0  }
0x15: {  	s31 =	sadd.s32 $0x20, s4;
	[sflag:s11] =	ssyncadd.s32 @!p0 $0xFFFFC000;
	s11 =	simm.s32 @!p0 $0x2  }
0x16: {  	[hbm4b:s6+s8] =	stream.linear.scatter @!p0 [tilespmem:s10], [sflag:$0x2], $0x4000, $0x38;
	[tilespmem:$0x4080] =	vst v63  }
0x17: {  	p1 =	sgt.u32 s31, $0x4E1;
	s9 =	simm.s32 $0x40;
	_ =	swait.ge @!p0 [sflag:s11], $0x4000  }
0x18: {  	s10 =	sadd.s32 $0x200, s7;
	s8 =	sadd.s32 $0x10000, s6;
	[sflag:s11] =	ssyncset.done @!p0 $0x0  }
.LBB2_2:
0x19: {  	s12 =	simm.s32 @!p1 $0x0;
	s13 =	simm.s32 @!p1 $0x3;
	[sflag:s11] =	ssyncadd.s32 @!p0 $0xFFFFC000  }
0x1a: {  	[tilespmem:s12], [sflag:$0x3] =	stream.linear.gather @!p1 [hbm4b:s10+s12], $0x80, $0x38;
	[tilespmem:$0x4080] =	vst v63  }
0x1b: {  	s14 =	smov.u32 s9;
	s9 =	sadd.s32 $0x20, s9;
	_ =	swait.ge @!p1 [sflag:s13], $0x80  }
0x1c: {  	p0 =	por p1, p1;
	p2 =	sne.s32 s9, $0x500;
	[sflag:s13] =	ssyncset.done @!p1 $0x0  }
0x1d: {  	s11 =	simm.s32 @!p0 $0x1;
	[sflag:s13] =	ssyncadd.s32 @!p0 $0xFFFFFF80;
	s13 =	simm.s32 @!p0 $0x80  }
0x1e: {  	[tilespmem:s13], [sflag:$0x1] =	stream.indirect.gather @!p0 [hbm4b:s1+s13], $0x80, s12, s13, $0xb8;
	[tilespmem:$0x4080] =	vst v63  }
0x1f: {  	_ =	swait.ge @!p0 [sflag:s11], $0x4000  }
.Ltmp0:
0x20: {  	[sflag:s11] =	ssyncset.done @!p0 $0x0;
	(pc) =	sbr.rel @p2 .LBB2_2-.Ltmp0, $4  }
0x21: {  	[sflag:s11] =	ssyncadd.s32 @!p0 $0xFFFFC000;
	s11 =	simm.s32 @!p0 $0x2  }
0x22: {  	[hbm4b:s8+s12] =	stream.linear.scatter @!p0 [tilespmem:s13], [sflag:$0x2], $0x4000, $0x38;
	[tilespmem:$0x4080] =	vst v63  }
0x23: {  	s10 =	sadd.s32 $0x200, s10;
	s12 =	sadd.s32 s14, s4;
	_ =	swait.ge @!p0 [sflag:s11], $0x4000  }
0x24: {  	s8 =	sadd.s32 $0x10000, s8;
	p1 =	sgt.u32 s12, $0x4E1;
	[sflag:s11] =	ssyncset.done @!p0 $0x0  }
0x25: {  	s9 =	simm.s32 @!p1 $0x0;
	s12 =	simm.s32 @!p1 $0x3;
	[sflag:s11] =	ssyncadd.s32 @!p0 $0xFFFFC000  }
0x26: {  	[tilespmem:s9], [sflag:$0x3] =	stream.linear.gather @!p1 [hbm4b:s10+s9], $0x80, $0x38;
	[tilespmem:$0x4080] =	vst v63  }
0x27: {  	_ =	swait.ge @!p1 [sflag:s12], $0x80  }
0x28: {  	p0 =	por p1, p1;
	[sflag:s12] =	ssyncset.done @!p1 $0x0  }
0x29: {  	s10 =	simm.s32 @!p0 $0x80;
	s11 =	simm.s32 @!p0 $0x1;
	[sflag:s12] =	ssyncadd.s32 @!p0 $0xFFFFFF80  }
0x2a: {  	[tilespmem:s10], [sflag:$0x1] =	stream.indirect.gather @!p0 [hbm4b:s1+s10], $0x80, s9, s10, $0xb8;
	[tilespmem:$0x4080] =	vst v63  }
0x2b: {  	s3 =	sadd.s32 $0x1, s3;
	_ =	swait.ge @!p0 [sflag:s11], $0x4000  }
0x2c: {  	p1 =	sne.s32 s3, s5;
	[sflag:s11] =	ssyncset.done @!p0 $0x0  }
.Ltmp1:
0x2d: {  	[sflag:s11] =	ssyncadd.s32 @!p0 $0xFFFFC000;
	s11 =	simm.s32 @!p0 $0x2;
	(pc) =	sbr.rel @p1 .LBB2_1-.Ltmp1, $4  }
0x2e: {  	[hbm4b:s8+s9] =	stream.linear.scatter @!p0 [tilespmem:s10], [sflag:$0x2], $0x4000, $0x38;
	[tilespmem:$0x4080] =	vst v63  }
0x2f: {  	_ =	swait.ge @!p0 [sflag:s11], $0x4000  }
0x30: {  	[sflag:s11] =	ssyncset.done @!p0 $0x0  }
0x31: {  	[sflag:s11] =	ssyncadd.s32 @!p0 $0xFFFFC000  }
0x32: {  	_ =	sfence.sel $0x180000  }
0x33: {  	[bflag:$0x0] =	sbarrier.arrive $0xFFFF  }
0x34: {  	p0 =	sne.s32 s2, $0x0;
	_ =	strace $0x90000056  }
0x35: {  	s0 =	sadd.s32 @!p0 $0x100000, s0;
	[bflag:$0x2] =	sbarrier.arrive $0xFFFF  }
0x36: {  	[sflag:s0] =	ssyncadd.tile.s32 @!p0 $0x1;
	_ =	shalt  }
.Lfunc_end2:
_tile_overlayer_lowered:
.L_overlay_start_2:
0x37: {  	(tag) =	ssettag $0x2  }
0x38: {  	s0 =	rddreg [dreg:$0x0];
	s2 =	stileid.u32  }
0x39: {  	s1 =	rddreg [dreg:$0x1];
	p0 =	sne.s32 s2, $0x0  }
0x3a: {  	s3 =	rddreg [dreg:$0x2];
	[bflag:$0x3] =	sbarrier.arrive $0xFFFF;
	s2 =	simm.s32 @!p0 $0x1C02  }
0x3b: {  	[timem:s3], [sflag:s2] =	dma.local @!p0 [hbm:s0], s1  }
0x3c: {  	s0 =	simm.s32 @!p0 $0x2  }
0x3d: {  	_ =	swait.ge @!p0 [sflag:s0], s1  }
0x3e: {  	s1 =	ssub.s32 @!p0 $0x0, s1;
	[sflag:s0] =	ssyncset.done @!p0 $0x0  }
0x3f: {  	[sflag:s0] =	ssyncadd.s32 @!p0 s1  }
0x40: {  	[bflag:$0x3] =	sbarrier.arrive $0xFFFF  }
0x41: {  	_ =	shalt  }

// kernel: kernel.8.cloned.1.call-start
scs
__scs_entry_jumppad:
0x0: {  	(pc) =	sbr.rel $0x88, $3  }
0x1: {  	(tag) =	ssettag $0x0;
	lr =	simm.s32 $0x1  }
0x2: {  	[smem:$0x3F9E] =	sst lr;
	_ =	strace $0xD0000000  }
0x3: {  	_ = 	snop  }
0x4: {  	_ = 	snop  }
0x5: {  	_ = 	snop  }
0x6: {  	_ = 	snop  }
0x7: {  	_ = 	snop  }
__scs_overlays_trampoline_lowered:
0x8: {  	[smem:$0x3FAD] =	sst s0  }
0x9: {  	[smem:$0x3FAE] =	sst s1  }
0xa: {  	[smem:$0x3FAF] =	sst s2  }
0xb: {  	[smem:$0x3FB0] =	sst s3  }
0xc: {  	[smem:$0x3FB1] =	sst s4  }
0xd: {  	[smem:$0x3FB2] =	sst s5  }
0xe: {  	[smem:$0x3FB3] =	sst s6  }
0xf: {  	[smem:$0x3FB4] =	sst s7  }
0x10: {  	[smem:$0x3FB5] =	sst s8  }
0x11: {  	[smem:$0x3FB6] =	sst s9;
	s0 =	simm.s32 @!p0 $0x0  }
0x12: {  	s1 =	sld [smem:$0x3F9C];
	s0 =	simm.s32 @p0 $0x1  }
0x13: {  	[smem:$0x3FB7] =	sst s0;
	s0 =	simm.s32 @!p1 $0x0  }
0x14: {  	s2 =	sld [smem:$0x3F9B];
	s0 =	simm.s32 @p1 $0x1  }
0x15: {  	[smem:$0x3FB8] =	sst s0;
	s0 =	simm.s32 @!p2 $0x0  }
0x16: {  	s3 =	sld [smem:$0x3FDB];
	s0 =	simm.s32 @p2 $0x1  }
0x17: {  	s4 =	simm.s32 $0x1BF5;
	[smem:$0x3FBA] =	sst s0  }
0x18: {  	s0 =	sld [smem:$0x3F9D];
	_ =	swait.ge [sflag:s4], $0x0  }
0x19: {  	s7 =	sld [smem:$0x3F9E]  }
0x1a: {  	s8 =	sadd.s32 $0xFFFFE003, lr  }
0x1b: {  	s9 =	sadd.s32 $0xFFFFFEF7, lr;
	s5 =	simm.s32 $0xFFFFFFFF;
	p2 =	slt.u32 s8, $0xFFFFF086  }
0x1c: {  	p1 =	slt.u32 s9, $0xF7A;
	s5 =	simm.s32 @!p2 $0x0  }
0x1d: {  	s5 =	simm.s32 @p1 $0x1;
	p0 =	seq.s32 s7, s2  }
0x1e: {  	s7 =	smul.u32 @!p0 $0xF7A, s2;
	p2 =	seq.s32 @!p0 s5, $0x0  }
0x1f: {  	s9 =	smul.u32 $0xF7A, s1;
	s8 =	simm.s32 @!p0 $0x1BF5;
	p2 =	por !p2, p0  }
0x20: {  	[sflag:s8] =	ssyncset.s32 @!p0 $0xFFFFF086;
	s6 =	sadd.s32 @!p0 s3, s7;
	s7 =	simm.s32 @!p0 $0x108  }
0x21: {  	s3 =	sadd.s32 s3, s9;
	s6 =	sadd.s32 @!p0 $0x88, s6;
	s7 =	simm.s32 @p2 $0x1082  }
0x22: {  	[simem:s7], [sflag:s8] =	dma.local @!p0 [hbm:s6], $0xF7A  }
0x23: {  	s9 =	sor.u32 $0xD0000000, s2;
	s6 =	simm.s32 $0x108;
	_ =	swait.ge @!p0 [sflag:s8], $0x0  }
0x24: {  	s3 =	sadd.s32 $0x88, s3;
	s6 =	simm.s32 @!p1 $0x1082;
	[sflag:s4] =	ssyncset.s32 $0xFFFFF086  }
0x25: {  	[simem:s6], [sflag:s4] =	dma.local [hbm:s3], $0xF7A  }
0x26: {  	[smem:$0x3F9E] =	sst s1;
	(tag) =	ssettag s2;
	_ =	strace s9  }
0x27: {  	s1 =	sld [smem:$0x3FAE]  }
0x28: {  	s2 =	sld [smem:$0x3FAF]  }
0x29: {  	s4 =	sld [smem:$0x3FB1]  }
0x2a: {  	p0 =	seq.s32 s5, $0x0;
	s5 =	sld [smem:$0x3FB2]  }
0x2b: {  	s6 =	sld [smem:$0x3FB3]  }
0x2c: {  	s7 =	sld [smem:$0x3FB4]  }
0x2d: {  	s3 =	simm.s32 $0x108;
	s8 =	sld [smem:$0x3FB5]  }
0x2e: {  	s3 =	simm.s32 @!p0 $0x1082;
	s9 =	sld [smem:$0x3FB6]  }
0x2f: {  	lr =	sadd.s32 s0, s3;
	s0 =	sld [smem:$0x3FAD]  }
0x30: {  	s3 =	sld [smem:$0x3FB0]  }
0x31: {  	[smem:$0x3FB9] =	sst s10  }
0x32: {  	s10 =	sld [smem:$0x3FB7];
	_ =	sdelay $0x3  }
0x33: {  	p0 =	seq.s32 s10, $0x1;
	s10 =	sld [smem:$0x3FB9];
	_ =	sdelay $0x3  }
0x34: {  	[smem:$0x3FB9] =	sst s10  }
0x35: {  	s10 =	sld [smem:$0x3FB8];
	_ =	sdelay $0x3  }
0x36: {  	p1 =	seq.s32 s10, $0x1;
	s10 =	sld [smem:$0x3FB9];
	_ =	sdelay $0x3  }
0x37: {  	[smem:$0x3FB9] =	sst s10  }
0x38: {  	s10 =	sld [smem:$0x3FBA]  }
0x39: {  	_ = 	snop;
	(pc) =	sbr.ind lr, $3  }
0x3a: {  	_ = 	snop  }
0x3b: {  	_ = 	snop  }
0x3c: {  	p2 =	seq.s32 s10, $0x1;
	s10 =	sld [smem:$0x3FB9]  }
0x3d: {  	_ =	shalt  }
0x3e: {  	_ =	shalt  }
0x3f: {  	_ =	shalt  }
0x40: {  	_ =	shalt  }
0x41: {  	_ =	shalt  }
0x42: {  	_ =	shalt  }
0x43: {  	_ =	shalt  }
0x44: {  	_ =	shalt  }
0x45: {  	_ =	shalt  }
0x46: {  	_ =	shalt  }
0x47: {  	_ =	shalt  }
0x48: {  	_ =	shalt  }
0x49: {  	_ =	shalt  }
0x4a: {  	_ =	shalt  }
0x4b: {  	_ =	shalt  }
0x4c: {  	_ =	shalt  }
0x4d: {  	_ =	shalt  }
0x4e: {  	_ =	shalt  }
0x4f: {  	_ =	shalt  }
0x50: {  	_ =	shalt  }
0x51: {  	_ =	shalt  }
0x52: {  	_ =	shalt  }
0x53: {  	_ =	shalt  }
0x54: {  	_ =	shalt  }
0x55: {  	_ =	shalt  }
0x56: {  	_ =	shalt  }
0x57: {  	_ =	shalt  }
0x58: {  	_ =	shalt  }
0x59: {  	_ =	shalt  }
0x5a: {  	_ =	shalt  }
0x5b: {  	_ =	shalt  }
0x5c: {  	_ =	shalt  }
0x5d: {  	_ =	shalt  }
0x5e: {  	_ =	shalt  }
0x5f: {  	_ =	shalt  }
0x60: {  	_ =	shalt  }
0x61: {  	_ =	shalt  }
0x62: {  	_ =	shalt  }
0x63: {  	_ =	shalt  }
0x64: {  	_ =	shalt  }
0x65: {  	_ =	shalt  }
0x66: {  	_ =	shalt  }
0x67: {  	_ =	shalt  }
0x68: {  	_ =	shalt  }
0x69: {  	_ =	shalt  }
0x6a: {  	_ =	shalt  }
0x6b: {  	_ =	shalt  }
0x6c: {  	_ =	shalt  }
0x6d: {  	_ =	shalt  }
0x6e: {  	_ =	shalt  }
0x6f: {  	_ =	shalt  }
0x70: {  	_ =	shalt  }
0x71: {  	_ =	shalt  }
0x72: {  	_ =	shalt  }
0x73: {  	_ =	shalt  }
0x74: {  	_ =	shalt  }
0x75: {  	_ =	shalt  }
0x76: {  	_ =	shalt  }
0x77: {  	_ =	shalt  }
0x78: {  	_ =	shalt  }
0x79: {  	_ =	shalt  }
0x7a: {  	_ =	shalt  }
0x7b: {  	_ =	shalt  }
0x7c: {  	_ =	shalt  }
0x7d: {  	_ =	shalt  }
0x7e: {  	_ =	shalt  }
0x7f: {  	_ =	shalt  }
0x80: {  	_ =	shalt  }
0x81: {  	_ =	shalt  }
0x82: {  	_ =	shalt  }
0x83: {  	_ =	shalt  }
0x84: {  	_ =	shalt  }
0x85: {  	_ =	shalt  }
0x86: {  	_ =	shalt  }
0x87: {  	_ =	shalt  }
.Lfunc_end0:
.L_simem_size_0:
called_computation.4_lowered:
.L_overlay_start_0:
0x88: {  	s2 =	sld [smem:$0x3FD9]  }
0x89: {  	s3 =	sld [smem:$0x3FFE];
	_ =	sdelay $0x1  }
0x8a: {  	s1 =	srdreg.scid  }
0x8b: {  	s0 =	sand.u32 $0x1, s1  }
0x8c: {  	s15 =	sshll.u32 s0, $0xA;
	s2 =	sadd.s32 s3, s2  }
0x8d: {  	s2 =	sadd.s32 s2, s15  }
0x8e: {  	[smem:$0x3FC5] =	sst s2  }
0x8f: {  	_ = 	snop  }
0x90: {  	s2 =	sld [smem:$0x3FD0];
	_ =	sdelay $0x2  }
0x91: {  	s16 =	simm.s32 $0xC;
	s4 =	simm.s32 $0x10  }
0x92: {  	[smem:s4], [sflag:s16] =	dma.local [hbm:s2], $0x1  }
0x93: {  	_ =	swait.eq [sflag:s16], $0x1  }
0x94: {  	[sflag:s16] =	ssyncset.done $0x0  }
0x95: {  	[sflag:s16] =	ssyncadd.s32 $0xFFFFFFFF  }
0x96: {  	s17 =	sld [smem:$0x10];
	(tm) =	ssettm $0x1  }
0x97: {  	s18 =	sld [smem:$0x3FFB];
	_ =	sdelay $0x3  }
0x98: {  	_ =	strace s18  }
0x99: {  	s2 =	sld [smem:$0x3FFC];
	_ =	sdelay $0x3  }
0x9a: {  	_ =	strace s2  }
0x9b: {  	s2 =	sld [smem:$0x3FFD];
	_ =	sdelay $0x3  }
0x9c: {  	_ =	strace s2  }
0x9d: {  	_ =	strace $0x8FFFFFFF  }
0x9e: {  	s19 =	sld [smem:$0x3FDB];
	_ =	sdelay $0x1  }
0x9f: {  	s20 =	simm.s32 $_scs_section_size  }
0xa0: {  	s5 =	simm.s32 $_size__tile_overlayer_lowered;
	s6 =	simm.s32 $_tile_overlayer_lowered  }
0xa1: {  	s7 =	simm.s32 $0x1BFF;
	s21 =	sshll.u32 s6, $0x1;
	s4 =	sadd.s32 s20, s19  }
0xa2: {  	s22 =	simm.s32 $0x0;
	s5 =	sshll.u32 s5, $0x1;
	s6 =	sadd.s32 s21, s4  }
0xa3: {  	[timem:s22], [sflag:s7] =	dma.local [hbm:s6], s5  }
0xa4: {  	_ =	swait.ge [sflag:s7], s5  }
0xa5: {  	s5 =	ssub.s32 $0x0, s5;
	[sflag:s7] =	ssyncset.done $0x0  }
0xa6: {  	[sflag:s7] =	ssyncadd.s32 s5;
	_ =	sdelay $0x1  }
0xa7: {  	s23 =	simm.s32 $0x1B8B  }
0xa8: {  	_ =	swait.ge [sflag:s23], $0x1  }
0xa9: {  	[sflag:s23] =	ssyncset.done $0x0  }
0xaa: {  	[sflag:s23] =	ssyncadd.s32 $0xFFFFFFFF  }
0xab: {  	s5 =	sld [smem:$0x0]  }
0xac: {  	s6 =	sand.u32 $0xFFFFFFFE, s1  }
0xad: {  	p0 =	sne.s32 s1, s6  }
0xae: {  	s6 =	sshll.u32 @p0 s6, $0xE  }
0xaf: {  	s6 =	sadd.s32 @p0 $0x11B8D, s6;
	s7 =	sshll.u32 @p0 s5, $0x11  }
0xb0: {  	s6 =	sor.u32 @p0 s7, s6  }
0xb1: {  	[sflag:s6] =	ssyncadd.remote.s32 @p0 $0x1;
	_ =	sdelay $0x1  }
0xb2: {  	s6 =	simm.s32 @p0 $0x1B8D  }
0xb3: {  	_ =	swait.eq @p0 [sflag:s6], $0x1  }
0xb4: {  	[sflag:s6] =	ssyncadd.s32 @p0 $0xFFFFFFFF  }
0xb5: {  	s7 =	sshll.u32 @!p0 s1, $0xE  }
0xb6: {  	s7 =	sor.u32 @!p0 $0x4000, s7;
	s6 =	simm.s32 @!p0 $0x1B8D  }
0xb7: {  	s5 =	sshll.u32 @!p0 s5, $0x11;
	s7 =	sadd.s32 @!p0 $0x11B8D, s7;
	_ =	swait.eq @!p0 [sflag:s6], $0x1  }
0xb8: {  	s5 =	sor.u32 @!p0 s5, s7;
	[sflag:s6] =	ssyncadd.s32 @!p0 $0xFFFFFFFF  }
0xb9: {  	s25 =	simm.s32 $0x1B8E;
	s24 =	sld [smem:$0x3FFE];
	[sflag:s5] =	ssyncadd.remote.s32 @!p0 $0x1  }
0xba: {  	s26 =	simm.s32 $execute0_lowered;
	[smem:$0x3FD2] =	sst s25  }
0xbb: {  	s6 =	sshll.u32 s26, $0x1;
	_ =	strace $0x8000004F;
	[dreg:$0x1] =	wrdreg $0xFFFFFFFF  }
0xbc: {  	s28 =	simm.s32 $_size_execute0_lowered;
	s4 =	sadd.s32 s4, s6;
	[dreg:$0x0] =	wrdreg $0x0  }
0xbd: {  	s6 =	sshll.u32 s28, $0x1;
	[dreg:$0x2] =	wrdreg s4  }
0xbe: {  	[dreg:$0x3] =	wrdreg s6  }
0xbf: {  	[dreg:$0x4] =	wrdreg $0xC0  }
0xc0: {  	_ =	task [dreg:s22], $0x5FFFF  }
0xc1: {  	[dreg:$0x1] =	wrdreg $0xFFFFFFFF  }
0xc2: {  	[dreg:$0x0] =	wrdreg $0x60  }
0xc3: {  	[dreg:$0x2] =	wrdreg s17  }
0xc4: {  	[dreg:$0x3] =	wrdreg s24  }
0xc5: {  	[dreg:$0x4] =	wrdreg $0x9  }
0xc6: {  	_ =	task.clear_ibuf [dreg:s22], $0x5FFFF;
	_ =	strace $0x9000004F  }
0xc7: {  	s29 =	simm.s32 $0x9;
	_ =	strace $0x80000051  }
0xc8: {  	_ =	swait.ge [sflag:s29], $0x1  }
0xc9: {  	[sflag:s29] =	ssyncadd.s32 $0xFFFFFFFF  }
0xca: {  	_ =	strace $0x90000051  }
0xcb: {  	_ =	sfence  }
0xcc: {  	s30 =	sld [smem:$0x0];
	_ =	sdelay $0x2  }
0xcd: {  	s31 =	sshll.u32 s1, $0xD;
	s1 =	sshrl.u32 s1, $0x2  }
0xce: {  	s4 =	sand.u32 $0x4000, s31;
	s1 =	sadd.s32 s1, s30  }
0xcf: {  	s0 =	sor.u32 s4, s0;
	s1 =	sshll.u32 s1, $0x11  }
0xd0: {  	s0 =	sor.u32 s1, s0  }
0xd1: {  	s0 =	sadd.s32 $0x8F2B, s0  }
0xd2: {  	[sflag:s0] =	ssyncadd.remote.s32 $0x1  }
0xd3: {  	_ =	sfence.sel $0xFFFF  }
0xd4: {  	[dreg:$0x0] =	wrdreg $0xFFFFFFFF;
	(pc) =	sbr.abs _section_cstart, $3  }
0xd5: {  	[dreg:$0x1] =	wrdreg $0xFFFFFFFF  }
0xd6: {  	_ =	task.clear_ibuf [dreg:s22], $0x2FFFF;
	_ =	strace $0x9FFFFFFF  }
0xd7: {  	(tm) =	ssettm $0x7FFFFFFF  }
tec
execute0_lowered:
.L_overlay_start_1:
0x0: {  	(tag) =	ssettag $0x1  }
0x1: {  	s1 =	rddreg [dreg:$0x0]  }
0x2: {  	s4 =	rddreg [dreg:$0x1]  }
0x3: {  	s0 =	rddreg [dreg:$0x2]  }
0x4: {  	s3 =	simm.s32 $0x0;
	s5 =	srdreg.scid;
	s2 =	stileid.u32  }
0x5: {  	[smem:$0x7FF] =	sst s3;
	s5 =	sand.u32 $0x1, s5;
	s6 =	sshll.u32 s2, $0x5  }
0x6: {  	s7 =	sshll.u32 s2, $0xC;
	_ =	strace $0x80000050;
	s8 =	ssub.s32 $0x2, s5  }
0x7: {  	s6 =	sadd.s32 s6, s4;
	s7 =	sadd.s32 s7, s4;
	s9 =	sshll.u32 s5, $0xB  }
0x8: {  	s5 =	sshll.u32 s5, $0x4;
	s4 =	sshll.u32 s2, $0x1;
	s30 =	sshrl.u32 s8, $0x1  }
0x9: {  	s7 =	sadd.s32 s9, s7;
	s31 =	sadd.s32 s5, s6;
	s8 =	ssub.s32 s8, s30  }
0xa: {  	s6 =	sadd.s32 $0x2FA00, s7;
	s7 =	sadd.s32 $0x2AA00, s31;
	s5 =	smax.u32 s8, $0x1  }
.LBB2_1:
0xb: {  	s8 =	sadd.s32 $0x0, s4  }
0xc: {  	p0 =	sgt.u32 s8, $0x4E1  }
0xd: {  	s8 =	simm.s32 @!p0 $0x0;
	s9 =	simm.s32 @!p0 $0x3  }
0xe: {  	[tilespmem:s8], [sflag:$0x3] =	stream.linear.gather @!p0 [hbm4b:s7+s8], $0x80, $0x38;
	[tilespmem:$0x4080] =	vst v63  }
0xf: {  	_ =	swait.ge @!p0 [sflag:s9], $0x80  }
0x10: {  	[sflag:s9] =	ssyncset.done @!p0 $0x0;
	p0 =	por p0, p0  }
0x11: {  	[sflag:s9] =	ssyncadd.s32 @!p0 $0xFFFFFF80;
	s10 =	simm.s32 @!p0 $0x80;
	s11 =	simm.s32 @!p0 $0x1  }
0x12: {  	[tilespmem:s10], [sflag:$0x1] =	stream.indirect.gather @!p0 [hbm4b:s1+s10], $0x80, s8, s10, $0xb8;
	[tilespmem:$0x4080] =	vst v63  }
0x13: {  	_ =	swait.ge @!p0 [sflag:s11], $0x4000  }
0x14: {  	[sflag:s11] =	ssyncset.done @!p0 $0x0  }
0x15: {  	s31 =	sadd.s32 $0x20, s4;
	[sflag:s11] =	ssyncadd.s32 @!p0 $0xFFFFC000;
	s11 =	simm.s32 @!p0 $0x2  }
0x16: {  	[hbm4b:s6+s8] =	stream.linear.scatter @!p0 [tilespmem:s10], [sflag:$0x2], $0x4000, $0x38;
	[tilespmem:$0x4080] =	vst v63  }
0x17: {  	p1 =	sgt.u32 s31, $0x4E1;
	s9 =	simm.s32 $0x40;
	_ =	swait.ge @!p0 [sflag:s11], $0x4000  }
0x18: {  	s10 =	sadd.s32 $0x200, s7;
	s8 =	sadd.s32 $0x10000, s6;
	[sflag:s11] =	ssyncset.done @!p0 $0x0  }
.LBB2_2:
0x19: {  	s12 =	simm.s32 @!p1 $0x0;
	s13 =	simm.s32 @!p1 $0x3;
	[sflag:s11] =	ssyncadd.s32 @!p0 $0xFFFFC000  }
0x1a: {  	[tilespmem:s12], [sflag:$0x3] =	stream.linear.gather @!p1 [hbm4b:s10+s12], $0x80, $0x38;
	[tilespmem:$0x4080] =	vst v63  }
0x1b: {  	s14 =	smov.u32 s9;
	s9 =	sadd.s32 $0x20, s9;
	_ =	swait.ge @!p1 [sflag:s13], $0x80  }
0x1c: {  	p0 =	por p1, p1;
	p2 =	sne.s32 s9, $0x500;
	[sflag:s13] =	ssyncset.done @!p1 $0x0  }
0x1d: {  	s11 =	simm.s32 @!p0 $0x1;
	[sflag:s13] =	ssyncadd.s32 @!p0 $0xFFFFFF80;
	s13 =	simm.s32 @!p0 $0x80  }
0x1e: {  	[tilespmem:s13], [sflag:$0x1] =	stream.indirect.gather @!p0 [hbm4b:s1+s13], $0x80, s12, s13, $0xb8;
	[tilespmem:$0x4080] =	vst v63  }
0x1f: {  	_ =	swait.ge @!p0 [sflag:s11], $0x4000  }
.Ltmp0:
0x20: {  	[sflag:s11] =	ssyncset.done @!p0 $0x0;
	(pc) =	sbr.rel @p2 .LBB2_2-.Ltmp0, $4  }
0x21: {  	[sflag:s11] =	ssyncadd.s32 @!p0 $0xFFFFC000;
	s11 =	simm.s32 @!p0 $0x2  }
0x22: {  	[hbm4b:s8+s12] =	stream.linear.scatter @!p0 [tilespmem:s13], [sflag:$0x2], $0x4000, $0x38;
	[tilespmem:$0x4080] =	vst v63  }
0x23: {  	s10 =	sadd.s32 $0x200, s10;
	s12 =	sadd.s32 s14, s4;
	_ =	swait.ge @!p0 [sflag:s11], $0x4000  }
0x24: {  	s8 =	sadd.s32 $0x10000, s8;
	p1 =	sgt.u32 s12, $0x4E1;
	[sflag:s11] =	ssyncset.done @!p0 $0x0  }
0x25: {  	s9 =	simm.s32 @!p1 $0x0;
	s12 =	simm.s32 @!p1 $0x3;
	[sflag:s11] =	ssyncadd.s32 @!p0 $0xFFFFC000  }
0x26: {  	[tilespmem:s9], [sflag:$0x3] =	stream.linear.gather @!p1 [hbm4b:s10+s9], $0x80, $0x38;
	[tilespmem:$0x4080] =	vst v63  }
0x27: {  	_ =	swait.ge @!p1 [sflag:s12], $0x80  }
0x28: {  	p0 =	por p1, p1;
	[sflag:s12] =	ssyncset.done @!p1 $0x0  }
0x29: {  	s10 =	simm.s32 @!p0 $0x80;
	s11 =	simm.s32 @!p0 $0x1;
	[sflag:s12] =	ssyncadd.s32 @!p0 $0xFFFFFF80  }
0x2a: {  	[tilespmem:s10], [sflag:$0x1] =	stream.indirect.gather @!p0 [hbm4b:s1+s10], $0x80, s9, s10, $0xb8;
	[tilespmem:$0x4080] =	vst v63  }
0x2b: {  	s3 =	sadd.s32 $0x1, s3;
	_ =	swait.ge @!p0 [sflag:s11], $0x4000  }
0x2c: {  	p1 =	sne.s32 s3, s5;
	[sflag:s11] =	ssyncset.done @!p0 $0x0  }
.Ltmp1:
0x2d: {  	[sflag:s11] =	ssyncadd.s32 @!p0 $0xFFFFC000;
	s11 =	simm.s32 @!p0 $0x2;
	(pc) =	sbr.rel @p1 .LBB2_1-.Ltmp1, $4  }
0x2e: {  	[hbm4b:s8+s9] =	stream.linear.scatter @!p0 [tilespmem:s10], [sflag:$0x2], $0x4000, $0x38;
	[tilespmem:$0x4080] =	vst v63  }
0x2f: {  	_ =	swait.ge @!p0 [sflag:s11], $0x4000  }
0x30: {  	[sflag:s11] =	ssyncset.done @!p0 $0x0  }
0x31: {  	[sflag:s11] =	ssyncadd.s32 @!p0 $0xFFFFC000  }
0x32: {  	_ =	sfence.sel $0x180000  }
0x33: {  	[bflag:$0x0] =	sbarrier.arrive $0xFFFF  }
0x34: {  	p0 =	sne.s32 s2, $0x0;
	_ =	strace $0x90000050  }
0x35: {  	s0 =	sadd.s32 @!p0 $0x100000, s0;
	[bflag:$0x2] =	sbarrier.arrive $0xFFFF  }
0x36: {  	[sflag:s0] =	ssyncadd.tile.s32 @!p0 $0x1;
	_ =	shalt  }
.Lfunc_end2:
_tile_overlayer_lowered:
.L_overlay_start_2:
0x37: {  	(tag) =	ssettag $0x2  }
0x38: {  	s0 =	rddreg [dreg:$0x0];
	s2 =	stileid.u32  }
0x39: {  	s1 =	rddreg [dreg:$0x1];
	p0 =	sne.s32 s2, $0x0  }
0x3a: {  	s3 =	rddreg [dreg:$0x2];
	[bflag:$0x3] =	sbarrier.arrive $0xFFFF;
	s2 =	simm.s32 @!p0 $0x1C02  }
0x3b: {  	[timem:s3], [sflag:s2] =	dma.local @!p0 [hbm:s0], s1  }
0x3c: {  	s0 =	simm.s32 @!p0 $0x2  }
0x3d: {  	_ =	swait.ge @!p0 [sflag:s0], s1  }
0x3e: {  	s1 =	ssub.s32 @!p0 $0x0, s1;
	[sflag:s0] =	ssyncset.done @!p0 $0x0  }
0x3f: {  	[sflag:s0] =	ssyncadd.s32 @!p0 s1  }
0x40: {  	[bflag:$0x3] =	sbarrier.arrive $0xFFFF  }
0x41: {  	_ =	shalt  }

</sc_bundles>
